<compile_context>
chip_gen: v7x
topology: tpu7x:2x2x1
jax: 0.10.2.dev20260603
libtpu: 0.0.44.dev20260713+nightly
codegen_flags: <defaults>
</compile_context>

<pallas_src>
import functools

import jax
import jax.numpy as jnp
from jax import lax
from jax.experimental import pallas as pl
from jax.experimental.pallas import tpu as pltpu
from jax.experimental.pallas import tpu_sc as plsc

N = 10000
E = 320000
B = 1024
D = 128
MD = 32
R = 2

NC = 2
NS = 16
L = 16
CH = 128
NCHUNK = 158
NPAIR = NCHUNK // 2
EPT = NCHUNK * CH
EPAD = EPT * NS
NPAD = 10240
TRASH = N
BPT = B // NS
NPT = NPAD // NS


def _ln_act(h, g, b):
    mu = h.mean(-1, keepdims=True)
    var = ((h - mu) * (h - mu)).mean(-1, keepdims=True)
    h = (h - mu) * jax.lax.rsqrt(var + 1e-5) * g + b
    return jnp.where(h >= 0, h, 0.01 * h)



_BR = 400


def _enc_body(cat, num, post, des,
              cat_W, cat_b, cat_g, cat_bt,
              num_W, num_b, num_g, num_bt,
              post_W, post_b, post_g, post_bt,
              des_W, des_b, des_g, des_bt,
              init_W, init_b, init_g, init_bt,
              out):
    f32 = jnp.float32
    h_cat = _ln_act(jnp.dot(cat[...], cat_W[...], preferred_element_type=f32)
                    + cat_b[...], cat_g[...], cat_bt[...])
    h_num = _ln_act(jnp.dot(num[...], num_W[...], preferred_element_type=f32)
                    + num_b[...], num_g[...], num_bt[...])
    h_post = _ln_act(jnp.dot(post[...], post_W[...], preferred_element_type=f32)
                     + post_b[...], post_g[...], post_bt[...])
    h_des = _ln_act(jnp.dot(des[...], des_W[...], preferred_element_type=f32)
                    + des_b[...], des_g[...], des_bt[...])
    xcat = jnp.concatenate([h_cat, h_num, h_post, h_des], axis=1)
    out[...] = _ln_act(jnp.dot(xcat, init_W[...], preferred_element_type=f32)
                       + init_b[...], init_g[...], init_bt[...])


def _encode(p, cat, num, post, des):
    row = lambda s: pl.BlockSpec((_BR, s), lambda i: (i, 0))
    full2 = lambda a: pl.BlockSpec(a.shape, lambda i: (0,) * a.ndim)
    weights = [p['cat_W'], p['cat_b'], p['cat_g'], p['cat_beta'],
               p['num_W'], p['num_b'], p['num_g'], p['num_beta'],
               p['post_W'], p['post_b'], p['post_g'], p['post_beta'],
               p['des_W'], p['des_b'], p['des_g'], p['des_beta'],
               p['init_W'], p['init_b'], p['init_g'], p['init_beta']]
    return pl.pallas_call(
        _enc_body,
        grid=(N // _BR,),
        in_specs=[row(3), row(5), row(768), row(768)] + [full2(w) for w in weights],
        out_specs=pl.BlockSpec((_BR, D), lambda i: (i, 0)),
        out_shape=jax.ShapeDtypeStruct((N, D), jnp.float32),
    )(cat, num, post, des, *weights)



def _sc_body(x_hbm, eblk_hbm, nidx_hbm,
             g0_hbm, g1_hbm, xg_hbm,
             a0_hbm, a1_hbm, n0_hbm, n1_hbm,
             acc, eb0, eb1, dp0, dp1, rows0, rows1, niv, semg, sems):
    r = lax.axis_index("c")
    s = lax.axis_index("s")
    zv = jnp.zeros((L,), jnp.float32)
    onev = jnp.where(lax.iota(jnp.int32, L) == 0, 1.0, 0.0).astype(jnp.float32)
    ebs = (eb0, eb1)
    dps = (dp0, dp1)
    rws = (rows0, rows1)
    cb = s * NCHUNK
    nbase = s * NPT

    def comp_dst(ebb, dpb):
        for j in range(CH // L):
            d16 = ebb[1, pl.ds(j * L, L)]
            t16 = ebb[2, pl.ds(j * L, L)]
            dpb[0, pl.ds(j * L, L)] = jnp.where(t16 == r, d16, TRASH)

    def drain(sem, dst):
        pltpu.make_async_copy(x_hbm.at[pl.ds(0, CH)], dst, sem).wait()

    def init_zero(i, _):
        for j in range(D // L):
            rows0[i, pl.ds(j * L, L)] = zv
        return _
    lax.fori_loop(0, CH, init_zero, None)

    def zero_blk(k, _):
        pltpu.sync_copy(rows0, acc.at[pl.ds(nbase + k * CH, CH)])
        return _
    lax.fori_loop(0, NPT // CH, zero_blk, None)
    plsc.subcore_barrier()

    pltpu.sync_copy(eblk_hbm.at[cb], eb0)
    pltpu.async_copy(x_hbm.at[eb0.at[0]], rows0, semg)

    def pair1(g, _):
        for b in range(2):
            it = 2 * g + b
            ebb, ebn = ebs[b], ebs[1 - b]
            rwb, rwn = rws[b], rws[1 - b]
            drain(semg, rwb)

            @pl.when(it + 1 < NCHUNK)
            def _():
                pltpu.sync_copy(eblk_hbm.at[cb + it + 1], ebn)
            comp_dst(ebb, dps[b])

            @pl.when(it >= 1)
            def _():
                drain(sems, rwn)

            @pl.when(it + 1 < NCHUNK)
            def _():
                pltpu.async_copy(x_hbm.at[ebn.at[0]], rwn, semg)
            pltpu.async_copy(rwb, acc.at[dps[b].at[0]], sems, add=True)
        return _
    lax.fori_loop(0, NPAIR, pair1, None)
    drain(sems, rows1)
    plsc.subcore_barrier()

    @pl.when(r == 0)
    def _():
        pltpu.sync_copy(acc.at[pl.ds(nbase, NPT)], a0_hbm.at[pl.ds(nbase, NPT)])

    @pl.when(r == 1)
    def _():
        pltpu.sync_copy(acc.at[pl.ds(nbase, NPT)], a1_hbm.at[pl.ds(nbase, NPT)])
    plsc.subcore_barrier()

    def init_zero2(i, _):
        for j in range(D // L):
            rows0[i, pl.ds(j * L, L)] = zv
        return _
    lax.fori_loop(0, CH, init_zero2, None)

    def zero_blk2(k, _):
        pltpu.sync_copy(rows0, acc.at[pl.ds(nbase + k * CH, CH)])
        return _
    lax.fori_loop(0, NPT // CH, zero_blk2, None)

    def init_cntrow(i, _):
        rows0[i, pl.ds(0, L)] = onev
        return _
    lax.fori_loop(0, CH, init_cntrow, None)
    plsc.subcore_barrier()

    pltpu.sync_copy(eblk_hbm.at[cb], eb0)
    comp_dst(eb0, dp0)

    def pair2(g, _):
        for b in range(2):
            it = 2 * g + b

            @pl.when(it >= 1)
            def _():
                drain(sems, rows1)

            pltpu.async_copy(rows0, acc.at[dps[b].at[0]], sems, add=True)

            @pl.when(it + 1 < NCHUNK)
            def _():
                pltpu.sync_copy(eblk_hbm.at[cb + it + 1], ebs[1 - b])
                comp_dst(ebs[1 - b], dps[1 - b])
        return _
    lax.fori_loop(0, NPAIR, pair2, None)
    drain(sems, rows1)
    plsc.subcore_barrier()

    @pl.when(r == 0)
    def _():
        pltpu.sync_copy(acc.at[pl.ds(nbase, NPT)], n0_hbm.at[pl.ds(nbase, NPT)])

    @pl.when(r == 1)
    def _():
        pltpu.sync_copy(acc.at[pl.ds(nbase, NPT)], n1_hbm.at[pl.ds(nbase, NPT)])
    plsc.subcore_barrier()

    nb = s * BPT
    gstage = rows1.at[pl.ds(0, BPT)]
    pltpu.sync_copy(nidx_hbm.at[pl.ds(nb, BPT)], niv)

    @pl.when(r == 0)
    def _():
        pltpu.async_copy(a0_hbm.at[niv], gstage, semg).wait()
        pltpu.sync_copy(gstage, g0_hbm.at[pl.ds(nb, BPT)])
        pltpu.async_copy(x_hbm.at[niv], gstage, semg).wait()
        pltpu.sync_copy(gstage, xg_hbm.at[pl.ds(nb, BPT)])

    @pl.when(r == 1)
    def _():
        pltpu.async_copy(a1_hbm.at[niv], gstage, semg).wait()
        pltpu.sync_copy(gstage, g1_hbm.at[pl.ds(nb, BPT)])


_sc_call = pl.kernel(
    _sc_body,
    out_type=[jax.ShapeDtypeStruct((B, D), jnp.float32),
              jax.ShapeDtypeStruct((B, D), jnp.float32),
              jax.ShapeDtypeStruct((B, D), jnp.float32),
              jax.ShapeDtypeStruct((NPAD, D), jnp.float32),
              jax.ShapeDtypeStruct((NPAD, D), jnp.float32),
              jax.ShapeDtypeStruct((NPAD, D), jnp.float32),
              jax.ShapeDtypeStruct((NPAD, D), jnp.float32)],
    mesh=plsc.VectorSubcoreMesh(core_axis_name="c", subcore_axis_name="s",
                                num_cores=NC, num_subcores=NS),
    scratch_types=[
        pltpu.VMEM_SHARED((NPAD, D), jnp.float32),
        pltpu.VMEM((3, CH), jnp.int32),
        pltpu.VMEM((3, CH), jnp.int32),
        pltpu.VMEM((1, CH), jnp.int32),
        pltpu.VMEM((1, CH), jnp.int32),
        pltpu.VMEM((CH, D), jnp.float32),
        pltpu.VMEM((CH, D), jnp.float32),
        pltpu.VMEM((BPT,), jnp.int32),
        pltpu.SemaphoreType.DMA,
        pltpu.SemaphoreType.DMA,
    ],
)



def _head_body(xg, g0, g1, c0, c1, comp, b0, b1, root, rbias,
               o_W, o_b, o_g, o_bt, m1_W, m1_b, m1_g, m1_bt,
               m2_W, m2_b, m2_g, m2_bt, m3_W, m3_b,
               c1_W, c1_b, c1_g, c1_bt, c2_W, c2_b,
               expert_out, bot_out):
    f32 = jnp.float32
    dot = lambda a, b: jnp.dot(a, b, preferred_element_type=f32)
    W0 = comp[0:1, 0:1] * b0[...] + comp[0:1, 1:2] * b1[...]
    W1 = comp[1:2, 0:1] * b0[...] + comp[1:2, 1:2] * b1[...]
    m0 = g0[...] / jnp.maximum(c0[...], 1.0)
    m1 = g1[...] / jnp.maximum(c1[...], 1.0)
    out = dot(xg[...], root[...]) + rbias[...] + dot(m0, W0) + dot(m1, W1)
    x2 = _ln_act(dot(out, o_W[...]) + o_b[...], o_g[...], o_bt[...])
    h = _ln_act(dot(x2, m1_W[...]) + m1_b[...], m1_g[...], m1_bt[...])
    h = _ln_act(dot(h, m2_W[...]) + m2_b[...], m2_g[...], m2_bt[...])
    expert = dot(h, m3_W[...]) + m3_b[...]
    hc = _ln_act(dot(expert, c1_W[...]) + c1_b[...], c1_g[...], c1_bt[...])
    bot = jax.nn.sigmoid(dot(hc, c2_W[...]) + c2_b[...])
    expert_out[...] = expert
    bot_out[...] = bot


def _head(p, xg, g0, g1, c0, c1):
    args = [xg, g0, g1, c0, c1,
            p['comp'], p['basis'][0], p['basis'][1], p['root'], p['rbias'],
            p['out1_W'], p['out1_b'], p['out1_g'], p['out1_beta'],
            p['m1_W'], p['m1_b'], p['m1_g'], p['m1_beta'],
            p['m2_W'], p['m2_b'], p['m2_g'], p['m2_beta'],
            p['m3_W'], p['m3_b'],
            p['c1_W'], p['c1_b'], p['c1_g'], p['c1_beta'],
            p['c2_W'], p['c2_b']]
    return pl.pallas_call(
        _head_body,
        out_shape=[jax.ShapeDtypeStruct((B, 64), jnp.float32),
                   jax.ShapeDtypeStruct((B, 1), jnp.float32)],
    )(*args)



def kernel(params, cat_features, num_features, post_features, des_features,
           node_indices, edge_index, edge_type):
    x = _encode(params, cat_features, num_features, post_features, des_features)

    pad = EPAD - E
    i32 = jnp.int32
    src_p = jnp.concatenate([edge_index[0].astype(i32), jnp.zeros((pad,), i32)])
    dst_p = jnp.concatenate([edge_index[1].astype(i32), jnp.zeros((pad,), i32)])
    et_p = jnp.concatenate([edge_type.astype(i32), jnp.full((pad,), R, i32)])
    eblk = jnp.stack([src_p, dst_p, et_p]).reshape(
        3, NS * NCHUNK, CH).transpose(1, 0, 2)

    g0, g1, xg, _a0, _a1, n0, n1 = _sc_call(
        x, eblk, node_indices.astype(i32))
    c0 = n0[node_indices, 0:1]
    c1 = n1[node_indices, 0:1]
    return _head(params, xg, g0, g1, c0, c1)

# --- scband reference (transcript-rebuilt; emitter-appended) ---
"""Pipeline reference for scband-graph-expert-32847909880291 (READ-ONLY COPY).

The authoritative reference and input builder live on the scoring server;
editing this copy changes nothing except your own understanding.
"""

import jax, jax.numpy as jnp
import numpy as np

N = 10000
E = 320000
B = 1024
D = 128
MD = 32
R = 2


def setup_inputs(seed: int = 0) -> dict:
    key = jax.random.key(seed)
    keys = jax.random.split(key, 64)
    _i = [0]

    def nxt():
        k = keys[_i[0]]
        _i[0] += 1
        return k

    def nrm(shape, scale=0.05):
        return jax.random.normal(nxt(), shape, dtype=jnp.float32) * scale

    params = {
        'cat_W': nrm((3, MD)), 'cat_b': jnp.zeros((MD,), jnp.float32), 'cat_g': jnp.ones((MD,), jnp.float32), 'cat_beta': jnp.zeros((MD,), jnp.float32),
        'num_W': nrm((5, MD)), 'num_b': jnp.zeros((MD,), jnp.float32), 'num_g': jnp.ones((MD,), jnp.float32), 'num_beta': jnp.zeros((MD,), jnp.float32),
        'post_W': nrm((768, MD)), 'post_b': jnp.zeros((MD,), jnp.float32), 'post_g': jnp.ones((MD,), jnp.float32), 'post_beta': jnp.zeros((MD,), jnp.float32),
        'des_W': nrm((768, MD)), 'des_b': jnp.zeros((MD,), jnp.float32), 'des_g': jnp.ones((MD,), jnp.float32), 'des_beta': jnp.zeros((MD,), jnp.float32),
        'init_W': nrm((D, D)), 'init_b': jnp.zeros((D,), jnp.float32), 'init_g': jnp.ones((D,), jnp.float32), 'init_beta': jnp.zeros((D,), jnp.float32),
        'comp': nrm((R, R), 0.5), 'basis': nrm((R, D, D)), 'root': nrm((D, D)), 'rbias': jnp.zeros((D,), jnp.float32),
        'out1_W': nrm((D, D)), 'out1_b': jnp.zeros((D,), jnp.float32), 'out1_g': jnp.ones((D,), jnp.float32), 'out1_beta': jnp.zeros((D,), jnp.float32),
        'm1_W': nrm((D, 128)), 'm1_b': jnp.zeros((128,), jnp.float32), 'm1_g': jnp.ones((128,), jnp.float32), 'm1_beta': jnp.zeros((128,), jnp.float32),
        'm2_W': nrm((128, 64)), 'm2_b': jnp.zeros((64,), jnp.float32), 'm2_g': jnp.ones((64,), jnp.float32), 'm2_beta': jnp.zeros((64,), jnp.float32),
        'm3_W': nrm((64, 64)), 'm3_b': jnp.zeros((64,), jnp.float32),
        'c1_W': nrm((64, 32)), 'c1_b': jnp.zeros((32,), jnp.float32), 'c1_g': jnp.ones((32,), jnp.float32), 'c1_beta': jnp.zeros((32,), jnp.float32),
        'c2_W': nrm((32, 1)), 'c2_b': jnp.zeros((1,), jnp.float32),
    }
    cat_features = jax.random.normal(nxt(), (N, 3), dtype=jnp.float32)
    num_features = jax.random.normal(nxt(), (N, 5), dtype=jnp.float32)
    post_features = jax.random.normal(nxt(), (N, 768), dtype=jnp.float32)
    des_features = jax.random.normal(nxt(), (N, 768), dtype=jnp.float32)
    node_indices = jax.random.randint(nxt(), (B,), 0, N)
    edge_index = jax.random.randint(nxt(), (2, E), 0, N)
    edge_type = jax.random.randint(nxt(), (E,), 0, R)
    return {'params': params, 'cat_features': cat_features, 'num_features': num_features,
            'post_features': post_features, 'des_features': des_features,
            'node_indices': node_indices, 'edge_index': edge_index, 'edge_type': edge_type}


def _ln_lrelu(h, g, b):
    mu = h.mean(-1, keepdims=True)
    var = h.var(-1, keepdims=True)
    h = (h - mu) / jnp.sqrt(var + 1e-5) * g + b
    return jax.nn.leaky_relu(h, 0.01)


def reference(params, cat_features, num_features, post_features, des_features, node_indices, edge_index, edge_type):
    p = params
    h_cat = _ln_lrelu(cat_features @ p['cat_W'] + p['cat_b'], p['cat_g'], p['cat_beta'])
    h_num = _ln_lrelu(num_features @ p['num_W'] + p['num_b'], p['num_g'], p['num_beta'])
    h_post = _ln_lrelu(post_features @ p['post_W'] + p['post_b'], p['post_g'], p['post_beta'])
    h_des = _ln_lrelu(des_features @ p['des_W'] + p['des_b'], p['des_g'], p['des_beta'])
    x = jnp.concatenate([h_cat, h_num, h_post, h_des], axis=1)
    x = _ln_lrelu(x @ p['init_W'] + p['init_b'], p['init_g'], p['init_beta'])
    # RGCN with basis decomposition, mean aggregation per relation
    W = jnp.einsum('rb,bio->rio', p['comp'], p['basis'])
    src, dst = edge_index[0], edge_index[1]
    out = x @ p['root'] + p['rbias']
    xs = x[src]
    for r in range(R):
        mask = (edge_type == r).astype(x.dtype)
        msg = (xs @ W[r]) * mask[:, None]
        s = jax.ops.segment_sum(msg, dst, num_segments=N)
        c = jax.ops.segment_sum(mask, dst, num_segments=N)
        out = out + s / jnp.maximum(c, 1.0)[:, None]
    x = _ln_lrelu(out @ p['out1_W'] + p['out1_b'], p['out1_g'], p['out1_beta'])
    bx = x[node_indices]
    h = _ln_lrelu(bx @ p['m1_W'] + p['m1_b'], p['m1_g'], p['m1_beta'])
    h = _ln_lrelu(h @ p['m2_W'] + p['m2_b'], p['m2_g'], p['m2_beta'])
    expert_repr = h @ p['m3_W'] + p['m3_b']
    hc = _ln_lrelu(expert_repr @ p['c1_W'] + p['c1_b'], p['c1_g'], p['c1_beta'])
    bot_prob = jax.nn.sigmoid(hc @ p['c2_W'] + p['c2_b'])
    return (expert_repr, bot_prob)

if __name__ == "__main__":
    import jax
    _d = setup_inputs()
    print(jax.jit(kernel)(*tuple(_d.values())))

</pallas_src>

<mosaic_0001>
#map = affine_map<(d0, d1) -> (0, 0)>
#map1 = affine_map<(d0, d1) -> (0, 0, 0)>
#map2 = affine_map<(d0, d1) -> (0)>
module attributes {stable_mosaic.version = 14 : i64} {
  func.func @_sc_body(%arg0: i32, %arg1: i32, %arg2: memref<10000x128xf32, #tpu.memory_space<hbm>>, %arg3: memref<2528x3x128xi32, #tpu.memory_space<hbm>>, %arg4: memref<1024xi32, #tpu.memory_space<hbm>>, %arg5: memref<1024x128xf32, #tpu.memory_space<hbm>>, %arg6: memref<1024x128xf32, #tpu.memory_space<hbm>>, %arg7: memref<1024x128xf32, #tpu.memory_space<hbm>>, %arg8: memref<10240x128xf32, #tpu.memory_space<hbm>>, %arg9: memref<10240x128xf32, #tpu.memory_space<hbm>>, %arg10: memref<10240x128xf32, #tpu.memory_space<hbm>>, %arg11: memref<10240x128xf32, #tpu.memory_space<hbm>>, %arg12: memref<10240x128xf32, #tpu.memory_space<vmem_shared>>, %arg13: memref<3x128xi32, #tpu.memory_space<vmem>>, %arg14: memref<3x128xi32, #tpu.memory_space<vmem>>, %arg15: memref<1x128xi32, #tpu.memory_space<vmem>>, %arg16: memref<1x128xi32, #tpu.memory_space<vmem>>, %arg17: memref<128x128xf32, #tpu.memory_space<vmem>>, %arg18: memref<128x128xf32, #tpu.memory_space<vmem>>, %arg19: memref<64xi32, #tpu.memory_space<vmem>>, %arg20: memref<!tpu.dma_semaphore, #tpu.memory_space<semaphore_mem>>, %arg21: memref<!tpu.dma_semaphore, #tpu.memory_space<semaphore_mem>>) attributes {dimension_semantics = [#tpu.dimension_semantics<core_parallel>, #tpu.dimension_semantics<subcore_parallel>], iteration_bounds = array<i64: 2, 16>, scalar_prefetch = 0 : i64, scratch_operands = 10 : i64, tpu.core_type = #tpu.core_type<sc_vector_subcore>, window_params = [{transform_indices = #map}, {transform_indices = #map1}, {transform_indices = #map2}, {transform_indices = #map}, {transform_indices = #map}, {transform_indices = #map}, {transform_indices = #map}, {transform_indices = #map}, {transform_indices = #map}, {transform_indices = #map}]} {
    %broadcast_in_dim3A = arith.constant 0.000000e+00 : f32
    %broadcast_in_dim3A_0 = vector.broadcast %broadcast_in_dim3A : f32 to vector<16xf32>
    %iota3A = tpu.iota {dimensions = array<i32: 0>} : vector<16xi32>
    %eq3A = arith.constant 0 : i32
    %eq3A_1 = vector.broadcast %eq3A : i32 to vector<16xi32>
    %eq3A_2 = arith.cmpi eq, %iota3A, %eq3A_1 : vector<16xi32>
    %jit3A = arith.constant 1.000000e+00 : f32
    %jit3A_3 = arith.constant 0.000000e+00 : f32
    %broadcast_in_dim3A_4 = vector.broadcast %jit3A : f32 to vector<16xf32>
    %broadcast_in_dim3A_5 = vector.broadcast %jit3A_3 : f32 to vector<16xf32>
    %select_n3A = arith.select %eq3A_2, %broadcast_in_dim3A_4, %broadcast_in_dim3A_5 : vector<16xi1>, vector<16xf32>
    %mul3A = arith.constant 158 : i32
    %mul3A_6 = arith.muli %arg1, %mul3A : i32
    %mul3A_7 = arith.constant 640 : i32
    %mul3A_8 = arith.muli %arg1, %mul3A_7 : i32
    %scan3A = arith.constant 0 : i32
    %scan3A_9 = arith.constant 128 : i32
    %scan3A_10 = arith.addi %scan3A, %scan3A_9 : i32
    %scan3A_11 = arith.constant 1 : i32
    scf.for %scan3A_261 = %scan3A to %scan3A_10 step %scan3A_11  : i32 {
      %swap3A_262 = arith.index_cast %scan3A_261 : i32 to index
      %swap3A_263 = arith.constant 0 : index
      %swap3A_264 = tpu.vector_load %arg17[%swap3A_262, %swap3A_263] {strides = array<i32>} : memref<128x128xf32, #tpu.memory_space<vmem>>, vector<1x16xf32>,
      %swap3A_265 = vector.shape_cast %swap3A_264 : vector<1x16xf32> to vector<16xf32>
      %swap3A_266 = vector.shape_cast %broadcast_in_dim3A_0 : vector<16xf32> to vector<1x16xf32>
      tpu.vector_store %arg17[%swap3A_262, %swap3A_263], %swap3A_266 {strides = array<i32>} : memref<128x128xf32, #tpu.memory_space<vmem>>, vector<1x16xf32>,
      %swap3A_267 = arith.index_cast %scan3A_261 : i32 to index
      %swap3A_268 = arith.constant 16 : index
      %swap3A_269 = tpu.vector_load %arg17[%swap3A_267, %swap3A_268] {strides = array<i32>} : memref<128x128xf32, #tpu.memory_space<vmem>>, vector<1x16xf32>,
      %swap3A_270 = vector.shape_cast %swap3A_269 : vector<1x16xf32> to vector<16xf32>
      %swap3A_271 = vector.shape_cast %broadcast_in_dim3A_0 : vector<16xf32> to vector<1x16xf32>
      tpu.vector_store %arg17[%swap3A_267, %swap3A_268], %swap3A_271 {strides = array<i32>} : memref<128x128xf32, #tpu.memory_space<vmem>>, vector<1x16xf32>,
      %swap3A_272 = arith.index_cast %scan3A_261 : i32 to index
      %swap3A_273 = arith.constant 32 : index
      %swap3A_274 = tpu.vector_load %arg17[%swap3A_272, %swap3A_273] {strides = array<i32>} : memref<128x128xf32, #tpu.memory_space<vmem>>, vector<1x16xf32>,
      %swap3A_275 = vector.shape_cast %swap3A_274 : vector<1x16xf32> to vector<16xf32>
      %swap3A_276 = vector.shape_cast %broadcast_in_dim3A_0 : vector<16xf32> to vector<1x16xf32>
      tpu.vector_store %arg17[%swap3A_272, %swap3A_273], %swap3A_276 {strides = array<i32>} : memref<128x128xf32, #tpu.memory_space<vmem>>, vector<1x16xf32>,
      %swap3A_277 = arith.index_cast %scan3A_261 : i32 to index
      %swap3A_278 = arith.constant 48 : index
      %swap3A_279 = tpu.vector_load %arg17[%swap3A_277, %swap3A_278] {strides = array<i32>} : memref<128x128xf32, #tpu.memory_space<vmem>>, vector<1x16xf32>,
      %swap3A_280 = vector.shape_cast %swap3A_279 : vector<1x16xf32> to vector<16xf32>
      %swap3A_281 = vector.shape_cast %broadcast_in_dim3A_0 : vector<16xf32> to vector<1x16xf32>
      tpu.vector_store %arg17[%swap3A_277, %swap3A_278], %swap3A_281 {strides = array<i32>} : memref<128x128xf32, #tpu.memory_space<vmem>>, vector<1x16xf32>,
      %swap3A_282 = arith.index_cast %scan3A_261 : i32 to index
      %swap3A_283 = arith.constant 64 : index
      %swap3A_284 = tpu.vector_load %arg17[%swap3A_282, %swap3A_283] {strides = array<i32>} : memref<128x128xf32, #tpu.memory_space<vmem>>, vector<1x16xf32>,
      %swap3A_285 = vector.shape_cast %swap3A_284 : vector<1x16xf32> to vector<16xf32>
      %swap3A_286 = vector.shape_cast %broadcast_in_dim3A_0 : vector<16xf32> to vector<1x16xf32>
      tpu.vector_store %arg17[%swap3A_282, %swap3A_283], %swap3A_286 {strides = array<i32>} : memref<128x128xf32, #tpu.memory_space<vmem>>, vector<1x16xf32>,
      %swap3A_287 = arith.index_cast %scan3A_261 : i32 to index
      %swap3A_288 = arith.constant 80 : index
      %swap3A_289 = tpu.vector_load %arg17[%swap3A_287, %swap3A_288] {strides = array<i32>} : memref<128x128xf32, #tpu.memory_space<vmem>>, vector<1x16xf32>,
      %swap3A_290 = vector.shape_cast %swap3A_289 : vector<1x16xf32> to vector<16xf32>
      %swap3A_291 = vector.shape_cast %broadcast_in_dim3A_0 : vector<16xf32> to vector<1x16xf32>
      tpu.vector_store %arg17[%swap3A_287, %swap3A_288], %swap3A_291 {strides = array<i32>} : memref<128x128xf32, #tpu.memory_space<vmem>>, vector<1x16xf32>,
      %swap3A_292 = arith.index_cast %scan3A_261 : i32 to index
      %swap3A_293 = arith.constant 96 : index
      %swap3A_294 = tpu.vector_load %arg17[%swap3A_292, %swap3A_293] {strides = array<i32>} : memref<128x128xf32, #tpu.memory_space<vmem>>, vector<1x16xf32>,
      %swap3A_295 = vector.shape_cast %swap3A_294 : vector<1x16xf32> to vector<16xf32>
      %swap3A_296 = vector.shape_cast %broadcast_in_dim3A_0 : vector<16xf32> to vector<1x16xf32>
      tpu.vector_store %arg17[%swap3A_292, %swap3A_293], %swap3A_296 {strides = array<i32>} : memref<128x128xf32, #tpu.memory_space<vmem>>, vector<1x16xf32>,
      %swap3A_297 = arith.index_cast %scan3A_261 : i32 to index
      %swap3A_298 = arith.constant 112 : index
      %swap3A_299 = tpu.vector_load %arg17[%swap3A_297, %swap3A_298] {strides = array<i32>} : memref<128x128xf32, #tpu.memory_space<vmem>>, vector<1x16xf32>,
      %swap3A_300 = vector.shape_cast %swap3A_299 : vector<1x16xf32> to vector<16xf32>
      %swap3A_301 = vector.shape_cast %broadcast_in_dim3A_0 : vector<16xf32> to vector<1x16xf32>
      tpu.vector_store %arg17[%swap3A_297, %swap3A_298], %swap3A_301 {strides = array<i32>} : memref<128x128xf32, #tpu.memory_space<vmem>>, vector<1x16xf32>,
    }
    %scan3A_12 = arith.constant 128 : i32
    %scan3A_13 = arith.constant 0 : i32
    %scan3A_14 = arith.constant 5 : i32
    %scan3A_15 = arith.addi %scan3A_13, %scan3A_14 : i32
    %scan3A_16 = arith.constant 1 : i32
    scf.for %scan3A_261 = %scan3A_13 to %scan3A_15 step %scan3A_16  : i32 {
      %mul3A_262 = arith.constant 128 : i32
      %mul3A_263 = arith.muli %scan3A_261, %mul3A_262 : i32
      %add3A = arith.addi %mul3A_8, %mul3A_263 : i32
      "tpu.region"() ({
        %run_scoped3A = tpu.sem_alloc : memref<!tpu.dma_semaphore, #tpu.memory_space<semaphore_mem>>
        %dma_start3A_264 = arith.constant 0 : i32
        %dma_start3A_265 = tpu.memref_slice %arg12[%add3A, %dma_start3A_264] : memref<10240x128xf32, #tpu.memory_space<vmem_shared>> -> memref<128x128xf32, #tpu.memory_space<vmem_shared>>
        %dma_start3A_266 = arith.constant 0 : i32
        %dma_start3A_267 = tpu.memref_slice %arg12[%add3A, %dma_start3A_266] : memref<10240x128xf32, #tpu.memory_space<vmem_shared>> -> memref<128x128xf32, #tpu.memory_space<vmem_shared>>
        tpu.enqueue_dma source(%arg17 : memref<128x128xf32, #tpu.memory_space<vmem>>) target(%dma_start3A_267 : memref<128x128xf32, #tpu.memory_space<vmem_shared>>) target_semaphore(%run_scoped3A : memref<!tpu.dma_semaphore, #tpu.memory_space<semaphore_mem>>)
        %dma_wait3A_268 = arith.constant 0 : i32
        %dma_wait3A_269 = tpu.memref_slice %arg12[%add3A, %dma_wait3A_268] : memref<10240x128xf32, #tpu.memory_space<vmem_shared>> -> memref<128x128xf32, #tpu.memory_space<vmem_shared>>
        %dma_wait3A_270 = arith.constant 0 : i32
        %dma_wait3A_271 = tpu.memref_slice %arg12[%add3A, %dma_wait3A_270] : memref<10240x128xf32, #tpu.memory_space<vmem_shared>> -> memref<128x128xf32, #tpu.memory_space<vmem_shared>>
        tpu.wait_dma2 semaphore(%run_scoped3A : memref<!tpu.dma_semaphore, #tpu.memory_space<semaphore_mem>>) src(%arg17 : memref<128x128xf32, #tpu.memory_space<vmem>>) dst(%dma_wait3A_271 : memref<128x128xf32, #tpu.memory_space<vmem_shared>>)
        tpu.yield
      }) : () -> ()
    }
    %scan3A_17 = arith.constant 5 : i32
    %barrier3A = arith.constant 0 : index
    tpu.barrier barrier_id(%barrier3A)
    "tpu.region"() ({
      %run_scoped3A = tpu.sem_alloc : memref<!tpu.dma_semaphore, #tpu.memory_space<semaphore_mem>>
      %dma_start3A_261 = arith.constant 0 : i32
      %dma_start3A_262 = arith.constant 0 : i32
      %dma_start3A_263 = tpu.memref_slice %arg3[%mul3A_6, %dma_start3A_261, %dma_start3A_262] : memref<2528x3x128xi32, #tpu.memory_space<hbm>> -> memref<1x3x128xi32, #tpu.memory_space<hbm>>
      %dma_start3A_264 = tpu.memref_squeeze %dma_start3A_263 : memref<1x3x128xi32, #tpu.memory_space<hbm>> -> memref<3x128xi32, #tpu.memory_space<hbm>>
      %dma_start3A_265 = arith.constant 0 : i32
      %dma_start3A_266 = arith.constant 0 : i32
      %dma_start3A_267 = tpu.memref_slice %arg3[%mul3A_6, %dma_start3A_265, %dma_start3A_266] : memref<2528x3x128xi32, #tpu.memory_space<hbm>> -> memref<1x3x128xi32, #tpu.memory_space<hbm>>
      %dma_start3A_268 = tpu.memref_squeeze %dma_start3A_267 : memref<1x3x128xi32, #tpu.memory_space<hbm>> -> memref<3x128xi32, #tpu.memory_space<hbm>>
      tpu.enqueue_dma source(%dma_start3A_268 : memref<3x128xi32, #tpu.memory_space<hbm>>) target(%arg13 : memref<3x128xi32, #tpu.memory_space<vmem>>) target_semaphore(%run_scoped3A : memref<!tpu.dma_semaphore, #tpu.memory_space<semaphore_mem>>)
      %dma_wait3A_269 = arith.constant 0 : i32
      %dma_wait3A_270 = arith.constant 0 : i32
      %dma_wait3A_271 = tpu.memref_slice %arg3[%mul3A_6, %dma_wait3A_269, %dma_wait3A_270] : memref<2528x3x128xi32, #tpu.memory_space<hbm>> -> memref<1x3x128xi32, #tpu.memory_space<hbm>>
      %dma_wait3A_272 = tpu.memref_squeeze %dma_wait3A_271 : memref<1x3x128xi32, #tpu.memory_space<hbm>> -> memref<3x128xi32, #tpu.memory_space<hbm>>
      %dma_wait3A_273 = arith.constant 0 : i32
      %dma_wait3A_274 = arith.constant 0 : i32
      %dma_wait3A_275 = tpu.memref_slice %arg3[%mul3A_6, %dma_wait3A_273, %dma_wait3A_274] : memref<2528x3x128xi32, #tpu.memory_space<hbm>> -> memref<1x3x128xi32, #tpu.memory_space<hbm>>
      %dma_wait3A_276 = tpu.memref_squeeze %dma_wait3A_275 : memref<1x3x128xi32, #tpu.memory_space<hbm>> -> memref<3x128xi32, #tpu.memory_space<hbm>>
      tpu.wait_dma2 semaphore(%run_scoped3A : memref<!tpu.dma_semaphore, #tpu.memory_space<semaphore_mem>>) src(%dma_wait3A_276 : memref<3x128xi32, #tpu.memory_space<hbm>>) dst(%arg13 : memref<3x128xi32, #tpu.memory_space<vmem>>)
      tpu.yield
    }) : () -> ()
    %dma_start3A = arith.constant 0 : i32
    %dma_start3A_18 = arith.constant 0 : i32
    %dma_start3A_19 = tpu.memref_slice %arg13[%dma_start3A, %dma_start3A_18] : memref<3x128xi32, #tpu.memory_space<vmem>> -> memref<1x128xi32, #tpu.memory_space<vmem>>
    %dma_start3A_20 = tpu.memref_squeeze %dma_start3A_19 : memref<1x128xi32, #tpu.memory_space<vmem>> -> memref<128xi32, #tpu.memory_space<vmem>>
    %dma_start3A_21 = arith.constant 0 : i32
    %dma_start3A_22 = arith.constant 0 : i32
    %dma_start3A_23 = tpu.memref_slice %arg2[%dma_start3A_21, %dma_start3A_22] : memref<10000x128xf32, #tpu.memory_space<hbm>> -> memref<10000x128xf32, #tpu.memory_space<hbm>>
    tpu.enqueue_indirect_dma source(%dma_start3A_23 : memref<10000x128xf32, #tpu.memory_space<hbm>>) target(%arg17 : memref<128x128xf32, #tpu.memory_space<vmem>>) offsets(%dma_start3A_20 : memref<128xi32, #tpu.memory_space<vmem>>) semaphore(%arg20 : memref<!tpu.dma_semaphore, #tpu.memory_space<semaphore_mem>>)
    %scan3A_24 = arith.constant 0 : i32
    %scan3A_25 = arith.constant 79 : i32
    %scan3A_26 = arith.addi %scan3A_24, %scan3A_25 : i32
    %scan3A_27 = arith.constant 1 : i32
    scf.for %scan3A_261 = %scan3A_24 to %scan3A_26 step %scan3A_27  : i32 {
      %mul3A_262 = arith.constant 2 : i32
      %mul3A_263 = arith.muli %mul3A_262, %scan3A_261 : i32
      %add3A = arith.constant 0 : i32
      %add3A_264 = arith.addi %mul3A_263, %add3A : i32
      %dma_wait3A_265 = arith.constant 0 : i32
      %dma_wait3A_266 = arith.constant 0 : i32
      %dma_wait3A_267 = tpu.memref_slice %arg2[%dma_wait3A_265, %dma_wait3A_266] : memref<10000x128xf32, #tpu.memory_space<hbm>> -> memref<128x128xf32, #tpu.memory_space<hbm>>
      %dma_wait3A_268 = arith.constant 0 : i32
      %dma_wait3A_269 = arith.constant 0 : i32
      %dma_wait3A_270 = tpu.memref_slice %arg2[%dma_wait3A_268, %dma_wait3A_269] : memref<10000x128xf32, #tpu.memory_space<hbm>> -> memref<128x128xf32, #tpu.memory_space<hbm>>
      tpu.wait_dma2 semaphore(%arg20 : memref<!tpu.dma_semaphore, #tpu.memory_space<semaphore_mem>>) src(%dma_wait3A_270 : memref<128x128xf32, #tpu.memory_space<hbm>>) dst(%arg17 : memref<128x128xf32, #tpu.memory_space<vmem>>)
      %add3A_271 = arith.constant 1 : i32
      %add3A_272 = arith.addi %add3A_264, %add3A_271 : i32
      %lt3A = arith.constant 158 : i32
      %lt3A_273 = arith.cmpi slt, %add3A_272, %lt3A : i32
      %convert_element_type3A_274 = arith.extui %lt3A_273 : i1 to i32
      %cond3A_275 = arith.constant 0 : i32
      %cond3A_276 = arith.cmpi ne, %convert_element_type3A_274, %cond3A_275 : i32
      scf.if %cond3A_276 {
        %add3A_667 = arith.addi %mul3A_6, %add3A_264 : i32
        %add3A_668 = arith.constant 1 : i32
        %add3A_669 = arith.addi %add3A_667, %add3A_668 : i32
        "tpu.region"() ({
          %run_scoped3A = tpu.sem_alloc : memref<!tpu.dma_semaphore, #tpu.memory_space<semaphore_mem>>
          %dma_start3A_670 = arith.constant 0 : i32
          %dma_start3A_671 = arith.constant 0 : i32
          %dma_start3A_672 = tpu.memref_slice %arg3[%add3A_669, %dma_start3A_670, %dma_start3A_671] : memref<2528x3x128xi32, #tpu.memory_space<hbm>> -> memref<1x3x128xi32, #tpu.memory_space<hbm>>
          %dma_start3A_673 = tpu.memref_squeeze %dma_start3A_672 : memref<1x3x128xi32, #tpu.memory_space<hbm>> -> memref<3x128xi32, #tpu.memory_space<hbm>>
          %dma_start3A_674 = arith.constant 0 : i32
          %dma_start3A_675 = arith.constant 0 : i32
          %dma_start3A_676 = tpu.memref_slice %arg3[%add3A_669, %dma_start3A_674, %dma_start3A_675] : memref<2528x3x128xi32, #tpu.memory_space<hbm>> -> memref<1x3x128xi32, #tpu.memory_space<hbm>>
          %dma_start3A_677 = tpu.memref_squeeze %dma_start3A_676 : memref<1x3x128xi32, #tpu.memory_space<hbm>> -> memref<3x128xi32, #tpu.memory_space<hbm>>
          tpu.enqueue_dma source(%dma_start3A_677 : memref<3x128xi32, #tpu.memory_space<hbm>>) target(%arg14 : memref<3x128xi32, #tpu.memory_space<vmem>>) target_semaphore(%run_scoped3A : memref<!tpu.dma_semaphore, #tpu.memory_space<semaphore_mem>>)
          %dma_wait3A_678 = arith.constant 0 : i32
          %dma_wait3A_679 = arith.constant 0 : i32
          %dma_wait3A_680 = tpu.memref_slice %arg3[%add3A_669, %dma_wait3A_678, %dma_wait3A_679] : memref<2528x3x128xi32, #tpu.memory_space<hbm>> -> memref<1x3x128xi32, #tpu.memory_space<hbm>>
          %dma_wait3A_681 = tpu.memref_squeeze %dma_wait3A_680 : memref<1x3x128xi32, #tpu.memory_space<hbm>> -> memref<3x128xi32, #tpu.memory_space<hbm>>
          %dma_wait3A_682 = arith.constant 0 : i32
          %dma_wait3A_683 = arith.constant 0 : i32
          %dma_wait3A_684 = tpu.memref_slice %arg3[%add3A_669, %dma_wait3A_682, %dma_wait3A_683] : memref<2528x3x128xi32, #tpu.memory_space<hbm>> -> memref<1x3x128xi32, #tpu.memory_space<hbm>>
          %dma_wait3A_685 = tpu.memref_squeeze %dma_wait3A_684 : memref<1x3x128xi32, #tpu.memory_space<hbm>> -> memref<3x128xi32, #tpu.memory_space<hbm>>
          tpu.wait_dma2 semaphore(%run_scoped3A : memref<!tpu.dma_semaphore, #tpu.memory_space<semaphore_mem>>) src(%dma_wait3A_685 : memref<3x128xi32, #tpu.memory_space<hbm>>) dst(%arg14 : memref<3x128xi32, #tpu.memory_space<vmem>>)
          tpu.yield
        }) : () -> ()
      } else {
      }
      %get3A_277 = arith.constant 1 : i32
      %get3A_278 = arith.index_cast %get3A_277 : i32 to index
      %get3A_279 = arith.constant 0 : index
      %get3A_280 = tpu.vector_load %arg13[%get3A_278, %get3A_279] {strides = array<i32>} : memref<3x128xi32, #tpu.memory_space<vmem>>, vector<1x16xi32>,
      %get3A_281 = vector.shape_cast %get3A_280 : vector<1x16xi32> to vector<16xi32>
      %get3A_282 = arith.constant 2 : i32
      %get3A_283 = arith.index_cast %get3A_282 : i32 to index
      %get3A_284 = arith.constant 0 : index
      %get3A_285 = tpu.vector_load %arg13[%get3A_283, %get3A_284] {strides = array<i32>} : memref<3x128xi32, #tpu.memory_space<vmem>>, vector<1x16xi32>,
      %get3A_286 = vector.shape_cast %get3A_285 : vector<1x16xi32> to vector<16xi32>
      %eq3A_287 = vector.broadcast %arg0 : i32 to vector<16xi32>
      %eq3A_288 = arith.cmpi eq, %get3A_286, %eq3A_287 : vector<16xi32>
      %jit3A_289 = arith.constant 10000 : i32
      %broadcast_in_dim3A_290 = vector.broadcast %jit3A_289 : i32 to vector<16xi32>
      %select_n3A_291 = arith.select %eq3A_288, %get3A_281, %broadcast_in_dim3A_290 : vector<16xi1>, vector<16xi32>
      %swap3A_292 = arith.constant 0 : i32
      %swap3A_293 = arith.index_cast %swap3A_292 : i32 to index
      %swap3A_294 = arith.constant 0 : index
      %swap3A_295 = tpu.vector_load %arg15[%swap3A_293, %swap3A_294] {strides = array<i32>} : memref<1x128xi32, #tpu.memory_space<vmem>>, vector<1x16xi32>,
      %swap3A_296 = vector.shape_cast %swap3A_295 : vector<1x16xi32> to vector<16xi32>
      %swap3A_297 = vector.shape_cast %select_n3A_291 : vector<16xi32> to vector<1x16xi32>
      tpu.vector_store %arg15[%swap3A_293, %swap3A_294], %swap3A_297 {strides = array<i32>} : memref<1x128xi32, #tpu.memory_space<vmem>>, vector<1x16xi32>,
      %get3A_298 = arith.constant 1 : i32
      %get3A_299 = arith.index_cast %get3A_298 : i32 to index
      %get3A_300 = arith.constant 16 : index
      %get3A_301 = tpu.vector_load %arg13[%get3A_299, %get3A_300] {strides = array<i32>} : memref<3x128xi32, #tpu.memory_space<vmem>>, vector<1x16xi32>,
      %get3A_302 = vector.shape_cast %get3A_301 : vector<1x16xi32> to vector<16xi32>
      %get3A_303 = arith.constant 2 : i32
      %get3A_304 = arith.index_cast %get3A_303 : i32 to index
      %get3A_305 = arith.constant 16 : index
      %get3A_306 = tpu.vector_load %arg13[%get3A_304, %get3A_305] {strides = array<i32>} : memref<3x128xi32, #tpu.memory_space<vmem>>, vector<1x16xi32>,
      %get3A_307 = vector.shape_cast %get3A_306 : vector<1x16xi32> to vector<16xi32>
      %eq3A_308 = vector.broadcast %arg0 : i32 to vector<16xi32>
      %eq3A_309 = arith.cmpi eq, %get3A_307, %eq3A_308 : vector<16xi32>
      %jit3A_310 = arith.constant 10000 : i32
      %broadcast_in_dim3A_311 = vector.broadcast %jit3A_310 : i32 to vector<16xi32>
      %select_n3A_312 = arith.select %eq3A_309, %get3A_302, %broadcast_in_dim3A_311 : vector<16xi1>, vector<16xi32>
      %swap3A_313 = arith.constant 0 : i32
      %swap3A_314 = arith.index_cast %swap3A_313 : i32 to index
      %swap3A_315 = arith.constant 16 : index
      %swap3A_316 = tpu.vector_load %arg15[%swap3A_314, %swap3A_315] {strides = array<i32>} : memref<1x128xi32, #tpu.memory_space<vmem>>, vector<1x16xi32>,
      %swap3A_317 = vector.shape_cast %swap3A_316 : vector<1x16xi32> to vector<16xi32>
      %swap3A_318 = vector.shape_cast %select_n3A_312 : vector<16xi32> to vector<1x16xi32>
      tpu.vector_store %arg15[%swap3A_314, %swap3A_315], %swap3A_318 {strides = array<i32>} : memref<1x128xi32, #tpu.memory_space<vmem>>, vector<1x16xi32>,
      %get3A_319 = arith.constant 1 : i32
      %get3A_320 = arith.index_cast %get3A_319 : i32 to index
      %get3A_321 = arith.constant 32 : index
      %get3A_322 = tpu.vector_load %arg13[%get3A_320, %get3A_321] {strides = array<i32>} : memref<3x128xi32, #tpu.memory_space<vmem>>, vector<1x16xi32>,
      %get3A_323 = vector.shape_cast %get3A_322 : vector<1x16xi32> to vector<16xi32>
      %get3A_324 = arith.constant 2 : i32
      %get3A_325 = arith.index_cast %get3A_324 : i32 to index
      %get3A_326 = arith.constant 32 : index
      %get3A_327 = tpu.vector_load %arg13[%get3A_325, %get3A_326] {strides = array<i32>} : memref<3x128xi32, #tpu.memory_space<vmem>>, vector<1x16xi32>,
      %get3A_328 = vector.shape_cast %get3A_327 : vector<1x16xi32> to vector<16xi32>
      %eq3A_329 = vector.broadcast %arg0 : i32 to vector<16xi32>
      %eq3A_330 = arith.cmpi eq, %get3A_328, %eq3A_329 : vector<16xi32>
      %jit3A_331 = arith.constant 10000 : i32
      %broadcast_in_dim3A_332 = vector.broadcast %jit3A_331 : i32 to vector<16xi32>
      %select_n3A_333 = arith.select %eq3A_330, %get3A_323, %broadcast_in_dim3A_332 : vector<16xi1>, vector<16xi32>
      %swap3A_334 = arith.constant 0 : i32
      %swap3A_335 = arith.index_cast %swap3A_334 : i32 to index
      %swap3A_336 = arith.constant 32 : index
      %swap3A_337 = tpu.vector_load %arg15[%swap3A_335, %swap3A_336] {strides = array<i32>} : memref<1x128xi32, #tpu.memory_space<vmem>>, vector<1x16xi32>,
      %swap3A_338 = vector.shape_cast %swap3A_337 : vector<1x16xi32> to vector<16xi32>
      %swap3A_339 = vector.shape_cast %select_n3A_333 : vector<16xi32> to vector<1x16xi32>
      tpu.vector_store %arg15[%swap3A_335, %swap3A_336], %swap3A_339 {strides = array<i32>} : memref<1x128xi32, #tpu.memory_space<vmem>>, vector<1x16xi32>,
      %get3A_340 = arith.constant 1 : i32
      %get3A_341 = arith.index_cast %get3A_340 : i32 to index
      %get3A_342 = arith.constant 48 : index
      %get3A_343 = tpu.vector_load %arg13[%get3A_341, %get3A_342] {strides = array<i32>} : memref<3x128xi32, #tpu.memory_space<vmem>>, vector<1x16xi32>,
      %get3A_344 = vector.shape_cast %get3A_343 : vector<1x16xi32> to vector<16xi32>
      %get3A_345 = arith.constant 2 : i32
      %get3A_346 = arith.index_cast %get3A_345 : i32 to index
      %get3A_347 = arith.constant 48 : index
      %get3A_348 = tpu.vector_load %arg13[%get3A_346, %get3A_347] {strides = array<i32>} : memref<3x128xi32, #tpu.memory_space<vmem>>, vector<1x16xi32>,
      %get3A_349 = vector.shape_cast %get3A_348 : vector<1x16xi32> to vector<16xi32>
      %eq3A_350 = vector.broadcast %arg0 : i32 to vector<16xi32>
      %eq3A_351 = arith.cmpi eq, %get3A_349, %eq3A_350 : vector<16xi32>
      %jit3A_352 = arith.constant 10000 : i32
      %broadcast_in_dim3A_353 = vector.broadcast %jit3A_352 : i32 to vector<16xi32>
      %select_n3A_354 = arith.select %eq3A_351, %get3A_344, %broadcast_in_dim3A_353 : vector<16xi1>, vector<16xi32>
      %swap3A_355 = arith.constant 0 : i32
      %swap3A_356 = arith.index_cast %swap3A_355 : i32 to index
      %swap3A_357 = arith.constant 48 : index
      %swap3A_358 = tpu.vector_load %arg15[%swap3A_356, %swap3A_357] {strides = array<i32>} : memref<1x128xi32, #tpu.memory_space<vmem>>, vector<1x16xi32>,
      %swap3A_359 = vector.shape_cast %swap3A_358 : vector<1x16xi32> to vector<16xi32>
      %swap3A_360 = vector.shape_cast %select_n3A_354 : vector<16xi32> to vector<1x16xi32>
      tpu.vector_store %arg15[%swap3A_356, %swap3A_357], %swap3A_360 {strides = array<i32>} : memref<1x128xi32, #tpu.memory_space<vmem>>, vector<1x16xi32>,
      %get3A_361 = arith.constant 1 : i32
      %get3A_362 = arith.index_cast %get3A_361 : i32 to index
      %get3A_363 = arith.constant 64 : index
      %get3A_364 = tpu.vector_load %arg13[%get3A_362, %get3A_363] {strides = array<i32>} : memref<3x128xi32, #tpu.memory_space<vmem>>, vector<1x16xi32>,
      %get3A_365 = vector.shape_cast %get3A_364 : vector<1x16xi32> to vector<16xi32>
      %get3A_366 = arith.constant 2 : i32
      %get3A_367 = arith.index_cast %get3A_366 : i32 to index
      %get3A_368 = arith.constant 64 : index
      %get3A_369 = tpu.vector_load %arg13[%get3A_367, %get3A_368] {strides = array<i32>} : memref<3x128xi32, #tpu.memory_space<vmem>>, vector<1x16xi32>,
      %get3A_370 = vector.shape_cast %get3A_369 : vector<1x16xi32> to vector<16xi32>
      %eq3A_371 = vector.broadcast %arg0 : i32 to vector<16xi32>
      %eq3A_372 = arith.cmpi eq, %get3A_370, %eq3A_371 : vector<16xi32>
      %jit3A_373 = arith.constant 10000 : i32
      %broadcast_in_dim3A_374 = vector.broadcast %jit3A_373 : i32 to vector<16xi32>
      %select_n3A_375 = arith.select %eq3A_372, %get3A_365, %broadcast_in_dim3A_374 : vector<16xi1>, vector<16xi32>
      %swap3A_376 = arith.constant 0 : i32
      %swap3A_377 = arith.index_cast %swap3A_376 : i32 to index
      %swap3A_378 = arith.constant 64 : index
      %swap3A_379 = tpu.vector_load %arg15[%swap3A_377, %swap3A_378] {strides = array<i32>} : memref<1x128xi32, #tpu.memory_space<vmem>>, vector<1x16xi32>,
      %swap3A_380 = vector.shape_cast %swap3A_379 : vector<1x16xi32> to vector<16xi32>
      %swap3A_381 = vector.shape_cast %select_n3A_375 : vector<16xi32> to vector<1x16xi32>
      tpu.vector_store %arg15[%swap3A_377, %swap3A_378], %swap3A_381 {strides = array<i32>} : memref<1x128xi32, #tpu.memory_space<vmem>>, vector<1x16xi32>,
      %get3A_382 = arith.constant 1 : i32
      %get3A_383 = arith.index_cast %get3A_382 : i32 to index
      %get3A_384 = arith.constant 80 : index
      %get3A_385 = tpu.vector_load %arg13[%get3A_383, %get3A_384] {strides = array<i32>} : memref<3x128xi32, #tpu.memory_space<vmem>>, vector<1x16xi32>,
      %get3A_386 = vector.shape_cast %get3A_385 : vector<1x16xi32> to vector<16xi32>
      %get3A_387 = arith.constant 2 : i32
      %get3A_388 = arith.index_cast %get3A_387 : i32 to index
      %get3A_389 = arith.constant 80 : index
      %get3A_390 = tpu.vector_load %arg13[%get3A_388, %get3A_389] {strides = array<i32>} : memref<3x128xi32, #tpu.memory_space<vmem>>, vector<1x16xi32>,
      %get3A_391 = vector.shape_cast %get3A_390 : vector<1x16xi32> to vector<16xi32>
      %eq3A_392 = vector.broadcast %arg0 : i32 to vector<16xi32>
      %eq3A_393 = arith.cmpi eq, %get3A_391, %eq3A_392 : vector<16xi32>
      %jit3A_394 = arith.constant 10000 : i32
      %broadcast_in_dim3A_395 = vector.broadcast %jit3A_394 : i32 to vector<16xi32>
      %select_n3A_396 = arith.select %eq3A_393, %get3A_386, %broadcast_in_dim3A_395 : vector<16xi1>, vector<16xi32>
      %swap3A_397 = arith.constant 0 : i32
      %swap3A_398 = arith.index_cast %swap3A_397 : i32 to index
      %swap3A_399 = arith.constant 80 : index
      %swap3A_400 = tpu.vector_load %arg15[%swap3A_398, %swap3A_399] {strides = array<i32>} : memref<1x128xi32, #tpu.memory_space<vmem>>, vector<1x16xi32>,
      %swap3A_401 = vector.shape_cast %swap3A_400 : vector<1x16xi32> to vector<16xi32>
      %swap3A_402 = vector.shape_cast %select_n3A_396 : vector<16xi32> to vector<1x16xi32>
      tpu.vector_store %arg15[%swap3A_398, %swap3A_399], %swap3A_402 {strides = array<i32>} : memref<1x128xi32, #tpu.memory_space<vmem>>, vector<1x16xi32>,
      %get3A_403 = arith.constant 1 : i32
      %get3A_404 = arith.index_cast %get3A_403 : i32 to index
      %get3A_405 = arith.constant 96 : index
      %get3A_406 = tpu.vector_load %arg13[%get3A_404, %get3A_405] {strides = array<i32>} : memref<3x128xi32, #tpu.memory_space<vmem>>, vector<1x16xi32>,
      %get3A_407 = vector.shape_cast %get3A_406 : vector<1x16xi32> to vector<16xi32>
      %get3A_408 = arith.constant 2 : i32
      %get3A_409 = arith.index_cast %get3A_408 : i32 to index
      %get3A_410 = arith.constant 96 : index
      %get3A_411 = tpu.vector_load %arg13[%get3A_409, %get3A_410] {strides = array<i32>} : memref<3x128xi32, #tpu.memory_space<vmem>>, vector<1x16xi32>,
      %get3A_412 = vector.shape_cast %get3A_411 : vector<1x16xi32> to vector<16xi32>
      %eq3A_413 = vector.broadcast %arg0 : i32 to vector<16xi32>
      %eq3A_414 = arith.cmpi eq, %get3A_412, %eq3A_413 : vector<16xi32>
      %jit3A_415 = arith.constant 10000 : i32
      %broadcast_in_dim3A_416 = vector.broadcast %jit3A_415 : i32 to vector<16xi32>
      %select_n3A_417 = arith.select %eq3A_414, %get3A_407, %broadcast_in_dim3A_416 : vector<16xi1>, vector<16xi32>
      %swap3A_418 = arith.constant 0 : i32
      %swap3A_419 = arith.index_cast %swap3A_418 : i32 to index
      %swap3A_420 = arith.constant 96 : index
      %swap3A_421 = tpu.vector_load %arg15[%swap3A_419, %swap3A_420] {strides = array<i32>} : memref<1x128xi32, #tpu.memory_space<vmem>>, vector<1x16xi32>,
      %swap3A_422 = vector.shape_cast %swap3A_421 : vector<1x16xi32> to vector<16xi32>
      %swap3A_423 = vector.shape_cast %select_n3A_417 : vector<16xi32> to vector<1x16xi32>
      tpu.vector_store %arg15[%swap3A_419, %swap3A_420], %swap3A_423 {strides = array<i32>} : memref<1x128xi32, #tpu.memory_space<vmem>>, vector<1x16xi32>,
      %get3A_424 = arith.constant 1 : i32
      %get3A_425 = arith.index_cast %get3A_424 : i32 to index
      %get3A_426 = arith.constant 112 : index
      %get3A_427 = tpu.vector_load %arg13[%get3A_425, %get3A_426] {strides = array<i32>} : memref<3x128xi32, #tpu.memory_space<vmem>>, vector<1x16xi32>,
      %get3A_428 = vector.shape_cast %get3A_427 : vector<1x16xi32> to vector<16xi32>
      %get3A_429 = arith.constant 2 : i32
      %get3A_430 = arith.index_cast %get3A_429 : i32 to index
      %get3A_431 = arith.constant 112 : index
      %get3A_432 = tpu.vector_load %arg13[%get3A_430, %get3A_431] {strides = array<i32>} : memref<3x128xi32, #tpu.memory_space<vmem>>, vector<1x16xi32>,
      %get3A_433 = vector.shape_cast %get3A_432 : vector<1x16xi32> to vector<16xi32>
      %eq3A_434 = vector.broadcast %arg0 : i32 to vector<16xi32>
      %eq3A_435 = arith.cmpi eq, %get3A_433, %eq3A_434 : vector<16xi32>
      %jit3A_436 = arith.constant 10000 : i32
      %broadcast_in_dim3A_437 = vector.broadcast %jit3A_436 : i32 to vector<16xi32>
      %select_n3A_438 = arith.select %eq3A_435, %get3A_428, %broadcast_in_dim3A_437 : vector<16xi1>, vector<16xi32>
      %swap3A_439 = arith.constant 0 : i32
      %swap3A_440 = arith.index_cast %swap3A_439 : i32 to index
      %swap3A_441 = arith.constant 112 : index
      %swap3A_442 = tpu.vector_load %arg15[%swap3A_440, %swap3A_441] {strides = array<i32>} : memref<1x128xi32, #tpu.memory_space<vmem>>, vector<1x16xi32>,
      %swap3A_443 = vector.shape_cast %swap3A_442 : vector<1x16xi32> to vector<16xi32>
      %swap3A_444 = vector.shape_cast %select_n3A_438 : vector<16xi32> to vector<1x16xi32>
      tpu.vector_store %arg15[%swap3A_440, %swap3A_441], %swap3A_444 {strides = array<i32>} : memref<1x128xi32, #tpu.memory_space<vmem>>, vector<1x16xi32>,
      %ge3A = arith.constant 1 : i32
      %ge3A_445 = arith.cmpi sge, %add3A_264, %ge3A : i32
      %convert_element_type3A_446 = arith.extui %ge3A_445 : i1 to i32
      %cond3A_447 = arith.constant 0 : i32
      %cond3A_448 = arith.cmpi ne, %convert_element_type3A_446, %cond3A_447 : i32
      scf.if %cond3A_448 {
        %dma_wait3A_667 = arith.constant 0 : i32
        %dma_wait3A_668 = arith.constant 0 : i32
        %dma_wait3A_669 = tpu.memref_slice %arg2[%dma_wait3A_667, %dma_wait3A_668] : memref<10000x128xf32, #tpu.memory_space<hbm>> -> memref<128x128xf32, #tpu.memory_space<hbm>>
        %dma_wait3A_670 = arith.constant 0 : i32
        %dma_wait3A_671 = arith.constant 0 : i32
        %dma_wait3A_672 = tpu.memref_slice %arg2[%dma_wait3A_670, %dma_wait3A_671] : memref<10000x128xf32, #tpu.memory_space<hbm>> -> memref<128x128xf32, #tpu.memory_space<hbm>>
        tpu.wait_dma2 semaphore(%arg21 : memref<!tpu.dma_semaphore, #tpu.memory_space<semaphore_mem>>) src(%dma_wait3A_672 : memref<128x128xf32, #tpu.memory_space<hbm>>) dst(%arg18 : memref<128x128xf32, #tpu.memory_space<vmem>>)
      } else {
      }
      %add3A_449 = arith.constant 1 : i32
      %add3A_450 = arith.addi %add3A_264, %add3A_449 : i32
      %lt3A_451 = arith.constant 158 : i32
      %lt3A_452 = arith.cmpi slt, %add3A_450, %lt3A_451 : i32
      %convert_element_type3A_453 = arith.extui %lt3A_452 : i1 to i32
      %cond3A_454 = arith.constant 0 : i32
      %cond3A_455 = arith.cmpi ne, %convert_element_type3A_453, %cond3A_454 : i32
      scf.if %cond3A_455 {
        %dma_start3A_667 = arith.constant 0 : i32
        %dma_start3A_668 = arith.constant 0 : i32
        %dma_start3A_669 = tpu.memref_slice %arg14[%dma_start3A_667, %dma_start3A_668] : memref<3x128xi32, #tpu.memory_space<vmem>> -> memref<1x128xi32, #tpu.memory_space<vmem>>
        %dma_start3A_670 = tpu.memref_squeeze %dma_start3A_669 : memref<1x128xi32, #tpu.memory_space<vmem>> -> memref<128xi32, #tpu.memory_space<vmem>>
        %dma_start3A_671 = arith.constant 0 : i32
        %dma_start3A_672 = arith.constant 0 : i32
        %dma_start3A_673 = tpu.memref_slice %arg2[%dma_start3A_671, %dma_start3A_672] : memref<10000x128xf32, #tpu.memory_space<hbm>> -> memref<10000x128xf32, #tpu.memory_space<hbm>>
        tpu.enqueue_indirect_dma source(%dma_start3A_673 : memref<10000x128xf32, #tpu.memory_space<hbm>>) target(%arg18 : memref<128x128xf32, #tpu.memory_space<vmem>>) offsets(%dma_start3A_670 : memref<128xi32, #tpu.memory_space<vmem>>) semaphore(%arg20 : memref<!tpu.dma_semaphore, #tpu.memory_space<semaphore_mem>>)
      } else {
      }
      %dma_start3A_456 = arith.constant 0 : i32
      %dma_start3A_457 = arith.constant 0 : i32
      %dma_start3A_458 = tpu.memref_slice %arg15[%dma_start3A_456, %dma_start3A_457] : memref<1x128xi32, #tpu.memory_space<vmem>> -> memref<1x128xi32, #tpu.memory_space<vmem>>
      %dma_start3A_459 = tpu.memref_squeeze %dma_start3A_458 : memref<1x128xi32, #tpu.memory_space<vmem>> -> memref<128xi32, #tpu.memory_space<vmem>>
      %dma_start3A_460 = arith.constant 0 : i32
      %dma_start3A_461 = arith.constant 0 : i32
      %dma_start3A_462 = tpu.memref_slice %arg12[%dma_start3A_460, %dma_start3A_461] : memref<10240x128xf32, #tpu.memory_space<vmem_shared>> -> memref<10240x128xf32, #tpu.memory_space<vmem_shared>>
      tpu.enqueue_indirect_dma source(%arg17 : memref<128x128xf32, #tpu.memory_space<vmem>>) target(%dma_start3A_462 : memref<10240x128xf32, #tpu.memory_space<vmem_shared>>) offsets(%dma_start3A_459 : memref<128xi32, #tpu.memory_space<vmem>>) semaphore(%arg21 : memref<!tpu.dma_semaphore, #tpu.memory_space<semaphore_mem>>) {add = true}
      %mul3A_463 = arith.constant 2 : i32
      %mul3A_464 = arith.muli %mul3A_463, %scan3A_261 : i32
      %add3A_465 = arith.constant 1 : i32
      %add3A_466 = arith.addi %mul3A_464, %add3A_465 : i32
      %dma_wait3A_467 = arith.constant 0 : i32
      %dma_wait3A_468 = arith.constant 0 : i32
      %dma_wait3A_469 = tpu.memref_slice %arg2[%dma_wait3A_467, %dma_wait3A_468] : memref<10000x128xf32, #tpu.memory_space<hbm>> -> memref<128x128xf32, #tpu.memory_space<hbm>>
      %dma_wait3A_470 = arith.constant 0 : i32
      %dma_wait3A_471 = arith.constant 0 : i32
      %dma_wait3A_472 = tpu.memref_slice %arg2[%dma_wait3A_470, %dma_wait3A_471] : memref<10000x128xf32, #tpu.memory_space<hbm>> -> memref<128x128xf32, #tpu.memory_space<hbm>>
      tpu.wait_dma2 semaphore(%arg20 : memref<!tpu.dma_semaphore, #tpu.memory_space<semaphore_mem>>) src(%dma_wait3A_472 : memref<128x128xf32, #tpu.memory_space<hbm>>) dst(%arg18 : memref<128x128xf32, #tpu.memory_space<vmem>>)
      %add3A_473 = arith.constant 1 : i32
      %add3A_474 = arith.addi %add3A_466, %add3A_473 : i32
      %lt3A_475 = arith.constant 158 : i32
      %lt3A_476 = arith.cmpi slt, %add3A_474, %lt3A_475 : i32
      %convert_element_type3A_477 = arith.extui %lt3A_476 : i1 to i32
      %cond3A_478 = arith.constant 0 : i32
      %cond3A_479 = arith.cmpi ne, %convert_element_type3A_477, %cond3A_478 : i32
      scf.if %cond3A_479 {
        %add3A_667 = arith.addi %mul3A_6, %add3A_466 : i32
        %add3A_668 = arith.constant 1 : i32
        %add3A_669 = arith.addi %add3A_667, %add3A_668 : i32
        "tpu.region"() ({
          %run_scoped3A = tpu.sem_alloc : memref<!tpu.dma_semaphore, #tpu.memory_space<semaphore_mem>>
          %dma_start3A_670 = arith.constant 0 : i32
          %dma_start3A_671 = arith.constant 0 : i32
          %dma_start3A_672 = tpu.memref_slice %arg3[%add3A_669, %dma_start3A_670, %dma_start3A_671] : memref<2528x3x128xi32, #tpu.memory_space<hbm>> -> memref<1x3x128xi32, #tpu.memory_space<hbm>>
          %dma_start3A_673 = tpu.memref_squeeze %dma_start3A_672 : memref<1x3x128xi32, #tpu.memory_space<hbm>> -> memref<3x128xi32, #tpu.memory_space<hbm>>
          %dma_start3A_674 = arith.constant 0 : i32
          %dma_start3A_675 = arith.constant 0 : i32
          %dma_start3A_676 = tpu.memref_slice %arg3[%add3A_669, %dma_start3A_674, %dma_start3A_675] : memref<2528x3x128xi32, #tpu.memory_space<hbm>> -> memref<1x3x128xi32, #tpu.memory_space<hbm>>
          %dma_start3A_677 = tpu.memref_squeeze %dma_start3A_676 : memref<1x3x128xi32, #tpu.memory_space<hbm>> -> memref<3x128xi32, #tpu.memory_space<hbm>>
          tpu.enqueue_dma source(%dma_start3A_677 : memref<3x128xi32, #tpu.memory_space<hbm>>) target(%arg13 : memref<3x128xi32, #tpu.memory_space<vmem>>) target_semaphore(%run_scoped3A : memref<!tpu.dma_semaphore, #tpu.memory_space<semaphore_mem>>)
          %dma_wait3A_678 = arith.constant 0 : i32
          %dma_wait3A_679 = arith.constant 0 : i32
          %dma_wait3A_680 = tpu.memref_slice %arg3[%add3A_669, %dma_wait3A_678, %dma_wait3A_679] : memref<2528x3x128xi32, #tpu.memory_space<hbm>> -> memref<1x3x128xi32, #tpu.memory_space<hbm>>
          %dma_wait3A_681 = tpu.memref_squeeze %dma_wait3A_680 : memref<1x3x128xi32, #tpu.memory_space<hbm>> -> memref<3x128xi32, #tpu.memory_space<hbm>>
          %dma_wait3A_682 = arith.constant 0 : i32
          %dma_wait3A_683 = arith.constant 0 : i32
          %dma_wait3A_684 = tpu.memref_slice %arg3[%add3A_669, %dma_wait3A_682, %dma_wait3A_683] : memref<2528x3x128xi32, #tpu.memory_space<hbm>> -> memref<1x3x128xi32, #tpu.memory_space<hbm>>
          %dma_wait3A_685 = tpu.memref_squeeze %dma_wait3A_684 : memref<1x3x128xi32, #tpu.memory_space<hbm>> -> memref<3x128xi32, #tpu.memory_space<hbm>>
          tpu.wait_dma2 semaphore(%run_scoped3A : memref<!tpu.dma_semaphore, #tpu.memory_space<semaphore_mem>>) src(%dma_wait3A_685 : memref<3x128xi32, #tpu.memory_space<hbm>>) dst(%arg13 : memref<3x128xi32, #tpu.memory_space<vmem>>)
          tpu.yield
        }) : () -> ()
      } else {
      }
      %get3A_480 = arith.constant 1 : i32
      %get3A_481 = arith.index_cast %get3A_480 : i32 to index
      %get3A_482 = arith.constant 0 : index
      %get3A_483 = tpu.vector_load %arg14[%get3A_481, %get3A_482] {strides = array<i32>} : memref<3x128xi32, #tpu.memory_space<vmem>>, vector<1x16xi32>,
      %get3A_484 = vector.shape_cast %get3A_483 : vector<1x16xi32> to vector<16xi32>
      %get3A_485 = arith.constant 2 : i32
      %get3A_486 = arith.index_cast %get3A_485 : i32 to index
      %get3A_487 = arith.constant 0 : index
      %get3A_488 = tpu.vector_load %arg14[%get3A_486, %get3A_487] {strides = array<i32>} : memref<3x128xi32, #tpu.memory_space<vmem>>, vector<1x16xi32>,
      %get3A_489 = vector.shape_cast %get3A_488 : vector<1x16xi32> to vector<16xi32>
      %eq3A_490 = vector.broadcast %arg0 : i32 to vector<16xi32>
      %eq3A_491 = arith.cmpi eq, %get3A_489, %eq3A_490 : vector<16xi32>
      %jit3A_492 = arith.constant 10000 : i32
      %broadcast_in_dim3A_493 = vector.broadcast %jit3A_492 : i32 to vector<16xi32>
      %select_n3A_494 = arith.select %eq3A_491, %get3A_484, %broadcast_in_dim3A_493 : vector<16xi1>, vector<16xi32>
      %swap3A_495 = arith.constant 0 : i32
      %swap3A_496 = arith.index_cast %swap3A_495 : i32 to index
      %swap3A_497 = arith.constant 0 : index
      %swap3A_498 = tpu.vector_load %arg16[%swap3A_496, %swap3A_497] {strides = array<i32>} : memref<1x128xi32, #tpu.memory_space<vmem>>, vector<1x16xi32>,
      %swap3A_499 = vector.shape_cast %swap3A_498 : vector<1x16xi32> to vector<16xi32>
      %swap3A_500 = vector.shape_cast %select_n3A_494 : vector<16xi32> to vector<1x16xi32>
      tpu.vector_store %arg16[%swap3A_496, %swap3A_497], %swap3A_500 {strides = array<i32>} : memref<1x128xi32, #tpu.memory_space<vmem>>, vector<1x16xi32>,
      %get3A_501 = arith.constant 1 : i32
      %get3A_502 = arith.index_cast %get3A_501 : i32 to index
      %get3A_503 = arith.constant 16 : index
      %get3A_504 = tpu.vector_load %arg14[%get3A_502, %get3A_503] {strides = array<i32>} : memref<3x128xi32, #tpu.memory_space<vmem>>, vector<1x16xi32>,
      %get3A_505 = vector.shape_cast %get3A_504 : vector<1x16xi32> to vector<16xi32>
      %get3A_506 = arith.constant 2 : i32
      %get3A_507 = arith.index_cast %get3A_506 : i32 to index
      %get3A_508 = arith.constant 16 : index
      %get3A_509 = tpu.vector_load %arg14[%get3A_507, %get3A_508] {strides = array<i32>} : memref<3x128xi32, #tpu.memory_space<vmem>>, vector<1x16xi32>,
      %get3A_510 = vector.shape_cast %get3A_509 : vector<1x16xi32> to vector<16xi32>
      %eq3A_511 = vector.broadcast %arg0 : i32 to vector<16xi32>
      %eq3A_512 = arith.cmpi eq, %get3A_510, %eq3A_511 : vector<16xi32>
      %jit3A_513 = arith.constant 10000 : i32
      %broadcast_in_dim3A_514 = vector.broadcast %jit3A_513 : i32 to vector<16xi32>
      %select_n3A_515 = arith.select %eq3A_512, %get3A_505, %broadcast_in_dim3A_514 : vector<16xi1>, vector<16xi32>
      %swap3A_516 = arith.constant 0 : i32
      %swap3A_517 = arith.index_cast %swap3A_516 : i32 to index
      %swap3A_518 = arith.constant 16 : index
      %swap3A_519 = tpu.vector_load %arg16[%swap3A_517, %swap3A_518] {strides = array<i32>} : memref<1x128xi32, #tpu.memory_space<vmem>>, vector<1x16xi32>,
      %swap3A_520 = vector.shape_cast %swap3A_519 : vector<1x16xi32> to vector<16xi32>
      %swap3A_521 = vector.shape_cast %select_n3A_515 : vector<16xi32> to vector<1x16xi32>
      tpu.vector_store %arg16[%swap3A_517, %swap3A_518], %swap3A_521 {strides = array<i32>} : memref<1x128xi32, #tpu.memory_space<vmem>>, vector<1x16xi32>,
      %get3A_522 = arith.constant 1 : i32
      %get3A_523 = arith.index_cast %get3A_522 : i32 to index
      %get3A_524 = arith.constant 32 : index
      %get3A_525 = tpu.vector_load %arg14[%get3A_523, %get3A_524] {strides = array<i32>} : memref<3x128xi32, #tpu.memory_space<vmem>>, vector<1x16xi32>,
      %get3A_526 = vector.shape_cast %get3A_525 : vector<1x16xi32> to vector<16xi32>
      %get3A_527 = arith.constant 2 : i32
      %get3A_528 = arith.index_cast %get3A_527 : i32 to index
      %get3A_529 = arith.constant 32 : index
      %get3A_530 = tpu.vector_load %arg14[%get3A_528, %get3A_529] {strides = array<i32>} : memref<3x128xi32, #tpu.memory_space<vmem>>, vector<1x16xi32>,
      %get3A_531 = vector.shape_cast %get3A_530 : vector<1x16xi32> to vector<16xi32>
      %eq3A_532 = vector.broadcast %arg0 : i32 to vector<16xi32>
      %eq3A_533 = arith.cmpi eq, %get3A_531, %eq3A_532 : vector<16xi32>
      %jit3A_534 = arith.constant 10000 : i32
      %broadcast_in_dim3A_535 = vector.broadcast %jit3A_534 : i32 to vector<16xi32>
      %select_n3A_536 = arith.select %eq3A_533, %get3A_526, %broadcast_in_dim3A_535 : vector<16xi1>, vector<16xi32>
      %swap3A_537 = arith.constant 0 : i32
      %swap3A_538 = arith.index_cast %swap3A_537 : i32 to index
      %swap3A_539 = arith.constant 32 : index
      %swap3A_540 = tpu.vector_load %arg16[%swap3A_538, %swap3A_539] {strides = array<i32>} : memref<1x128xi32, #tpu.memory_space<vmem>>, vector<1x16xi32>,
      %swap3A_541 = vector.shape_cast %swap3A_540 : vector<1x16xi32> to vector<16xi32>
      %swap3A_542 = vector.shape_cast %select_n3A_536 : vector<16xi32> to vector<1x16xi32>
      tpu.vector_store %arg16[%swap3A_538, %swap3A_539], %swap3A_542 {strides = array<i32>} : memref<1x128xi32, #tpu.memory_space<vmem>>, vector<1x16xi32>,
      %get3A_543 = arith.constant 1 : i32
      %get3A_544 = arith.index_cast %get3A_543 : i32 to index
      %get3A_545 = arith.constant 48 : index
      %get3A_546 = tpu.vector_load %arg14[%get3A_544, %get3A_545] {strides = array<i32>} : memref<3x128xi32, #tpu.memory_space<vmem>>, vector<1x16xi32>,
      %get3A_547 = vector.shape_cast %get3A_546 : vector<1x16xi32> to vector<16xi32>
      %get3A_548 = arith.constant 2 : i32
      %get3A_549 = arith.index_cast %get3A_548 : i32 to index
      %get3A_550 = arith.constant 48 : index
      %get3A_551 = tpu.vector_load %arg14[%get3A_549, %get3A_550] {strides = array<i32>} : memref<3x128xi32, #tpu.memory_space<vmem>>, vector<1x16xi32>,
      %get3A_552 = vector.shape_cast %get3A_551 : vector<1x16xi32> to vector<16xi32>
      %eq3A_553 = vector.broadcast %arg0 : i32 to vector<16xi32>
      %eq3A_554 = arith.cmpi eq, %get3A_552, %eq3A_553 : vector<16xi32>
      %jit3A_555 = arith.constant 10000 : i32
      %broadcast_in_dim3A_556 = vector.broadcast %jit3A_555 : i32 to vector<16xi32>
      %select_n3A_557 = arith.select %eq3A_554, %get3A_547, %broadcast_in_dim3A_556 : vector<16xi1>, vector<16xi32>
      %swap3A_558 = arith.constant 0 : i32
      %swap3A_559 = arith.index_cast %swap3A_558 : i32 to index
      %swap3A_560 = arith.constant 48 : index
      %swap3A_561 = tpu.vector_load %arg16[%swap3A_559, %swap3A_560] {strides = array<i32>} : memref<1x128xi32, #tpu.memory_space<vmem>>, vector<1x16xi32>,
      %swap3A_562 = vector.shape_cast %swap3A_561 : vector<1x16xi32> to vector<16xi32>
      %swap3A_563 = vector.shape_cast %select_n3A_557 : vector<16xi32> to vector<1x16xi32>
      tpu.vector_store %arg16[%swap3A_559, %swap3A_560], %swap3A_563 {strides = array<i32>} : memref<1x128xi32, #tpu.memory_space<vmem>>, vector<1x16xi32>,
      %get3A_564 = arith.constant 1 : i32
      %get3A_565 = arith.index_cast %get3A_564 : i32 to index
      %get3A_566 = arith.constant 64 : index
      %get3A_567 = tpu.vector_load %arg14[%get3A_565, %get3A_566] {strides = array<i32>} : memref<3x128xi32, #tpu.memory_space<vmem>>, vector<1x16xi32>,
      %get3A_568 = vector.shape_cast %get3A_567 : vector<1x16xi32> to vector<16xi32>
      %get3A_569 = arith.constant 2 : i32
      %get3A_570 = arith.index_cast %get3A_569 : i32 to index
      %get3A_571 = arith.constant 64 : index
      %get3A_572 = tpu.vector_load %arg14[%get3A_570, %get3A_571] {strides = array<i32>} : memref<3x128xi32, #tpu.memory_space<vmem>>, vector<1x16xi32>,
      %get3A_573 = vector.shape_cast %get3A_572 : vector<1x16xi32> to vector<16xi32>
      %eq3A_574 = vector.broadcast %arg0 : i32 to vector<16xi32>
      %eq3A_575 = arith.cmpi eq, %get3A_573, %eq3A_574 : vector<16xi32>
      %jit3A_576 = arith.constant 10000 : i32
      %broadcast_in_dim3A_577 = vector.broadcast %jit3A_576 : i32 to vector<16xi32>
      %select_n3A_578 = arith.select %eq3A_575, %get3A_568, %broadcast_in_dim3A_577 : vector<16xi1>, vector<16xi32>
      %swap3A_579 = arith.constant 0 : i32
      %swap3A_580 = arith.index_cast %swap3A_579 : i32 to index
      %swap3A_581 = arith.constant 64 : index
      %swap3A_582 = tpu.vector_load %arg16[%swap3A_580, %swap3A_581] {strides = array<i32>} : memref<1x128xi32, #tpu.memory_space<vmem>>, vector<1x16xi32>,
      %swap3A_583 = vector.shape_cast %swap3A_582 : vector<1x16xi32> to vector<16xi32>
      %swap3A_584 = vector.shape_cast %select_n3A_578 : vector<16xi32> to vector<1x16xi32>
      tpu.vector_store %arg16[%swap3A_580, %swap3A_581], %swap3A_584 {strides = array<i32>} : memref<1x128xi32, #tpu.memory_space<vmem>>, vector<1x16xi32>,
      %get3A_585 = arith.constant 1 : i32
      %get3A_586 = arith.index_cast %get3A_585 : i32 to index
      %get3A_587 = arith.constant 80 : index
      %get3A_588 = tpu.vector_load %arg14[%get3A_586, %get3A_587] {strides = array<i32>} : memref<3x128xi32, #tpu.memory_space<vmem>>, vector<1x16xi32>,
      %get3A_589 = vector.shape_cast %get3A_588 : vector<1x16xi32> to vector<16xi32>
      %get3A_590 = arith.constant 2 : i32
      %get3A_591 = arith.index_cast %get3A_590 : i32 to index
      %get3A_592 = arith.constant 80 : index
      %get3A_593 = tpu.vector_load %arg14[%get3A_591, %get3A_592] {strides = array<i32>} : memref<3x128xi32, #tpu.memory_space<vmem>>, vector<1x16xi32>,
      %get3A_594 = vector.shape_cast %get3A_593 : vector<1x16xi32> to vector<16xi32>
      %eq3A_595 = vector.broadcast %arg0 : i32 to vector<16xi32>
      %eq3A_596 = arith.cmpi eq, %get3A_594, %eq3A_595 : vector<16xi32>
      %jit3A_597 = arith.constant 10000 : i32
      %broadcast_in_dim3A_598 = vector.broadcast %jit3A_597 : i32 to vector<16xi32>
      %select_n3A_599 = arith.select %eq3A_596, %get3A_589, %broadcast_in_dim3A_598 : vector<16xi1>, vector<16xi32>
      %swap3A_600 = arith.constant 0 : i32
      %swap3A_601 = arith.index_cast %swap3A_600 : i32 to index
      %swap3A_602 = arith.constant 80 : index
      %swap3A_603 = tpu.vector_load %arg16[%swap3A_601, %swap3A_602] {strides = array<i32>} : memref<1x128xi32, #tpu.memory_space<vmem>>, vector<1x16xi32>,
      %swap3A_604 = vector.shape_cast %swap3A_603 : vector<1x16xi32> to vector<16xi32>
      %swap3A_605 = vector.shape_cast %select_n3A_599 : vector<16xi32> to vector<1x16xi32>
      tpu.vector_store %arg16[%swap3A_601, %swap3A_602], %swap3A_605 {strides = array<i32>} : memref<1x128xi32, #tpu.memory_space<vmem>>, vector<1x16xi32>,
      %get3A_606 = arith.constant 1 : i32
      %get3A_607 = arith.index_cast %get3A_606 : i32 to index
      %get3A_608 = arith.constant 96 : index
      %get3A_609 = tpu.vector_load %arg14[%get3A_607, %get3A_608] {strides = array<i32>} : memref<3x128xi32, #tpu.memory_space<vmem>>, vector<1x16xi32>,
      %get3A_610 = vector.shape_cast %get3A_609 : vector<1x16xi32> to vector<16xi32>
      %get3A_611 = arith.constant 2 : i32
      %get3A_612 = arith.index_cast %get3A_611 : i32 to index
      %get3A_613 = arith.constant 96 : index
      %get3A_614 = tpu.vector_load %arg14[%get3A_612, %get3A_613] {strides = array<i32>} : memref<3x128xi32, #tpu.memory_space<vmem>>, vector<1x16xi32>,
      %get3A_615 = vector.shape_cast %get3A_614 : vector<1x16xi32> to vector<16xi32>
      %eq3A_616 = vector.broadcast %arg0 : i32 to vector<16xi32>
      %eq3A_617 = arith.cmpi eq, %get3A_615, %eq3A_616 : vector<16xi32>
      %jit3A_618 = arith.constant 10000 : i32
      %broadcast_in_dim3A_619 = vector.broadcast %jit3A_618 : i32 to vector<16xi32>
      %select_n3A_620 = arith.select %eq3A_617, %get3A_610, %broadcast_in_dim3A_619 : vector<16xi1>, vector<16xi32>
      %swap3A_621 = arith.constant 0 : i32
      %swap3A_622 = arith.index_cast %swap3A_621 : i32 to index
      %swap3A_623 = arith.constant 96 : index
      %swap3A_624 = tpu.vector_load %arg16[%swap3A_622, %swap3A_623] {strides = array<i32>} : memref<1x128xi32, #tpu.memory_space<vmem>>, vector<1x16xi32>,
      %swap3A_625 = vector.shape_cast %swap3A_624 : vector<1x16xi32> to vector<16xi32>
      %swap3A_626 = vector.shape_cast %select_n3A_620 : vector<16xi32> to vector<1x16xi32>
      tpu.vector_store %arg16[%swap3A_622, %swap3A_623], %swap3A_626 {strides = array<i32>} : memref<1x128xi32, #tpu.memory_space<vmem>>, vector<1x16xi32>,
      %get3A_627 = arith.constant 1 : i32
      %get3A_628 = arith.index_cast %get3A_627 : i32 to index
      %get3A_629 = arith.constant 112 : index
      %get3A_630 = tpu.vector_load %arg14[%get3A_628, %get3A_629] {strides = array<i32>} : memref<3x128xi32, #tpu.memory_space<vmem>>, vector<1x16xi32>,
      %get3A_631 = vector.shape_cast %get3A_630 : vector<1x16xi32> to vector<16xi32>
      %get3A_632 = arith.constant 2 : i32
      %get3A_633 = arith.index_cast %get3A_632 : i32 to index
      %get3A_634 = arith.constant 112 : index
      %get3A_635 = tpu.vector_load %arg14[%get3A_633, %get3A_634] {strides = array<i32>} : memref<3x128xi32, #tpu.memory_space<vmem>>, vector<1x16xi32>,
      %get3A_636 = vector.shape_cast %get3A_635 : vector<1x16xi32> to vector<16xi32>
      %eq3A_637 = vector.broadcast %arg0 : i32 to vector<16xi32>
      %eq3A_638 = arith.cmpi eq, %get3A_636, %eq3A_637 : vector<16xi32>
      %jit3A_639 = arith.constant 10000 : i32
      %broadcast_in_dim3A_640 = vector.broadcast %jit3A_639 : i32 to vector<16xi32>
      %select_n3A_641 = arith.select %eq3A_638, %get3A_631, %broadcast_in_dim3A_640 : vector<16xi1>, vector<16xi32>
      %swap3A_642 = arith.constant 0 : i32
      %swap3A_643 = arith.index_cast %swap3A_642 : i32 to index
      %swap3A_644 = arith.constant 112 : index
      %swap3A_645 = tpu.vector_load %arg16[%swap3A_643, %swap3A_644] {strides = array<i32>} : memref<1x128xi32, #tpu.memory_space<vmem>>, vector<1x16xi32>,
      %swap3A_646 = vector.shape_cast %swap3A_645 : vector<1x16xi32> to vector<16xi32>
      %swap3A_647 = vector.shape_cast %select_n3A_641 : vector<16xi32> to vector<1x16xi32>
      tpu.vector_store %arg16[%swap3A_643, %swap3A_644], %swap3A_647 {strides = array<i32>} : memref<1x128xi32, #tpu.memory_space<vmem>>, vector<1x16xi32>,
      %ge3A_648 = arith.constant 1 : i32
      %ge3A_649 = arith.cmpi sge, %add3A_466, %ge3A_648 : i32
      %convert_element_type3A_650 = arith.extui %ge3A_649 : i1 to i32
      %cond3A_651 = arith.constant 0 : i32
      %cond3A_652 = arith.cmpi ne, %convert_element_type3A_650, %cond3A_651 : i32
      scf.if %cond3A_652 {
        %dma_wait3A_667 = arith.constant 0 : i32
        %dma_wait3A_668 = arith.constant 0 : i32
        %dma_wait3A_669 = tpu.memref_slice %arg2[%dma_wait3A_667, %dma_wait3A_668] : memref<10000x128xf32, #tpu.memory_space<hbm>> -> memref<128x128xf32, #tpu.memory_space<hbm>>
        %dma_wait3A_670 = arith.constant 0 : i32
        %dma_wait3A_671 = arith.constant 0 : i32
        %dma_wait3A_672 = tpu.memref_slice %arg2[%dma_wait3A_670, %dma_wait3A_671] : memref<10000x128xf32, #tpu.memory_space<hbm>> -> memref<128x128xf32, #tpu.memory_space<hbm>>
        tpu.wait_dma2 semaphore(%arg21 : memref<!tpu.dma_semaphore, #tpu.memory_space<semaphore_mem>>) src(%dma_wait3A_672 : memref<128x128xf32, #tpu.memory_space<hbm>>) dst(%arg17 : memref<128x128xf32, #tpu.memory_space<vmem>>)
      } else {
      }
      %add3A_653 = arith.constant 1 : i32
      %add3A_654 = arith.addi %add3A_466, %add3A_653 : i32
      %lt3A_655 = arith.constant 158 : i32
      %lt3A_656 = arith.cmpi slt, %add3A_654, %lt3A_655 : i32
      %convert_element_type3A_657 = arith.extui %lt3A_656 : i1 to i32
      %cond3A_658 = arith.constant 0 : i32
      %cond3A_659 = arith.cmpi ne, %convert_element_type3A_657, %cond3A_658 : i32
      scf.if %cond3A_659 {
        %dma_start3A_667 = arith.constant 0 : i32
        %dma_start3A_668 = arith.constant 0 : i32
        %dma_start3A_669 = tpu.memref_slice %arg13[%dma_start3A_667, %dma_start3A_668] : memref<3x128xi32, #tpu.memory_space<vmem>> -> memref<1x128xi32, #tpu.memory_space<vmem>>
        %dma_start3A_670 = tpu.memref_squeeze %dma_start3A_669 : memref<1x128xi32, #tpu.memory_space<vmem>> -> memref<128xi32, #tpu.memory_space<vmem>>
        %dma_start3A_671 = arith.constant 0 : i32
        %dma_start3A_672 = arith.constant 0 : i32
        %dma_start3A_673 = tpu.memref_slice %arg2[%dma_start3A_671, %dma_start3A_672] : memref<10000x128xf32, #tpu.memory_space<hbm>> -> memref<10000x128xf32, #tpu.memory_space<hbm>>
        tpu.enqueue_indirect_dma source(%dma_start3A_673 : memref<10000x128xf32, #tpu.memory_space<hbm>>) target(%arg17 : memref<128x128xf32, #tpu.memory_space<vmem>>) offsets(%dma_start3A_670 : memref<128xi32, #tpu.memory_space<vmem>>) semaphore(%arg20 : memref<!tpu.dma_semaphore, #tpu.memory_space<semaphore_mem>>)
      } else {
      }
      %dma_start3A_660 = arith.constant 0 : i32
      %dma_start3A_661 = arith.constant 0 : i32
      %dma_start3A_662 = tpu.memref_slice %arg16[%dma_start3A_660, %dma_start3A_661] : memref<1x128xi32, #tpu.memory_space<vmem>> -> memref<1x128xi32, #tpu.memory_space<vmem>>
      %dma_start3A_663 = tpu.memref_squeeze %dma_start3A_662 : memref<1x128xi32, #tpu.memory_space<vmem>> -> memref<128xi32, #tpu.memory_space<vmem>>
      %dma_start3A_664 = arith.constant 0 : i32
      %dma_start3A_665 = arith.constant 0 : i32
      %dma_start3A_666 = tpu.memref_slice %arg12[%dma_start3A_664, %dma_start3A_665] : memref<10240x128xf32, #tpu.memory_space<vmem_shared>> -> memref<10240x128xf32, #tpu.memory_space<vmem_shared>>
      tpu.enqueue_indirect_dma source(%arg18 : memref<128x128xf32, #tpu.memory_space<vmem>>) target(%dma_start3A_666 : memref<10240x128xf32, #tpu.memory_space<vmem_shared>>) offsets(%dma_start3A_663 : memref<128xi32, #tpu.memory_space<vmem>>) semaphore(%arg21 : memref<!tpu.dma_semaphore, #tpu.memory_space<semaphore_mem>>) {add = true}
    }
    %scan3A_28 = arith.constant 79 : i32
    %dma_wait3A = arith.constant 0 : i32
    %dma_wait3A_29 = arith.constant 0 : i32
    %dma_wait3A_30 = tpu.memref_slice %arg2[%dma_wait3A, %dma_wait3A_29] : memref<10000x128xf32, #tpu.memory_space<hbm>> -> memref<128x128xf32, #tpu.memory_space<hbm>>
    %dma_wait3A_31 = arith.constant 0 : i32
    %dma_wait3A_32 = arith.constant 0 : i32
    %dma_wait3A_33 = tpu.memref_slice %arg2[%dma_wait3A_31, %dma_wait3A_32] : memref<10000x128xf32, #tpu.memory_space<hbm>> -> memref<128x128xf32, #tpu.memory_space<hbm>>
    tpu.wait_dma2 semaphore(%arg21 : memref<!tpu.dma_semaphore, #tpu.memory_space<semaphore_mem>>) src(%dma_wait3A_33 : memref<128x128xf32, #tpu.memory_space<hbm>>) dst(%arg18 : memref<128x128xf32, #tpu.memory_space<vmem>>)
    %barrier3A_34 = arith.constant 0 : index
    tpu.barrier barrier_id(%barrier3A_34)
    %eq3A_35 = arith.constant 0 : i32
    %eq3A_36 = arith.cmpi eq, %arg0, %eq3A_35 : i32
    %convert_element_type3A = arith.extui %eq3A_36 : i1 to i32
    %cond3A = arith.constant 0 : i32
    %cond3A_37 = arith.cmpi ne, %convert_element_type3A, %cond3A : i32
    scf.if %cond3A_37 {
      "tpu.region"() ({
        %run_scoped3A = tpu.sem_alloc : memref<!tpu.dma_semaphore, #tpu.memory_space<semaphore_mem>>
        %dma_start3A_261 = arith.constant 0 : i32
        %dma_start3A_262 = tpu.memref_slice %arg8[%mul3A_8, %dma_start3A_261] : memref<10240x128xf32, #tpu.memory_space<hbm>> -> memref<640x128xf32, #tpu.memory_space<hbm>>
        %dma_start3A_263 = arith.constant 0 : i32
        %dma_start3A_264 = tpu.memref_slice %arg12[%mul3A_8, %dma_start3A_263] : memref<10240x128xf32, #tpu.memory_space<vmem_shared>> -> memref<640x128xf32, #tpu.memory_space<vmem_shared>>
        tpu.enqueue_dma source(%dma_start3A_264 : memref<640x128xf32, #tpu.memory_space<vmem_shared>>) target(%dma_start3A_262 : memref<640x128xf32, #tpu.memory_space<hbm>>) target_semaphore(%run_scoped3A : memref<!tpu.dma_semaphore, #tpu.memory_space<semaphore_mem>>)
        %dma_wait3A_265 = arith.constant 0 : i32
        %dma_wait3A_266 = tpu.memref_slice %arg8[%mul3A_8, %dma_wait3A_265] : memref<10240x128xf32, #tpu.memory_space<hbm>> -> memref<640x128xf32, #tpu.memory_space<hbm>>
        %dma_wait3A_267 = arith.constant 0 : i32
        %dma_wait3A_268 = tpu.memref_slice %arg12[%mul3A_8, %dma_wait3A_267] : memref<10240x128xf32, #tpu.memory_space<vmem_shared>> -> memref<640x128xf32, #tpu.memory_space<vmem_shared>>
        tpu.wait_dma2 semaphore(%run_scoped3A : memref<!tpu.dma_semaphore, #tpu.memory_space<semaphore_mem>>) src(%dma_wait3A_268 : memref<640x128xf32, #tpu.memory_space<vmem_shared>>) dst(%dma_wait3A_266 : memref<640x128xf32, #tpu.memory_space<hbm>>)
        tpu.yield
      }) : () -> ()
    } else {
    }
    %eq3A_38 = arith.constant 1 : i32
    %eq3A_39 = arith.cmpi eq, %arg0, %eq3A_38 : i32
    %convert_element_type3A_40 = arith.extui %eq3A_39 : i1 to i32
    %cond3A_41 = arith.constant 0 : i32
    %cond3A_42 = arith.cmpi ne, %convert_element_type3A_40, %cond3A_41 : i32
    scf.if %cond3A_42 {
      "tpu.region"() ({
        %run_scoped3A = tpu.sem_alloc : memref<!tpu.dma_semaphore, #tpu.memory_space<semaphore_mem>>
        %dma_start3A_261 = arith.constant 0 : i32
        %dma_start3A_262 = tpu.memref_slice %arg9[%mul3A_8, %dma_start3A_261] : memref<10240x128xf32, #tpu.memory_space<hbm>> -> memref<640x128xf32, #tpu.memory_space<hbm>>
        %dma_start3A_263 = arith.constant 0 : i32
        %dma_start3A_264 = tpu.memref_slice %arg12[%mul3A_8, %dma_start3A_263] : memref<10240x128xf32, #tpu.memory_space<vmem_shared>> -> memref<640x128xf32, #tpu.memory_space<vmem_shared>>
        tpu.enqueue_dma source(%dma_start3A_264 : memref<640x128xf32, #tpu.memory_space<vmem_shared>>) target(%dma_start3A_262 : memref<640x128xf32, #tpu.memory_space<hbm>>) target_semaphore(%run_scoped3A : memref<!tpu.dma_semaphore, #tpu.memory_space<semaphore_mem>>)
        %dma_wait3A_265 = arith.constant 0 : i32
        %dma_wait3A_266 = tpu.memref_slice %arg9[%mul3A_8, %dma_wait3A_265] : memref<10240x128xf32, #tpu.memory_space<hbm>> -> memref<640x128xf32, #tpu.memory_space<hbm>>
        %dma_wait3A_267 = arith.constant 0 : i32
        %dma_wait3A_268 = tpu.memref_slice %arg12[%mul3A_8, %dma_wait3A_267] : memref<10240x128xf32, #tpu.memory_space<vmem_shared>> -> memref<640x128xf32, #tpu.memory_space<vmem_shared>>
        tpu.wait_dma2 semaphore(%run_scoped3A : memref<!tpu.dma_semaphore, #tpu.memory_space<semaphore_mem>>) src(%dma_wait3A_268 : memref<640x128xf32, #tpu.memory_space<vmem_shared>>) dst(%dma_wait3A_266 : memref<640x128xf32, #tpu.memory_space<hbm>>)
        tpu.yield
      }) : () -> ()
    } else {
    }
    %barrier3A_43 = arith.constant 0 : index
    tpu.barrier barrier_id(%barrier3A_43)
    %scan3A_44 = arith.constant 0 : i32
    %scan3A_45 = arith.constant 128 : i32
    %scan3A_46 = arith.addi %scan3A_44, %scan3A_45 : i32
    %scan3A_47 = arith.constant 1 : i32
    scf.for %scan3A_261 = %scan3A_44 to %scan3A_46 step %scan3A_47  : i32 {
      %swap3A_262 = arith.index_cast %scan3A_261 : i32 to index
      %swap3A_263 = arith.constant 0 : index
      %swap3A_264 = tpu.vector_load %arg17[%swap3A_262, %swap3A_263] {strides = array<i32>} : memref<128x128xf32, #tpu.memory_space<vmem>>, vector<1x16xf32>,
      %swap3A_265 = vector.shape_cast %swap3A_264 : vector<1x16xf32> to vector<16xf32>
      %swap3A_266 = vector.shape_cast %broadcast_in_dim3A_0 : vector<16xf32> to vector<1x16xf32>
      tpu.vector_store %arg17[%swap3A_262, %swap3A_263], %swap3A_266 {strides = array<i32>} : memref<128x128xf32, #tpu.memory_space<vmem>>, vector<1x16xf32>,
      %swap3A_267 = arith.index_cast %scan3A_261 : i32 to index
      %swap3A_268 = arith.constant 16 : index
      %swap3A_269 = tpu.vector_load %arg17[%swap3A_267, %swap3A_268] {strides = array<i32>} : memref<128x128xf32, #tpu.memory_space<vmem>>, vector<1x16xf32>,
      %swap3A_270 = vector.shape_cast %swap3A_269 : vector<1x16xf32> to vector<16xf32>
      %swap3A_271 = vector.shape_cast %broadcast_in_dim3A_0 : vector<16xf32> to vector<1x16xf32>
      tpu.vector_store %arg17[%swap3A_267, %swap3A_268], %swap3A_271 {strides = array<i32>} : memref<128x128xf32, #tpu.memory_space<vmem>>, vector<1x16xf32>,
      %swap3A_272 = arith.index_cast %scan3A_261 : i32 to index
      %swap3A_273 = arith.constant 32 : index
      %swap3A_274 = tpu.vector_load %arg17[%swap3A_272, %swap3A_273] {strides = array<i32>} : memref<128x128xf32, #tpu.memory_space<vmem>>, vector<1x16xf32>,
      %swap3A_275 = vector.shape_cast %swap3A_274 : vector<1x16xf32> to vector<16xf32>
      %swap3A_276 = vector.shape_cast %broadcast_in_dim3A_0 : vector<16xf32> to vector<1x16xf32>
      tpu.vector_store %arg17[%swap3A_272, %swap3A_273], %swap3A_276 {strides = array<i32>} : memref<128x128xf32, #tpu.memory_space<vmem>>, vector<1x16xf32>,
      %swap3A_277 = arith.index_cast %scan3A_261 : i32 to index
      %swap3A_278 = arith.constant 48 : index
      %swap3A_279 = tpu.vector_load %arg17[%swap3A_277, %swap3A_278] {strides = array<i32>} : memref<128x128xf32, #tpu.memory_space<vmem>>, vector<1x16xf32>,
      %swap3A_280 = vector.shape_cast %swap3A_279 : vector<1x16xf32> to vector<16xf32>
      %swap3A_281 = vector.shape_cast %broadcast_in_dim3A_0 : vector<16xf32> to vector<1x16xf32>
      tpu.vector_store %arg17[%swap3A_277, %swap3A_278], %swap3A_281 {strides = array<i32>} : memref<128x128xf32, #tpu.memory_space<vmem>>, vector<1x16xf32>,
      %swap3A_282 = arith.index_cast %scan3A_261 : i32 to index
      %swap3A_283 = arith.constant 64 : index
      %swap3A_284 = tpu.vector_load %arg17[%swap3A_282, %swap3A_283] {strides = array<i32>} : memref<128x128xf32, #tpu.memory_space<vmem>>, vector<1x16xf32>,
      %swap3A_285 = vector.shape_cast %swap3A_284 : vector<1x16xf32> to vector<16xf32>
      %swap3A_286 = vector.shape_cast %broadcast_in_dim3A_0 : vector<16xf32> to vector<1x16xf32>
      tpu.vector_store %arg17[%swap3A_282, %swap3A_283], %swap3A_286 {strides = array<i32>} : memref<128x128xf32, #tpu.memory_space<vmem>>, vector<1x16xf32>,
      %swap3A_287 = arith.index_cast %scan3A_261 : i32 to index
      %swap3A_288 = arith.constant 80 : index
      %swap3A_289 = tpu.vector_load %arg17[%swap3A_287, %swap3A_288] {strides = array<i32>} : memref<128x128xf32, #tpu.memory_space<vmem>>, vector<1x16xf32>,
      %swap3A_290 = vector.shape_cast %swap3A_289 : vector<1x16xf32> to vector<16xf32>
      %swap3A_291 = vector.shape_cast %broadcast_in_dim3A_0 : vector<16xf32> to vector<1x16xf32>
      tpu.vector_store %arg17[%swap3A_287, %swap3A_288], %swap3A_291 {strides = array<i32>} : memref<128x128xf32, #tpu.memory_space<vmem>>, vector<1x16xf32>,
      %swap3A_292 = arith.index_cast %scan3A_261 : i32 to index
      %swap3A_293 = arith.constant 96 : index
      %swap3A_294 = tpu.vector_load %arg17[%swap3A_292, %swap3A_293] {strides = array<i32>} : memref<128x128xf32, #tpu.memory_space<vmem>>, vector<1x16xf32>,
      %swap3A_295 = vector.shape_cast %swap3A_294 : vector<1x16xf32> to vector<16xf32>
      %swap3A_296 = vector.shape_cast %broadcast_in_dim3A_0 : vector<16xf32> to vector<1x16xf32>
      tpu.vector_store %arg17[%swap3A_292, %swap3A_293], %swap3A_296 {strides = array<i32>} : memref<128x128xf32, #tpu.memory_space<vmem>>, vector<1x16xf32>,
      %swap3A_297 = arith.index_cast %scan3A_261 : i32 to index
      %swap3A_298 = arith.constant 112 : index
      %swap3A_299 = tpu.vector_load %arg17[%swap3A_297, %swap3A_298] {strides = array<i32>} : memref<128x128xf32, #tpu.memory_space<vmem>>, vector<1x16xf32>,
      %swap3A_300 = vector.shape_cast %swap3A_299 : vector<1x16xf32> to vector<16xf32>
      %swap3A_301 = vector.shape_cast %broadcast_in_dim3A_0 : vector<16xf32> to vector<1x16xf32>
      tpu.vector_store %arg17[%swap3A_297, %swap3A_298], %swap3A_301 {strides = array<i32>} : memref<128x128xf32, #tpu.memory_space<vmem>>, vector<1x16xf32>,
    }
    %scan3A_48 = arith.constant 128 : i32
    %scan3A_49 = arith.constant 0 : i32
    %scan3A_50 = arith.constant 5 : i32
    %scan3A_51 = arith.addi %scan3A_49, %scan3A_50 : i32
    %scan3A_52 = arith.constant 1 : i32
    scf.for %scan3A_261 = %scan3A_49 to %scan3A_51 step %scan3A_52  : i32 {
      %mul3A_262 = arith.constant 128 : i32
      %mul3A_263 = arith.muli %scan3A_261, %mul3A_262 : i32
      %add3A = arith.addi %mul3A_8, %mul3A_263 : i32
      "tpu.region"() ({
        %run_scoped3A = tpu.sem_alloc : memref<!tpu.dma_semaphore, #tpu.memory_space<semaphore_mem>>
        %dma_start3A_264 = arith.constant 0 : i32
        %dma_start3A_265 = tpu.memref_slice %arg12[%add3A, %dma_start3A_264] : memref<10240x128xf32, #tpu.memory_space<vmem_shared>> -> memref<128x128xf32, #tpu.memory_space<vmem_shared>>
        %dma_start3A_266 = arith.constant 0 : i32
        %dma_start3A_267 = tpu.memref_slice %arg12[%add3A, %dma_start3A_266] : memref<10240x128xf32, #tpu.memory_space<vmem_shared>> -> memref<128x128xf32, #tpu.memory_space<vmem_shared>>
        tpu.enqueue_dma source(%arg17 : memref<128x128xf32, #tpu.memory_space<vmem>>) target(%dma_start3A_267 : memref<128x128xf32, #tpu.memory_space<vmem_shared>>) target_semaphore(%run_scoped3A : memref<!tpu.dma_semaphore, #tpu.memory_space<semaphore_mem>>)
        %dma_wait3A_268 = arith.constant 0 : i32
        %dma_wait3A_269 = tpu.memref_slice %arg12[%add3A, %dma_wait3A_268] : memref<10240x128xf32, #tpu.memory_space<vmem_shared>> -> memref<128x128xf32, #tpu.memory_space<vmem_shared>>
        %dma_wait3A_270 = arith.constant 0 : i32
        %dma_wait3A_271 = tpu.memref_slice %arg12[%add3A, %dma_wait3A_270] : memref<10240x128xf32, #tpu.memory_space<vmem_shared>> -> memref<128x128xf32, #tpu.memory_space<vmem_shared>>
        tpu.wait_dma2 semaphore(%run_scoped3A : memref<!tpu.dma_semaphore, #tpu.memory_space<semaphore_mem>>) src(%arg17 : memref<128x128xf32, #tpu.memory_space<vmem>>) dst(%dma_wait3A_271 : memref<128x128xf32, #tpu.memory_space<vmem_shared>>)
        tpu.yield
      }) : () -> ()
    }
    %scan3A_53 = arith.constant 5 : i32
    %scan3A_54 = arith.constant 0 : i32
    %scan3A_55 = arith.constant 128 : i32
    %scan3A_56 = arith.addi %scan3A_54, %scan3A_55 : i32
    %scan3A_57 = arith.constant 1 : i32
    scf.for %scan3A_261 = %scan3A_54 to %scan3A_56 step %scan3A_57  : i32 {
      %swap3A_262 = arith.index_cast %scan3A_261 : i32 to index
      %swap3A_263 = arith.constant 0 : index
      %swap3A_264 = tpu.vector_load %arg17[%swap3A_262, %swap3A_263] {strides = array<i32>} : memref<128x128xf32, #tpu.memory_space<vmem>>, vector<1x16xf32>,
      %swap3A_265 = vector.shape_cast %swap3A_264 : vector<1x16xf32> to vector<16xf32>
      %swap3A_266 = vector.shape_cast %select_n3A : vector<16xf32> to vector<1x16xf32>
      tpu.vector_store %arg17[%swap3A_262, %swap3A_263], %swap3A_266 {strides = array<i32>} : memref<128x128xf32, #tpu.memory_space<vmem>>, vector<1x16xf32>,
    }
    %scan3A_58 = arith.constant 128 : i32
    %barrier3A_59 = arith.constant 0 : index
    tpu.barrier barrier_id(%barrier3A_59)
    "tpu.region"() ({
      %run_scoped3A = tpu.sem_alloc : memref<!tpu.dma_semaphore, #tpu.memory_space<semaphore_mem>>
      %dma_start3A_261 = arith.constant 0 : i32
      %dma_start3A_262 = arith.constant 0 : i32
      %dma_start3A_263 = tpu.memref_slice %arg3[%mul3A_6, %dma_start3A_261, %dma_start3A_262] : memref<2528x3x128xi32, #tpu.memory_space<hbm>> -> memref<1x3x128xi32, #tpu.memory_space<hbm>>
      %dma_start3A_264 = tpu.memref_squeeze %dma_start3A_263 : memref<1x3x128xi32, #tpu.memory_space<hbm>> -> memref<3x128xi32, #tpu.memory_space<hbm>>
      %dma_start3A_265 = arith.constant 0 : i32
      %dma_start3A_266 = arith.constant 0 : i32
      %dma_start3A_267 = tpu.memref_slice %arg3[%mul3A_6, %dma_start3A_265, %dma_start3A_266] : memref<2528x3x128xi32, #tpu.memory_space<hbm>> -> memref<1x3x128xi32, #tpu.memory_space<hbm>>
      %dma_start3A_268 = tpu.memref_squeeze %dma_start3A_267 : memref<1x3x128xi32, #tpu.memory_space<hbm>> -> memref<3x128xi32, #tpu.memory_space<hbm>>
      tpu.enqueue_dma source(%dma_start3A_268 : memref<3x128xi32, #tpu.memory_space<hbm>>) target(%arg13 : memref<3x128xi32, #tpu.memory_space<vmem>>) target_semaphore(%run_scoped3A : memref<!tpu.dma_semaphore, #tpu.memory_space<semaphore_mem>>)
      %dma_wait3A_269 = arith.constant 0 : i32
      %dma_wait3A_270 = arith.constant 0 : i32
      %dma_wait3A_271 = tpu.memref_slice %arg3[%mul3A_6, %dma_wait3A_269, %dma_wait3A_270] : memref<2528x3x128xi32, #tpu.memory_space<hbm>> -> memref<1x3x128xi32, #tpu.memory_space<hbm>>
      %dma_wait3A_272 = tpu.memref_squeeze %dma_wait3A_271 : memref<1x3x128xi32, #tpu.memory_space<hbm>> -> memref<3x128xi32, #tpu.memory_space<hbm>>
      %dma_wait3A_273 = arith.constant 0 : i32
      %dma_wait3A_274 = arith.constant 0 : i32
      %dma_wait3A_275 = tpu.memref_slice %arg3[%mul3A_6, %dma_wait3A_273, %dma_wait3A_274] : memref<2528x3x128xi32, #tpu.memory_space<hbm>> -> memref<1x3x128xi32, #tpu.memory_space<hbm>>
      %dma_wait3A_276 = tpu.memref_squeeze %dma_wait3A_275 : memref<1x3x128xi32, #tpu.memory_space<hbm>> -> memref<3x128xi32, #tpu.memory_space<hbm>>
      tpu.wait_dma2 semaphore(%run_scoped3A : memref<!tpu.dma_semaphore, #tpu.memory_space<semaphore_mem>>) src(%dma_wait3A_276 : memref<3x128xi32, #tpu.memory_space<hbm>>) dst(%arg13 : memref<3x128xi32, #tpu.memory_space<vmem>>)
      tpu.yield
    }) : () -> ()
    %get3A = arith.constant 1 : i32
    %get3A_60 = arith.index_cast %get3A : i32 to index
    %get3A_61 = arith.constant 0 : index
    %get3A_62 = tpu.vector_load %arg13[%get3A_60, %get3A_61] {strides = array<i32>} : memref<3x128xi32, #tpu.memory_space<vmem>>, vector<1x16xi32>,
    %get3A_63 = vector.shape_cast %get3A_62 : vector<1x16xi32> to vector<16xi32>
    %get3A_64 = arith.constant 2 : i32
    %get3A_65 = arith.index_cast %get3A_64 : i32 to index
    %get3A_66 = arith.constant 0 : index
    %get3A_67 = tpu.vector_load %arg13[%get3A_65, %get3A_66] {strides = array<i32>} : memref<3x128xi32, #tpu.memory_space<vmem>>, vector<1x16xi32>,
    %get3A_68 = vector.shape_cast %get3A_67 : vector<1x16xi32> to vector<16xi32>
    %eq3A_69 = vector.broadcast %arg0 : i32 to vector<16xi32>
    %eq3A_70 = arith.cmpi eq, %get3A_68, %eq3A_69 : vector<16xi32>
    %jit3A_71 = arith.constant 10000 : i32
    %broadcast_in_dim3A_72 = vector.broadcast %jit3A_71 : i32 to vector<16xi32>
    %select_n3A_73 = arith.select %eq3A_70, %get3A_63, %broadcast_in_dim3A_72 : vector<16xi1>, vector<16xi32>
    %swap3A = arith.constant 0 : i32
    %swap3A_74 = arith.index_cast %swap3A : i32 to index
    %swap3A_75 = arith.constant 0 : index
    %swap3A_76 = tpu.vector_load %arg15[%swap3A_74, %swap3A_75] {strides = array<i32>} : memref<1x128xi32, #tpu.memory_space<vmem>>, vector<1x16xi32>,
    %swap3A_77 = vector.shape_cast %swap3A_76 : vector<1x16xi32> to vector<16xi32>
    %swap3A_78 = vector.shape_cast %select_n3A_73 : vector<16xi32> to vector<1x16xi32>
    tpu.vector_store %arg15[%swap3A_74, %swap3A_75], %swap3A_78 {strides = array<i32>} : memref<1x128xi32, #tpu.memory_space<vmem>>, vector<1x16xi32>,
    %get3A_79 = arith.constant 1 : i32
    %get3A_80 = arith.index_cast %get3A_79 : i32 to index
    %get3A_81 = arith.constant 16 : index
    %get3A_82 = tpu.vector_load %arg13[%get3A_80, %get3A_81] {strides = array<i32>} : memref<3x128xi32, #tpu.memory_space<vmem>>, vector<1x16xi32>,
    %get3A_83 = vector.shape_cast %get3A_82 : vector<1x16xi32> to vector<16xi32>
    %get3A_84 = arith.constant 2 : i32
    %get3A_85 = arith.index_cast %get3A_84 : i32 to index
    %get3A_86 = arith.constant 16 : index
    %get3A_87 = tpu.vector_load %arg13[%get3A_85, %get3A_86] {strides = array<i32>} : memref<3x128xi32, #tpu.memory_space<vmem>>, vector<1x16xi32>,
    %get3A_88 = vector.shape_cast %get3A_87 : vector<1x16xi32> to vector<16xi32>
    %eq3A_89 = vector.broadcast %arg0 : i32 to vector<16xi32>
    %eq3A_90 = arith.cmpi eq, %get3A_88, %eq3A_89 : vector<16xi32>
    %jit3A_91 = arith.constant 10000 : i32
    %broadcast_in_dim3A_92 = vector.broadcast %jit3A_91 : i32 to vector<16xi32>
    %select_n3A_93 = arith.select %eq3A_90, %get3A_83, %broadcast_in_dim3A_92 : vector<16xi1>, vector<16xi32>
    %swap3A_94 = arith.constant 0 : i32
    %swap3A_95 = arith.index_cast %swap3A_94 : i32 to index
    %swap3A_96 = arith.constant 16 : index
    %swap3A_97 = tpu.vector_load %arg15[%swap3A_95, %swap3A_96] {strides = array<i32>} : memref<1x128xi32, #tpu.memory_space<vmem>>, vector<1x16xi32>,
    %swap3A_98 = vector.shape_cast %swap3A_97 : vector<1x16xi32> to vector<16xi32>
    %swap3A_99 = vector.shape_cast %select_n3A_93 : vector<16xi32> to vector<1x16xi32>
    tpu.vector_store %arg15[%swap3A_95, %swap3A_96], %swap3A_99 {strides = array<i32>} : memref<1x128xi32, #tpu.memory_space<vmem>>, vector<1x16xi32>,
    %get3A_100 = arith.constant 1 : i32
    %get3A_101 = arith.index_cast %get3A_100 : i32 to index
    %get3A_102 = arith.constant 32 : index
    %get3A_103 = tpu.vector_load %arg13[%get3A_101, %get3A_102] {strides = array<i32>} : memref<3x128xi32, #tpu.memory_space<vmem>>, vector<1x16xi32>,
    %get3A_104 = vector.shape_cast %get3A_103 : vector<1x16xi32> to vector<16xi32>
    %get3A_105 = arith.constant 2 : i32
    %get3A_106 = arith.index_cast %get3A_105 : i32 to index
    %get3A_107 = arith.constant 32 : index
    %get3A_108 = tpu.vector_load %arg13[%get3A_106, %get3A_107] {strides = array<i32>} : memref<3x128xi32, #tpu.memory_space<vmem>>, vector<1x16xi32>,
    %get3A_109 = vector.shape_cast %get3A_108 : vector<1x16xi32> to vector<16xi32>
    %eq3A_110 = vector.broadcast %arg0 : i32 to vector<16xi32>
    %eq3A_111 = arith.cmpi eq, %get3A_109, %eq3A_110 : vector<16xi32>
    %jit3A_112 = arith.constant 10000 : i32
    %broadcast_in_dim3A_113 = vector.broadcast %jit3A_112 : i32 to vector<16xi32>
    %select_n3A_114 = arith.select %eq3A_111, %get3A_104, %broadcast_in_dim3A_113 : vector<16xi1>, vector<16xi32>
    %swap3A_115 = arith.constant 0 : i32
    %swap3A_116 = arith.index_cast %swap3A_115 : i32 to index
    %swap3A_117 = arith.constant 32 : index
    %swap3A_118 = tpu.vector_load %arg15[%swap3A_116, %swap3A_117] {strides = array<i32>} : memref<1x128xi32, #tpu.memory_space<vmem>>, vector<1x16xi32>,
    %swap3A_119 = vector.shape_cast %swap3A_118 : vector<1x16xi32> to vector<16xi32>
    %swap3A_120 = vector.shape_cast %select_n3A_114 : vector<16xi32> to vector<1x16xi32>
    tpu.vector_store %arg15[%swap3A_116, %swap3A_117], %swap3A_120 {strides = array<i32>} : memref<1x128xi32, #tpu.memory_space<vmem>>, vector<1x16xi32>,
    %get3A_121 = arith.constant 1 : i32
    %get3A_122 = arith.index_cast %get3A_121 : i32 to index
    %get3A_123 = arith.constant 48 : index
    %get3A_124 = tpu.vector_load %arg13[%get3A_122, %get3A_123] {strides = array<i32>} : memref<3x128xi32, #tpu.memory_space<vmem>>, vector<1x16xi32>,
    %get3A_125 = vector.shape_cast %get3A_124 : vector<1x16xi32> to vector<16xi32>
    %get3A_126 = arith.constant 2 : i32
    %get3A_127 = arith.index_cast %get3A_126 : i32 to index
    %get3A_128 = arith.constant 48 : index
    %get3A_129 = tpu.vector_load %arg13[%get3A_127, %get3A_128] {strides = array<i32>} : memref<3x128xi32, #tpu.memory_space<vmem>>, vector<1x16xi32>,
    %get3A_130 = vector.shape_cast %get3A_129 : vector<1x16xi32> to vector<16xi32>
    %eq3A_131 = vector.broadcast %arg0 : i32 to vector<16xi32>
    %eq3A_132 = arith.cmpi eq, %get3A_130, %eq3A_131 : vector<16xi32>
    %jit3A_133 = arith.constant 10000 : i32
    %broadcast_in_dim3A_134 = vector.broadcast %jit3A_133 : i32 to vector<16xi32>
    %select_n3A_135 = arith.select %eq3A_132, %get3A_125, %broadcast_in_dim3A_134 : vector<16xi1>, vector<16xi32>
    %swap3A_136 = arith.constant 0 : i32
    %swap3A_137 = arith.index_cast %swap3A_136 : i32 to index
    %swap3A_138 = arith.constant 48 : index
    %swap3A_139 = tpu.vector_load %arg15[%swap3A_137, %swap3A_138] {strides = array<i32>} : memref<1x128xi32, #tpu.memory_space<vmem>>, vector<1x16xi32>,
    %swap3A_140 = vector.shape_cast %swap3A_139 : vector<1x16xi32> to vector<16xi32>
    %swap3A_141 = vector.shape_cast %select_n3A_135 : vector<16xi32> to vector<1x16xi32>
    tpu.vector_store %arg15[%swap3A_137, %swap3A_138], %swap3A_141 {strides = array<i32>} : memref<1x128xi32, #tpu.memory_space<vmem>>, vector<1x16xi32>,
    %get3A_142 = arith.constant 1 : i32
    %get3A_143 = arith.index_cast %get3A_142 : i32 to index
    %get3A_144 = arith.constant 64 : index
    %get3A_145 = tpu.vector_load %arg13[%get3A_143, %get3A_144] {strides = array<i32>} : memref<3x128xi32, #tpu.memory_space<vmem>>, vector<1x16xi32>,
    %get3A_146 = vector.shape_cast %get3A_145 : vector<1x16xi32> to vector<16xi32>
    %get3A_147 = arith.constant 2 : i32
    %get3A_148 = arith.index_cast %get3A_147 : i32 to index
    %get3A_149 = arith.constant 64 : index
    %get3A_150 = tpu.vector_load %arg13[%get3A_148, %get3A_149] {strides = array<i32>} : memref<3x128xi32, #tpu.memory_space<vmem>>, vector<1x16xi32>,
    %get3A_151 = vector.shape_cast %get3A_150 : vector<1x16xi32> to vector<16xi32>
    %eq3A_152 = vector.broadcast %arg0 : i32 to vector<16xi32>
    %eq3A_153 = arith.cmpi eq, %get3A_151, %eq3A_152 : vector<16xi32>
    %jit3A_154 = arith.constant 10000 : i32
    %broadcast_in_dim3A_155 = vector.broadcast %jit3A_154 : i32 to vector<16xi32>
    %select_n3A_156 = arith.select %eq3A_153, %get3A_146, %broadcast_in_dim3A_155 : vector<16xi1>, vector<16xi32>
    %swap3A_157 = arith.constant 0 : i32
    %swap3A_158 = arith.index_cast %swap3A_157 : i32 to index
    %swap3A_159 = arith.constant 64 : index
    %swap3A_160 = tpu.vector_load %arg15[%swap3A_158, %swap3A_159] {strides = array<i32>} : memref<1x128xi32, #tpu.memory_space<vmem>>, vector<1x16xi32>,
    %swap3A_161 = vector.shape_cast %swap3A_160 : vector<1x16xi32> to vector<16xi32>
    %swap3A_162 = vector.shape_cast %select_n3A_156 : vector<16xi32> to vector<1x16xi32>
    tpu.vector_store %arg15[%swap3A_158, %swap3A_159], %swap3A_162 {strides = array<i32>} : memref<1x128xi32, #tpu.memory_space<vmem>>, vector<1x16xi32>,
    %get3A_163 = arith.constant 1 : i32
    %get3A_164 = arith.index_cast %get3A_163 : i32 to index
    %get3A_165 = arith.constant 80 : index
    %get3A_166 = tpu.vector_load %arg13[%get3A_164, %get3A_165] {strides = array<i32>} : memref<3x128xi32, #tpu.memory_space<vmem>>, vector<1x16xi32>,
    %get3A_167 = vector.shape_cast %get3A_166 : vector<1x16xi32> to vector<16xi32>
    %get3A_168 = arith.constant 2 : i32
    %get3A_169 = arith.index_cast %get3A_168 : i32 to index
    %get3A_170 = arith.constant 80 : index
    %get3A_171 = tpu.vector_load %arg13[%get3A_169, %get3A_170] {strides = array<i32>} : memref<3x128xi32, #tpu.memory_space<vmem>>, vector<1x16xi32>,
    %get3A_172 = vector.shape_cast %get3A_171 : vector<1x16xi32> to vector<16xi32>
    %eq3A_173 = vector.broadcast %arg0 : i32 to vector<16xi32>
    %eq3A_174 = arith.cmpi eq, %get3A_172, %eq3A_173 : vector<16xi32>
    %jit3A_175 = arith.constant 10000 : i32
    %broadcast_in_dim3A_176 = vector.broadcast %jit3A_175 : i32 to vector<16xi32>
    %select_n3A_177 = arith.select %eq3A_174, %get3A_167, %broadcast_in_dim3A_176 : vector<16xi1>, vector<16xi32>
    %swap3A_178 = arith.constant 0 : i32
    %swap3A_179 = arith.index_cast %swap3A_178 : i32 to index
    %swap3A_180 = arith.constant 80 : index
    %swap3A_181 = tpu.vector_load %arg15[%swap3A_179, %swap3A_180] {strides = array<i32>} : memref<1x128xi32, #tpu.memory_space<vmem>>, vector<1x16xi32>,
    %swap3A_182 = vector.shape_cast %swap3A_181 : vector<1x16xi32> to vector<16xi32>
    %swap3A_183 = vector.shape_cast %select_n3A_177 : vector<16xi32> to vector<1x16xi32>
    tpu.vector_store %arg15[%swap3A_179, %swap3A_180], %swap3A_183 {strides = array<i32>} : memref<1x128xi32, #tpu.memory_space<vmem>>, vector<1x16xi32>,
    %get3A_184 = arith.constant 1 : i32
    %get3A_185 = arith.index_cast %get3A_184 : i32 to index
    %get3A_186 = arith.constant 96 : index
    %get3A_187 = tpu.vector_load %arg13[%get3A_185, %get3A_186] {strides = array<i32>} : memref<3x128xi32, #tpu.memory_space<vmem>>, vector<1x16xi32>,
    %get3A_188 = vector.shape_cast %get3A_187 : vector<1x16xi32> to vector<16xi32>
    %get3A_189 = arith.constant 2 : i32
    %get3A_190 = arith.index_cast %get3A_189 : i32 to index
    %get3A_191 = arith.constant 96 : index
    %get3A_192 = tpu.vector_load %arg13[%get3A_190, %get3A_191] {strides = array<i32>} : memref<3x128xi32, #tpu.memory_space<vmem>>, vector<1x16xi32>,
    %get3A_193 = vector.shape_cast %get3A_192 : vector<1x16xi32> to vector<16xi32>
    %eq3A_194 = vector.broadcast %arg0 : i32 to vector<16xi32>
    %eq3A_195 = arith.cmpi eq, %get3A_193, %eq3A_194 : vector<16xi32>
    %jit3A_196 = arith.constant 10000 : i32
    %broadcast_in_dim3A_197 = vector.broadcast %jit3A_196 : i32 to vector<16xi32>
    %select_n3A_198 = arith.select %eq3A_195, %get3A_188, %broadcast_in_dim3A_197 : vector<16xi1>, vector<16xi32>
    %swap3A_199 = arith.constant 0 : i32
    %swap3A_200 = arith.index_cast %swap3A_199 : i32 to index
    %swap3A_201 = arith.constant 96 : index
    %swap3A_202 = tpu.vector_load %arg15[%swap3A_200, %swap3A_201] {strides = array<i32>} : memref<1x128xi32, #tpu.memory_space<vmem>>, vector<1x16xi32>,
    %swap3A_203 = vector.shape_cast %swap3A_202 : vector<1x16xi32> to vector<16xi32>
    %swap3A_204 = vector.shape_cast %select_n3A_198 : vector<16xi32> to vector<1x16xi32>
    tpu.vector_store %arg15[%swap3A_200, %swap3A_201], %swap3A_204 {strides = array<i32>} : memref<1x128xi32, #tpu.memory_space<vmem>>, vector<1x16xi32>,
    %get3A_205 = arith.constant 1 : i32
    %get3A_206 = arith.index_cast %get3A_205 : i32 to index
    %get3A_207 = arith.constant 112 : index
    %get3A_208 = tpu.vector_load %arg13[%get3A_206, %get3A_207] {strides = array<i32>} : memref<3x128xi32, #tpu.memory_space<vmem>>, vector<1x16xi32>,
    %get3A_209 = vector.shape_cast %get3A_208 : vector<1x16xi32> to vector<16xi32>
    %get3A_210 = arith.constant 2 : i32
    %get3A_211 = arith.index_cast %get3A_210 : i32 to index
    %get3A_212 = arith.constant 112 : index
    %get3A_213 = tpu.vector_load %arg13[%get3A_211, %get3A_212] {strides = array<i32>} : memref<3x128xi32, #tpu.memory_space<vmem>>, vector<1x16xi32>,
    %get3A_214 = vector.shape_cast %get3A_213 : vector<1x16xi32> to vector<16xi32>
    %eq3A_215 = vector.broadcast %arg0 : i32 to vector<16xi32>
    %eq3A_216 = arith.cmpi eq, %get3A_214, %eq3A_215 : vector<16xi32>
    %jit3A_217 = arith.constant 10000 : i32
    %broadcast_in_dim3A_218 = vector.broadcast %jit3A_217 : i32 to vector<16xi32>
    %select_n3A_219 = arith.select %eq3A_216, %get3A_209, %broadcast_in_dim3A_218 : vector<16xi1>, vector<16xi32>
    %swap3A_220 = arith.constant 0 : i32
    %swap3A_221 = arith.index_cast %swap3A_220 : i32 to index
    %swap3A_222 = arith.constant 112 : index
    %swap3A_223 = tpu.vector_load %arg15[%swap3A_221, %swap3A_222] {strides = array<i32>} : memref<1x128xi32, #tpu.memory_space<vmem>>, vector<1x16xi32>,
    %swap3A_224 = vector.shape_cast %swap3A_223 : vector<1x16xi32> to vector<16xi32>
    %swap3A_225 = vector.shape_cast %select_n3A_219 : vector<16xi32> to vector<1x16xi32>
    tpu.vector_store %arg15[%swap3A_221, %swap3A_222], %swap3A_225 {strides = array<i32>} : memref<1x128xi32, #tpu.memory_space<vmem>>, vector<1x16xi32>,
    %scan3A_226 = arith.constant 0 : i32
    %scan3A_227 = arith.constant 79 : i32
    %scan3A_228 = arith.addi %scan3A_226, %scan3A_227 : i32
    %scan3A_229 = arith.constant 1 : i32
    scf.for %scan3A_261 = %scan3A_226 to %scan3A_228 step %scan3A_229  : i32 {
      %mul3A_262 = arith.constant 2 : i32
      %mul3A_263 = arith.muli %mul3A_262, %scan3A_261 : i32
      %add3A = arith.constant 0 : i32
      %add3A_264 = arith.addi %mul3A_263, %add3A : i32
      %ge3A = arith.constant 1 : i32
      %ge3A_265 = arith.cmpi sge, %add3A_264, %ge3A : i32
      %convert_element_type3A_266 = arith.extui %ge3A_265 : i1 to i32
      %cond3A_267 = arith.constant 0 : i32
      %cond3A_268 = arith.cmpi ne, %convert_element_type3A_266, %cond3A_267 : i32
      scf.if %cond3A_268 {
        %dma_wait3A_305 = arith.constant 0 : i32
        %dma_wait3A_306 = arith.constant 0 : i32
        %dma_wait3A_307 = tpu.memref_slice %arg2[%dma_wait3A_305, %dma_wait3A_306] : memref<10000x128xf32, #tpu.memory_space<hbm>> -> memref<128x128xf32, #tpu.memory_space<hbm>>
        %dma_wait3A_308 = arith.constant 0 : i32
        %dma_wait3A_309 = arith.constant 0 : i32
        %dma_wait3A_310 = tpu.memref_slice %arg2[%dma_wait3A_308, %dma_wait3A_309] : memref<10000x128xf32, #tpu.memory_space<hbm>> -> memref<128x128xf32, #tpu.memory_space<hbm>>
        tpu.wait_dma2 semaphore(%arg21 : memref<!tpu.dma_semaphore, #tpu.memory_space<semaphore_mem>>) src(%dma_wait3A_310 : memref<128x128xf32, #tpu.memory_space<hbm>>) dst(%arg18 : memref<128x128xf32, #tpu.memory_space<vmem>>)
      } else {
      }
      %dma_start3A_269 = arith.constant 0 : i32
      %dma_start3A_270 = arith.constant 0 : i32
      %dma_start3A_271 = tpu.memref_slice %arg15[%dma_start3A_269, %dma_start3A_270] : memref<1x128xi32, #tpu.memory_space<vmem>> -> memref<1x128xi32, #tpu.memory_space<vmem>>
      %dma_start3A_272 = tpu.memref_squeeze %dma_start3A_271 : memref<1x128xi32, #tpu.memory_space<vmem>> -> memref<128xi32, #tpu.memory_space<vmem>>
      %dma_start3A_273 = arith.constant 0 : i32
      %dma_start3A_274 = arith.constant 0 : i32
      %dma_start3A_275 = tpu.memref_slice %arg12[%dma_start3A_273, %dma_start3A_274] : memref<10240x128xf32, #tpu.memory_space<vmem_shared>> -> memref<10240x128xf32, #tpu.memory_space<vmem_shared>>
      tpu.enqueue_indirect_dma source(%arg17 : memref<128x128xf32, #tpu.memory_space<vmem>>) target(%dma_start3A_275 : memref<10240x128xf32, #tpu.memory_space<vmem_shared>>) offsets(%dma_start3A_272 : memref<128xi32, #tpu.memory_space<vmem>>) semaphore(%arg21 : memref<!tpu.dma_semaphore, #tpu.memory_space<semaphore_mem>>) {add = true}
      %add3A_276 = arith.constant 1 : i32
      %add3A_277 = arith.addi %add3A_264, %add3A_276 : i32
      %lt3A = arith.constant 158 : i32
      %lt3A_278 = arith.cmpi slt, %add3A_277, %lt3A : i32
      %convert_element_type3A_279 = arith.extui %lt3A_278 : i1 to i32
      %cond3A_280 = arith.constant 0 : i32
      %cond3A_281 = arith.cmpi ne, %convert_element_type3A_279, %cond3A_280 : i32
      scf.if %cond3A_281 {
        %add3A_305 = arith.addi %mul3A_6, %add3A_264 : i32
        %add3A_306 = arith.constant 1 : i32
        %add3A_307 = arith.addi %add3A_305, %add3A_306 : i32
        "tpu.region"() ({
          %run_scoped3A = tpu.sem_alloc : memref<!tpu.dma_semaphore, #tpu.memory_space<semaphore_mem>>
          %dma_start3A_476 = arith.constant 0 : i32
          %dma_start3A_477 = arith.constant 0 : i32
          %dma_start3A_478 = tpu.memref_slice %arg3[%add3A_307, %dma_start3A_476, %dma_start3A_477] : memref<2528x3x128xi32, #tpu.memory_space<hbm>> -> memref<1x3x128xi32, #tpu.memory_space<hbm>>
          %dma_start3A_479 = tpu.memref_squeeze %dma_start3A_478 : memref<1x3x128xi32, #tpu.memory_space<hbm>> -> memref<3x128xi32, #tpu.memory_space<hbm>>
          %dma_start3A_480 = arith.constant 0 : i32
          %dma_start3A_481 = arith.constant 0 : i32
          %dma_start3A_482 = tpu.memref_slice %arg3[%add3A_307, %dma_start3A_480, %dma_start3A_481] : memref<2528x3x128xi32, #tpu.memory_space<hbm>> -> memref<1x3x128xi32, #tpu.memory_space<hbm>>
          %dma_start3A_483 = tpu.memref_squeeze %dma_start3A_482 : memref<1x3x128xi32, #tpu.memory_space<hbm>> -> memref<3x128xi32, #tpu.memory_space<hbm>>
          tpu.enqueue_dma source(%dma_start3A_483 : memref<3x128xi32, #tpu.memory_space<hbm>>) target(%arg14 : memref<3x128xi32, #tpu.memory_space<vmem>>) target_semaphore(%run_scoped3A : memref<!tpu.dma_semaphore, #tpu.memory_space<semaphore_mem>>)
          %dma_wait3A_484 = arith.constant 0 : i32
          %dma_wait3A_485 = arith.constant 0 : i32
          %dma_wait3A_486 = tpu.memref_slice %arg3[%add3A_307, %dma_wait3A_484, %dma_wait3A_485] : memref<2528x3x128xi32, #tpu.memory_space<hbm>> -> memref<1x3x128xi32, #tpu.memory_space<hbm>>
          %dma_wait3A_487 = tpu.memref_squeeze %dma_wait3A_486 : memref<1x3x128xi32, #tpu.memory_space<hbm>> -> memref<3x128xi32, #tpu.memory_space<hbm>>
          %dma_wait3A_488 = arith.constant 0 : i32
          %dma_wait3A_489 = arith.constant 0 : i32
          %dma_wait3A_490 = tpu.memref_slice %arg3[%add3A_307, %dma_wait3A_488, %dma_wait3A_489] : memref<2528x3x128xi32, #tpu.memory_space<hbm>> -> memref<1x3x128xi32, #tpu.memory_space<hbm>>
          %dma_wait3A_491 = tpu.memref_squeeze %dma_wait3A_490 : memref<1x3x128xi32, #tpu.memory_space<hbm>> -> memref<3x128xi32, #tpu.memory_space<hbm>>
          tpu.wait_dma2 semaphore(%run_scoped3A : memref<!tpu.dma_semaphore, #tpu.memory_space<semaphore_mem>>) src(%dma_wait3A_491 : memref<3x128xi32, #tpu.memory_space<hbm>>) dst(%arg14 : memref<3x128xi32, #tpu.memory_space<vmem>>)
          tpu.yield
        }) : () -> ()
        %get3A_308 = arith.constant 1 : i32
        %get3A_309 = arith.index_cast %get3A_308 : i32 to index
        %get3A_310 = arith.constant 0 : index
        %get3A_311 = tpu.vector_load %arg14[%get3A_309, %get3A_310] {strides = array<i32>} : memref<3x128xi32, #tpu.memory_space<vmem>>, vector<1x16xi32>,
        %get3A_312 = vector.shape_cast %get3A_311 : vector<1x16xi32> to vector<16xi32>
        %get3A_313 = arith.constant 2 : i32
        %get3A_314 = arith.index_cast %get3A_313 : i32 to index
        %get3A_315 = arith.constant 0 : index
        %get3A_316 = tpu.vector_load %arg14[%get3A_314, %get3A_315] {strides = array<i32>} : memref<3x128xi32, #tpu.memory_space<vmem>>, vector<1x16xi32>,
        %get3A_317 = vector.shape_cast %get3A_316 : vector<1x16xi32> to vector<16xi32>
        %eq3A_318 = vector.broadcast %arg0 : i32 to vector<16xi32>
        %eq3A_319 = arith.cmpi eq, %get3A_317, %eq3A_318 : vector<16xi32>
        %jit3A_320 = arith.constant 10000 : i32
        %broadcast_in_dim3A_321 = vector.broadcast %jit3A_320 : i32 to vector<16xi32>
        %select_n3A_322 = arith.select %eq3A_319, %get3A_312, %broadcast_in_dim3A_321 : vector<16xi1>, vector<16xi32>
        %swap3A_323 = arith.constant 0 : i32
        %swap3A_324 = arith.index_cast %swap3A_323 : i32 to index
        %swap3A_325 = arith.constant 0 : index
        %swap3A_326 = tpu.vector_load %arg16[%swap3A_324, %swap3A_325] {strides = array<i32>} : memref<1x128xi32, #tpu.memory_space<vmem>>, vector<1x16xi32>,
        %swap3A_327 = vector.shape_cast %swap3A_326 : vector<1x16xi32> to vector<16xi32>
        %swap3A_328 = vector.shape_cast %select_n3A_322 : vector<16xi32> to vector<1x16xi32>
        tpu.vector_store %arg16[%swap3A_324, %swap3A_325], %swap3A_328 {strides = array<i32>} : memref<1x128xi32, #tpu.memory_space<vmem>>, vector<1x16xi32>,
        %get3A_329 = arith.constant 1 : i32
        %get3A_330 = arith.index_cast %get3A_329 : i32 to index
        %get3A_331 = arith.constant 16 : index
        %get3A_332 = tpu.vector_load %arg14[%get3A_330, %get3A_331] {strides = array<i32>} : memref<3x128xi32, #tpu.memory_space<vmem>>, vector<1x16xi32>,
        %get3A_333 = vector.shape_cast %get3A_332 : vector<1x16xi32> to vector<16xi32>
        %get3A_334 = arith.constant 2 : i32
        %get3A_335 = arith.index_cast %get3A_334 : i32 to index
        %get3A_336 = arith.constant 16 : index
        %get3A_337 = tpu.vector_load %arg14[%get3A_335, %get3A_336] {strides = array<i32>} : memref<3x128xi32, #tpu.memory_space<vmem>>, vector<1x16xi32>,
        %get3A_338 = vector.shape_cast %get3A_337 : vector<1x16xi32> to vector<16xi32>
        %eq3A_339 = vector.broadcast %arg0 : i32 to vector<16xi32>
        %eq3A_340 = arith.cmpi eq, %get3A_338, %eq3A_339 : vector<16xi32>
        %jit3A_341 = arith.constant 10000 : i32
        %broadcast_in_dim3A_342 = vector.broadcast %jit3A_341 : i32 to vector<16xi32>
        %select_n3A_343 = arith.select %eq3A_340, %get3A_333, %broadcast_in_dim3A_342 : vector<16xi1>, vector<16xi32>
        %swap3A_344 = arith.constant 0 : i32
        %swap3A_345 = arith.index_cast %swap3A_344 : i32 to index
        %swap3A_346 = arith.constant 16 : index
        %swap3A_347 = tpu.vector_load %arg16[%swap3A_345, %swap3A_346] {strides = array<i32>} : memref<1x128xi32, #tpu.memory_space<vmem>>, vector<1x16xi32>,
        %swap3A_348 = vector.shape_cast %swap3A_347 : vector<1x16xi32> to vector<16xi32>
        %swap3A_349 = vector.shape_cast %select_n3A_343 : vector<16xi32> to vector<1x16xi32>
        tpu.vector_store %arg16[%swap3A_345, %swap3A_346], %swap3A_349 {strides = array<i32>} : memref<1x128xi32, #tpu.memory_space<vmem>>, vector<1x16xi32>,
        %get3A_350 = arith.constant 1 : i32
        %get3A_351 = arith.index_cast %get3A_350 : i32 to index
        %get3A_352 = arith.constant 32 : index
        %get3A_353 = tpu.vector_load %arg14[%get3A_351, %get3A_352] {strides = array<i32>} : memref<3x128xi32, #tpu.memory_space<vmem>>, vector<1x16xi32>,
        %get3A_354 = vector.shape_cast %get3A_353 : vector<1x16xi32> to vector<16xi32>
        %get3A_355 = arith.constant 2 : i32
        %get3A_356 = arith.index_cast %get3A_355 : i32 to index
        %get3A_357 = arith.constant 32 : index
        %get3A_358 = tpu.vector_load %arg14[%get3A_356, %get3A_357] {strides = array<i32>} : memref<3x128xi32, #tpu.memory_space<vmem>>, vector<1x16xi32>,
        %get3A_359 = vector.shape_cast %get3A_358 : vector<1x16xi32> to vector<16xi32>
        %eq3A_360 = vector.broadcast %arg0 : i32 to vector<16xi32>
        %eq3A_361 = arith.cmpi eq, %get3A_359, %eq3A_360 : vector<16xi32>
        %jit3A_362 = arith.constant 10000 : i32
        %broadcast_in_dim3A_363 = vector.broadcast %jit3A_362 : i32 to vector<16xi32>
        %select_n3A_364 = arith.select %eq3A_361, %get3A_354, %broadcast_in_dim3A_363 : vector<16xi1>, vector<16xi32>
        %swap3A_365 = arith.constant 0 : i32
        %swap3A_366 = arith.index_cast %swap3A_365 : i32 to index
        %swap3A_367 = arith.constant 32 : index
        %swap3A_368 = tpu.vector_load %arg16[%swap3A_366, %swap3A_367] {strides = array<i32>} : memref<1x128xi32, #tpu.memory_space<vmem>>, vector<1x16xi32>,
        %swap3A_369 = vector.shape_cast %swap3A_368 : vector<1x16xi32> to vector<16xi32>
        %swap3A_370 = vector.shape_cast %select_n3A_364 : vector<16xi32> to vector<1x16xi32>
        tpu.vector_store %arg16[%swap3A_366, %swap3A_367], %swap3A_370 {strides = array<i32>} : memref<1x128xi32, #tpu.memory_space<vmem>>, vector<1x16xi32>,
        %get3A_371 = arith.constant 1 : i32
        %get3A_372 = arith.index_cast %get3A_371 : i32 to index
        %get3A_373 = arith.constant 48 : index
        %get3A_374 = tpu.vector_load %arg14[%get3A_372, %get3A_373] {strides = array<i32>} : memref<3x128xi32, #tpu.memory_space<vmem>>, vector<1x16xi32>,
        %get3A_375 = vector.shape_cast %get3A_374 : vector<1x16xi32> to vector<16xi32>
        %get3A_376 = arith.constant 2 : i32
        %get3A_377 = arith.index_cast %get3A_376 : i32 to index
        %get3A_378 = arith.constant 48 : index
        %get3A_379 = tpu.vector_load %arg14[%get3A_377, %get3A_378] {strides = array<i32>} : memref<3x128xi32, #tpu.memory_space<vmem>>, vector<1x16xi32>,
        %get3A_380 = vector.shape_cast %get3A_379 : vector<1x16xi32> to vector<16xi32>
        %eq3A_381 = vector.broadcast %arg0 : i32 to vector<16xi32>
        %eq3A_382 = arith.cmpi eq, %get3A_380, %eq3A_381 : vector<16xi32>
        %jit3A_383 = arith.constant 10000 : i32
        %broadcast_in_dim3A_384 = vector.broadcast %jit3A_383 : i32 to vector<16xi32>
        %select_n3A_385 = arith.select %eq3A_382, %get3A_375, %broadcast_in_dim3A_384 : vector<16xi1>, vector<16xi32>
        %swap3A_386 = arith.constant 0 : i32
        %swap3A_387 = arith.index_cast %swap3A_386 : i32 to index
        %swap3A_388 = arith.constant 48 : index
        %swap3A_389 = tpu.vector_load %arg16[%swap3A_387, %swap3A_388] {strides = array<i32>} : memref<1x128xi32, #tpu.memory_space<vmem>>, vector<1x16xi32>,
        %swap3A_390 = vector.shape_cast %swap3A_389 : vector<1x16xi32> to vector<16xi32>
        %swap3A_391 = vector.shape_cast %select_n3A_385 : vector<16xi32> to vector<1x16xi32>
        tpu.vector_store %arg16[%swap3A_387, %swap3A_388], %swap3A_391 {strides = array<i32>} : memref<1x128xi32, #tpu.memory_space<vmem>>, vector<1x16xi32>,
        %get3A_392 = arith.constant 1 : i32
        %get3A_393 = arith.index_cast %get3A_392 : i32 to index
        %get3A_394 = arith.constant 64 : index
        %get3A_395 = tpu.vector_load %arg14[%get3A_393, %get3A_394] {strides = array<i32>} : memref<3x128xi32, #tpu.memory_space<vmem>>, vector<1x16xi32>,
        %get3A_396 = vector.shape_cast %get3A_395 : vector<1x16xi32> to vector<16xi32>
        %get3A_397 = arith.constant 2 : i32
        %get3A_398 = arith.index_cast %get3A_397 : i32 to index
        %get3A_399 = arith.constant 64 : index
        %get3A_400 = tpu.vector_load %arg14[%get3A_398, %get3A_399] {strides = array<i32>} : memref<3x128xi32, #tpu.memory_space<vmem>>, vector<1x16xi32>,
        %get3A_401 = vector.shape_cast %get3A_400 : vector<1x16xi32> to vector<16xi32>
        %eq3A_402 = vector.broadcast %arg0 : i32 to vector<16xi32>
        %eq3A_403 = arith.cmpi eq, %get3A_401, %eq3A_402 : vector<16xi32>
        %jit3A_404 = arith.constant 10000 : i32
        %broadcast_in_dim3A_405 = vector.broadcast %jit3A_404 : i32 to vector<16xi32>
        %select_n3A_406 = arith.select %eq3A_403, %get3A_396, %broadcast_in_dim3A_405 : vector<16xi1>, vector<16xi32>
        %swap3A_407 = arith.constant 0 : i32
        %swap3A_408 = arith.index_cast %swap3A_407 : i32 to index
        %swap3A_409 = arith.constant 64 : index
        %swap3A_410 = tpu.vector_load %arg16[%swap3A_408, %swap3A_409] {strides = array<i32>} : memref<1x128xi32, #tpu.memory_space<vmem>>, vector<1x16xi32>,
        %swap3A_411 = vector.shape_cast %swap3A_410 : vector<1x16xi32> to vector<16xi32>
        %swap3A_412 = vector.shape_cast %select_n3A_406 : vector<16xi32> to vector<1x16xi32>
        tpu.vector_store %arg16[%swap3A_408, %swap3A_409], %swap3A_412 {strides = array<i32>} : memref<1x128xi32, #tpu.memory_space<vmem>>, vector<1x16xi32>,
        %get3A_413 = arith.constant 1 : i32
        %get3A_414 = arith.index_cast %get3A_413 : i32 to index
        %get3A_415 = arith.constant 80 : index
        %get3A_416 = tpu.vector_load %arg14[%get3A_414, %get3A_415] {strides = array<i32>} : memref<3x128xi32, #tpu.memory_space<vmem>>, vector<1x16xi32>,
        %get3A_417 = vector.shape_cast %get3A_416 : vector<1x16xi32> to vector<16xi32>
        %get3A_418 = arith.constant 2 : i32
        %get3A_419 = arith.index_cast %get3A_418 : i32 to index
        %get3A_420 = arith.constant 80 : index
        %get3A_421 = tpu.vector_load %arg14[%get3A_419, %get3A_420] {strides = array<i32>} : memref<3x128xi32, #tpu.memory_space<vmem>>, vector<1x16xi32>,
        %get3A_422 = vector.shape_cast %get3A_421 : vector<1x16xi32> to vector<16xi32>
        %eq3A_423 = vector.broadcast %arg0 : i32 to vector<16xi32>
        %eq3A_424 = arith.cmpi eq, %get3A_422, %eq3A_423 : vector<16xi32>
        %jit3A_425 = arith.constant 10000 : i32
        %broadcast_in_dim3A_426 = vector.broadcast %jit3A_425 : i32 to vector<16xi32>
        %select_n3A_427 = arith.select %eq3A_424, %get3A_417, %broadcast_in_dim3A_426 : vector<16xi1>, vector<16xi32>
        %swap3A_428 = arith.constant 0 : i32
        %swap3A_429 = arith.index_cast %swap3A_428 : i32 to index
        %swap3A_430 = arith.constant 80 : index
        %swap3A_431 = tpu.vector_load %arg16[%swap3A_429, %swap3A_430] {strides = array<i32>} : memref<1x128xi32, #tpu.memory_space<vmem>>, vector<1x16xi32>,
        %swap3A_432 = vector.shape_cast %swap3A_431 : vector<1x16xi32> to vector<16xi32>
        %swap3A_433 = vector.shape_cast %select_n3A_427 : vector<16xi32> to vector<1x16xi32>
        tpu.vector_store %arg16[%swap3A_429, %swap3A_430], %swap3A_433 {strides = array<i32>} : memref<1x128xi32, #tpu.memory_space<vmem>>, vector<1x16xi32>,
        %get3A_434 = arith.constant 1 : i32
        %get3A_435 = arith.index_cast %get3A_434 : i32 to index
        %get3A_436 = arith.constant 96 : index
        %get3A_437 = tpu.vector_load %arg14[%get3A_435, %get3A_436] {strides = array<i32>} : memref<3x128xi32, #tpu.memory_space<vmem>>, vector<1x16xi32>,
        %get3A_438 = vector.shape_cast %get3A_437 : vector<1x16xi32> to vector<16xi32>
        %get3A_439 = arith.constant 2 : i32
        %get3A_440 = arith.index_cast %get3A_439 : i32 to index
        %get3A_441 = arith.constant 96 : index
        %get3A_442 = tpu.vector_load %arg14[%get3A_440, %get3A_441] {strides = array<i32>} : memref<3x128xi32, #tpu.memory_space<vmem>>, vector<1x16xi32>,
        %get3A_443 = vector.shape_cast %get3A_442 : vector<1x16xi32> to vector<16xi32>
        %eq3A_444 = vector.broadcast %arg0 : i32 to vector<16xi32>
        %eq3A_445 = arith.cmpi eq, %get3A_443, %eq3A_444 : vector<16xi32>
        %jit3A_446 = arith.constant 10000 : i32
        %broadcast_in_dim3A_447 = vector.broadcast %jit3A_446 : i32 to vector<16xi32>
        %select_n3A_448 = arith.select %eq3A_445, %get3A_438, %broadcast_in_dim3A_447 : vector<16xi1>, vector<16xi32>
        %swap3A_449 = arith.constant 0 : i32
        %swap3A_450 = arith.index_cast %swap3A_449 : i32 to index
        %swap3A_451 = arith.constant 96 : index
        %swap3A_452 = tpu.vector_load %arg16[%swap3A_450, %swap3A_451] {strides = array<i32>} : memref<1x128xi32, #tpu.memory_space<vmem>>, vector<1x16xi32>,
        %swap3A_453 = vector.shape_cast %swap3A_452 : vector<1x16xi32> to vector<16xi32>
        %swap3A_454 = vector.shape_cast %select_n3A_448 : vector<16xi32> to vector<1x16xi32>
        tpu.vector_store %arg16[%swap3A_450, %swap3A_451], %swap3A_454 {strides = array<i32>} : memref<1x128xi32, #tpu.memory_space<vmem>>, vector<1x16xi32>,
        %get3A_455 = arith.constant 1 : i32
        %get3A_456 = arith.index_cast %get3A_455 : i32 to index
        %get3A_457 = arith.constant 112 : index
        %get3A_458 = tpu.vector_load %arg14[%get3A_456, %get3A_457] {strides = array<i32>} : memref<3x128xi32, #tpu.memory_space<vmem>>, vector<1x16xi32>,
        %get3A_459 = vector.shape_cast %get3A_458 : vector<1x16xi32> to vector<16xi32>
        %get3A_460 = arith.constant 2 : i32
        %get3A_461 = arith.index_cast %get3A_460 : i32 to index
        %get3A_462 = arith.constant 112 : index
        %get3A_463 = tpu.vector_load %arg14[%get3A_461, %get3A_462] {strides = array<i32>} : memref<3x128xi32, #tpu.memory_space<vmem>>, vector<1x16xi32>,
        %get3A_464 = vector.shape_cast %get3A_463 : vector<1x16xi32> to vector<16xi32>
        %eq3A_465 = vector.broadcast %arg0 : i32 to vector<16xi32>
        %eq3A_466 = arith.cmpi eq, %get3A_464, %eq3A_465 : vector<16xi32>
        %jit3A_467 = arith.constant 10000 : i32
        %broadcast_in_dim3A_468 = vector.broadcast %jit3A_467 : i32 to vector<16xi32>
        %select_n3A_469 = arith.select %eq3A_466, %get3A_459, %broadcast_in_dim3A_468 : vector<16xi1>, vector<16xi32>
        %swap3A_470 = arith.constant 0 : i32
        %swap3A_471 = arith.index_cast %swap3A_470 : i32 to index
        %swap3A_472 = arith.constant 112 : index
        %swap3A_473 = tpu.vector_load %arg16[%swap3A_471, %swap3A_472] {strides = array<i32>} : memref<1x128xi32, #tpu.memory_space<vmem>>, vector<1x16xi32>,
        %swap3A_474 = vector.shape_cast %swap3A_473 : vector<1x16xi32> to vector<16xi32>
        %swap3A_475 = vector.shape_cast %select_n3A_469 : vector<16xi32> to vector<1x16xi32>
        tpu.vector_store %arg16[%swap3A_471, %swap3A_472], %swap3A_475 {strides = array<i32>} : memref<1x128xi32, #tpu.memory_space<vmem>>, vector<1x16xi32>,
      } else {
      }
      %mul3A_282 = arith.constant 2 : i32
      %mul3A_283 = arith.muli %mul3A_282, %scan3A_261 : i32
      %add3A_284 = arith.constant 1 : i32
      %add3A_285 = arith.addi %mul3A_283, %add3A_284 : i32
      %ge3A_286 = arith.constant 1 : i32
      %ge3A_287 = arith.cmpi sge, %add3A_285, %ge3A_286 : i32
      %convert_element_type3A_288 = arith.extui %ge3A_287 : i1 to i32
      %cond3A_289 = arith.constant 0 : i32
      %cond3A_290 = arith.cmpi ne, %convert_element_type3A_288, %cond3A_289 : i32
      scf.if %cond3A_290 {
        %dma_wait3A_305 = arith.constant 0 : i32
        %dma_wait3A_306 = arith.constant 0 : i32
        %dma_wait3A_307 = tpu.memref_slice %arg2[%dma_wait3A_305, %dma_wait3A_306] : memref<10000x128xf32, #tpu.memory_space<hbm>> -> memref<128x128xf32, #tpu.memory_space<hbm>>
        %dma_wait3A_308 = arith.constant 0 : i32
        %dma_wait3A_309 = arith.constant 0 : i32
        %dma_wait3A_310 = tpu.memref_slice %arg2[%dma_wait3A_308, %dma_wait3A_309] : memref<10000x128xf32, #tpu.memory_space<hbm>> -> memref<128x128xf32, #tpu.memory_space<hbm>>
        tpu.wait_dma2 semaphore(%arg21 : memref<!tpu.dma_semaphore, #tpu.memory_space<semaphore_mem>>) src(%dma_wait3A_310 : memref<128x128xf32, #tpu.memory_space<hbm>>) dst(%arg18 : memref<128x128xf32, #tpu.memory_space<vmem>>)
      } else {
      }
      %dma_start3A_291 = arith.constant 0 : i32
      %dma_start3A_292 = arith.constant 0 : i32
      %dma_start3A_293 = tpu.memref_slice %arg16[%dma_start3A_291, %dma_start3A_292] : memref<1x128xi32, #tpu.memory_space<vmem>> -> memref<1x128xi32, #tpu.memory_space<vmem>>
      %dma_start3A_294 = tpu.memref_squeeze %dma_start3A_293 : memref<1x128xi32, #tpu.memory_space<vmem>> -> memref<128xi32, #tpu.memory_space<vmem>>
      %dma_start3A_295 = arith.constant 0 : i32
      %dma_start3A_296 = arith.constant 0 : i32
      %dma_start3A_297 = tpu.memref_slice %arg12[%dma_start3A_295, %dma_start3A_296] : memref<10240x128xf32, #tpu.memory_space<vmem_shared>> -> memref<10240x128xf32, #tpu.memory_space<vmem_shared>>
      tpu.enqueue_indirect_dma source(%arg17 : memref<128x128xf32, #tpu.memory_space<vmem>>) target(%dma_start3A_297 : memref<10240x128xf32, #tpu.memory_space<vmem_shared>>) offsets(%dma_start3A_294 : memref<128xi32, #tpu.memory_space<vmem>>) semaphore(%arg21 : memref<!tpu.dma_semaphore, #tpu.memory_space<semaphore_mem>>) {add = true}
      %add3A_298 = arith.constant 1 : i32
      %add3A_299 = arith.addi %add3A_285, %add3A_298 : i32
      %lt3A_300 = arith.constant 158 : i32
      %lt3A_301 = arith.cmpi slt, %add3A_299, %lt3A_300 : i32
      %convert_element_type3A_302 = arith.extui %lt3A_301 : i1 to i32
      %cond3A_303 = arith.constant 0 : i32
      %cond3A_304 = arith.cmpi ne, %convert_element_type3A_302, %cond3A_303 : i32
      scf.if %cond3A_304 {
        %add3A_305 = arith.addi %mul3A_6, %add3A_285 : i32
        %add3A_306 = arith.constant 1 : i32
        %add3A_307 = arith.addi %add3A_305, %add3A_306 : i32
        "tpu.region"() ({
          %run_scoped3A = tpu.sem_alloc : memref<!tpu.dma_semaphore, #tpu.memory_space<semaphore_mem>>
          %dma_start3A_476 = arith.constant 0 : i32
          %dma_start3A_477 = arith.constant 0 : i32
          %dma_start3A_478 = tpu.memref_slice %arg3[%add3A_307, %dma_start3A_476, %dma_start3A_477] : memref<2528x3x128xi32, #tpu.memory_space<hbm>> -> memref<1x3x128xi32, #tpu.memory_space<hbm>>
          %dma_start3A_479 = tpu.memref_squeeze %dma_start3A_478 : memref<1x3x128xi32, #tpu.memory_space<hbm>> -> memref<3x128xi32, #tpu.memory_space<hbm>>
          %dma_start3A_480 = arith.constant 0 : i32
          %dma_start3A_481 = arith.constant 0 : i32
          %dma_start3A_482 = tpu.memref_slice %arg3[%add3A_307, %dma_start3A_480, %dma_start3A_481] : memref<2528x3x128xi32, #tpu.memory_space<hbm>> -> memref<1x3x128xi32, #tpu.memory_space<hbm>>
          %dma_start3A_483 = tpu.memref_squeeze %dma_start3A_482 : memref<1x3x128xi32, #tpu.memory_space<hbm>> -> memref<3x128xi32, #tpu.memory_space<hbm>>
          tpu.enqueue_dma source(%dma_start3A_483 : memref<3x128xi32, #tpu.memory_space<hbm>>) target(%arg13 : memref<3x128xi32, #tpu.memory_space<vmem>>) target_semaphore(%run_scoped3A : memref<!tpu.dma_semaphore, #tpu.memory_space<semaphore_mem>>)
          %dma_wait3A_484 = arith.constant 0 : i32
          %dma_wait3A_485 = arith.constant 0 : i32
          %dma_wait3A_486 = tpu.memref_slice %arg3[%add3A_307, %dma_wait3A_484, %dma_wait3A_485] : memref<2528x3x128xi32, #tpu.memory_space<hbm>> -> memref<1x3x128xi32, #tpu.memory_space<hbm>>
          %dma_wait3A_487 = tpu.memref_squeeze %dma_wait3A_486 : memref<1x3x128xi32, #tpu.memory_space<hbm>> -> memref<3x128xi32, #tpu.memory_space<hbm>>
          %dma_wait3A_488 = arith.constant 0 : i32
          %dma_wait3A_489 = arith.constant 0 : i32
          %dma_wait3A_490 = tpu.memref_slice %arg3[%add3A_307, %dma_wait3A_488, %dma_wait3A_489] : memref<2528x3x128xi32, #tpu.memory_space<hbm>> -> memref<1x3x128xi32, #tpu.memory_space<hbm>>
          %dma_wait3A_491 = tpu.memref_squeeze %dma_wait3A_490 : memref<1x3x128xi32, #tpu.memory_space<hbm>> -> memref<3x128xi32, #tpu.memory_space<hbm>>
          tpu.wait_dma2 semaphore(%run_scoped3A : memref<!tpu.dma_semaphore, #tpu.memory_space<semaphore_mem>>) src(%dma_wait3A_491 : memref<3x128xi32, #tpu.memory_space<hbm>>) dst(%arg13 : memref<3x128xi32, #tpu.memory_space<vmem>>)
          tpu.yield
        }) : () -> ()
        %get3A_308 = arith.constant 1 : i32
        %get3A_309 = arith.index_cast %get3A_308 : i32 to index
        %get3A_310 = arith.constant 0 : index
        %get3A_311 = tpu.vector_load %arg13[%get3A_309, %get3A_310] {strides = array<i32>} : memref<3x128xi32, #tpu.memory_space<vmem>>, vector<1x16xi32>,
        %get3A_312 = vector.shape_cast %get3A_311 : vector<1x16xi32> to vector<16xi32>
        %get3A_313 = arith.constant 2 : i32
        %get3A_314 = arith.index_cast %get3A_313 : i32 to index
        %get3A_315 = arith.constant 0 : index
        %get3A_316 = tpu.vector_load %arg13[%get3A_314, %get3A_315] {strides = array<i32>} : memref<3x128xi32, #tpu.memory_space<vmem>>, vector<1x16xi32>,
        %get3A_317 = vector.shape_cast %get3A_316 : vector<1x16xi32> to vector<16xi32>
        %eq3A_318 = vector.broadcast %arg0 : i32 to vector<16xi32>
        %eq3A_319 = arith.cmpi eq, %get3A_317, %eq3A_318 : vector<16xi32>
        %jit3A_320 = arith.constant 10000 : i32
        %broadcast_in_dim3A_321 = vector.broadcast %jit3A_320 : i32 to vector<16xi32>
        %select_n3A_322 = arith.select %eq3A_319, %get3A_312, %broadcast_in_dim3A_321 : vector<16xi1>, vector<16xi32>
        %swap3A_323 = arith.constant 0 : i32
        %swap3A_324 = arith.index_cast %swap3A_323 : i32 to index
        %swap3A_325 = arith.constant 0 : index
        %swap3A_326 = tpu.vector_load %arg15[%swap3A_324, %swap3A_325] {strides = array<i32>} : memref<1x128xi32, #tpu.memory_space<vmem>>, vector<1x16xi32>,
        %swap3A_327 = vector.shape_cast %swap3A_326 : vector<1x16xi32> to vector<16xi32>
        %swap3A_328 = vector.shape_cast %select_n3A_322 : vector<16xi32> to vector<1x16xi32>
        tpu.vector_store %arg15[%swap3A_324, %swap3A_325], %swap3A_328 {strides = array<i32>} : memref<1x128xi32, #tpu.memory_space<vmem>>, vector<1x16xi32>,
        %get3A_329 = arith.constant 1 : i32
        %get3A_330 = arith.index_cast %get3A_329 : i32 to index
        %get3A_331 = arith.constant 16 : index
        %get3A_332 = tpu.vector_load %arg13[%get3A_330, %get3A_331] {strides = array<i32>} : memref<3x128xi32, #tpu.memory_space<vmem>>, vector<1x16xi32>,
        %get3A_333 = vector.shape_cast %get3A_332 : vector<1x16xi32> to vector<16xi32>
        %get3A_334 = arith.constant 2 : i32
        %get3A_335 = arith.index_cast %get3A_334 : i32 to index
        %get3A_336 = arith.constant 16 : index
        %get3A_337 = tpu.vector_load %arg13[%get3A_335, %get3A_336] {strides = array<i32>} : memref<3x128xi32, #tpu.memory_space<vmem>>, vector<1x16xi32>,
        %get3A_338 = vector.shape_cast %get3A_337 : vector<1x16xi32> to vector<16xi32>
        %eq3A_339 = vector.broadcast %arg0 : i32 to vector<16xi32>
        %eq3A_340 = arith.cmpi eq, %get3A_338, %eq3A_339 : vector<16xi32>
        %jit3A_341 = arith.constant 10000 : i32
        %broadcast_in_dim3A_342 = vector.broadcast %jit3A_341 : i32 to vector<16xi32>
        %select_n3A_343 = arith.select %eq3A_340, %get3A_333, %broadcast_in_dim3A_342 : vector<16xi1>, vector<16xi32>
        %swap3A_344 = arith.constant 0 : i32
        %swap3A_345 = arith.index_cast %swap3A_344 : i32 to index
        %swap3A_346 = arith.constant 16 : index
        %swap3A_347 = tpu.vector_load %arg15[%swap3A_345, %swap3A_346] {strides = array<i32>} : memref<1x128xi32, #tpu.memory_space<vmem>>, vector<1x16xi32>,
        %swap3A_348 = vector.shape_cast %swap3A_347 : vector<1x16xi32> to vector<16xi32>
        %swap3A_349 = vector.shape_cast %select_n3A_343 : vector<16xi32> to vector<1x16xi32>
        tpu.vector_store %arg15[%swap3A_345, %swap3A_346], %swap3A_349 {strides = array<i32>} : memref<1x128xi32, #tpu.memory_space<vmem>>, vector<1x16xi32>,
        %get3A_350 = arith.constant 1 : i32
        %get3A_351 = arith.index_cast %get3A_350 : i32 to index
        %get3A_352 = arith.constant 32 : index
        %get3A_353 = tpu.vector_load %arg13[%get3A_351, %get3A_352] {strides = array<i32>} : memref<3x128xi32, #tpu.memory_space<vmem>>, vector<1x16xi32>,
        %get3A_354 = vector.shape_cast %get3A_353 : vector<1x16xi32> to vector<16xi32>
        %get3A_355 = arith.constant 2 : i32
        %get3A_356 = arith.index_cast %get3A_355 : i32 to index
        %get3A_357 = arith.constant 32 : index
        %get3A_358 = tpu.vector_load %arg13[%get3A_356, %get3A_357] {strides = array<i32>} : memref<3x128xi32, #tpu.memory_space<vmem>>, vector<1x16xi32>,
        %get3A_359 = vector.shape_cast %get3A_358 : vector<1x16xi32> to vector<16xi32>
        %eq3A_360 = vector.broadcast %arg0 : i32 to vector<16xi32>
        %eq3A_361 = arith.cmpi eq, %get3A_359, %eq3A_360 : vector<16xi32>
        %jit3A_362 = arith.constant 10000 : i32
        %broadcast_in_dim3A_363 = vector.broadcast %jit3A_362 : i32 to vector<16xi32>
        %select_n3A_364 = arith.select %eq3A_361, %get3A_354, %broadcast_in_dim3A_363 : vector<16xi1>, vector<16xi32>
        %swap3A_365 = arith.constant 0 : i32
        %swap3A_366 = arith.index_cast %swap3A_365 : i32 to index
        %swap3A_367 = arith.constant 32 : index
        %swap3A_368 = tpu.vector_load %arg15[%swap3A_366, %swap3A_367] {strides = array<i32>} : memref<1x128xi32, #tpu.memory_space<vmem>>, vector<1x16xi32>,
        %swap3A_369 = vector.shape_cast %swap3A_368 : vector<1x16xi32> to vector<16xi32>
        %swap3A_370 = vector.shape_cast %select_n3A_364 : vector<16xi32> to vector<1x16xi32>
        tpu.vector_store %arg15[%swap3A_366, %swap3A_367], %swap3A_370 {strides = array<i32>} : memref<1x128xi32, #tpu.memory_space<vmem>>, vector<1x16xi32>,
        %get3A_371 = arith.constant 1 : i32
        %get3A_372 = arith.index_cast %get3A_371 : i32 to index
        %get3A_373 = arith.constant 48 : index
        %get3A_374 = tpu.vector_load %arg13[%get3A_372, %get3A_373] {strides = array<i32>} : memref<3x128xi32, #tpu.memory_space<vmem>>, vector<1x16xi32>,
        %get3A_375 = vector.shape_cast %get3A_374 : vector<1x16xi32> to vector<16xi32>
        %get3A_376 = arith.constant 2 : i32
        %get3A_377 = arith.index_cast %get3A_376 : i32 to index
        %get3A_378 = arith.constant 48 : index
        %get3A_379 = tpu.vector_load %arg13[%get3A_377, %get3A_378] {strides = array<i32>} : memref<3x128xi32, #tpu.memory_space<vmem>>, vector<1x16xi32>,
        %get3A_380 = vector.shape_cast %get3A_379 : vector<1x16xi32> to vector<16xi32>
        %eq3A_381 = vector.broadcast %arg0 : i32 to vector<16xi32>
        %eq3A_382 = arith.cmpi eq, %get3A_380, %eq3A_381 : vector<16xi32>
        %jit3A_383 = arith.constant 10000 : i32
        %broadcast_in_dim3A_384 = vector.broadcast %jit3A_383 : i32 to vector<16xi32>
        %select_n3A_385 = arith.select %eq3A_382, %get3A_375, %broadcast_in_dim3A_384 : vector<16xi1>, vector<16xi32>
        %swap3A_386 = arith.constant 0 : i32
        %swap3A_387 = arith.index_cast %swap3A_386 : i32 to index
        %swap3A_388 = arith.constant 48 : index
        %swap3A_389 = tpu.vector_load %arg15[%swap3A_387, %swap3A_388] {strides = array<i32>} : memref<1x128xi32, #tpu.memory_space<vmem>>, vector<1x16xi32>,
        %swap3A_390 = vector.shape_cast %swap3A_389 : vector<1x16xi32> to vector<16xi32>
        %swap3A_391 = vector.shape_cast %select_n3A_385 : vector<16xi32> to vector<1x16xi32>
        tpu.vector_store %arg15[%swap3A_387, %swap3A_388], %swap3A_391 {strides = array<i32>} : memref<1x128xi32, #tpu.memory_space<vmem>>, vector<1x16xi32>,
        %get3A_392 = arith.constant 1 : i32
        %get3A_393 = arith.index_cast %get3A_392 : i32 to index
        %get3A_394 = arith.constant 64 : index
        %get3A_395 = tpu.vector_load %arg13[%get3A_393, %get3A_394] {strides = array<i32>} : memref<3x128xi32, #tpu.memory_space<vmem>>, vector<1x16xi32>,
        %get3A_396 = vector.shape_cast %get3A_395 : vector<1x16xi32> to vector<16xi32>
        %get3A_397 = arith.constant 2 : i32
        %get3A_398 = arith.index_cast %get3A_397 : i32 to index
        %get3A_399 = arith.constant 64 : index
        %get3A_400 = tpu.vector_load %arg13[%get3A_398, %get3A_399] {strides = array<i32>} : memref<3x128xi32, #tpu.memory_space<vmem>>, vector<1x16xi32>,
        %get3A_401 = vector.shape_cast %get3A_400 : vector<1x16xi32> to vector<16xi32>
        %eq3A_402 = vector.broadcast %arg0 : i32 to vector<16xi32>
        %eq3A_403 = arith.cmpi eq, %get3A_401, %eq3A_402 : vector<16xi32>
        %jit3A_404 = arith.constant 10000 : i32
        %broadcast_in_dim3A_405 = vector.broadcast %jit3A_404 : i32 to vector<16xi32>
        %select_n3A_406 = arith.select %eq3A_403, %get3A_396, %broadcast_in_dim3A_405 : vector<16xi1>, vector<16xi32>
        %swap3A_407 = arith.constant 0 : i32
        %swap3A_408 = arith.index_cast %swap3A_407 : i32 to index
        %swap3A_409 = arith.constant 64 : index
        %swap3A_410 = tpu.vector_load %arg15[%swap3A_408, %swap3A_409] {strides = array<i32>} : memref<1x128xi32, #tpu.memory_space<vmem>>, vector<1x16xi32>,
        %swap3A_411 = vector.shape_cast %swap3A_410 : vector<1x16xi32> to vector<16xi32>
        %swap3A_412 = vector.shape_cast %select_n3A_406 : vector<16xi32> to vector<1x16xi32>
        tpu.vector_store %arg15[%swap3A_408, %swap3A_409], %swap3A_412 {strides = array<i32>} : memref<1x128xi32, #tpu.memory_space<vmem>>, vector<1x16xi32>,
        %get3A_413 = arith.constant 1 : i32
        %get3A_414 = arith.index_cast %get3A_413 : i32 to index
        %get3A_415 = arith.constant 80 : index
        %get3A_416 = tpu.vector_load %arg13[%get3A_414, %get3A_415] {strides = array<i32>} : memref<3x128xi32, #tpu.memory_space<vmem>>, vector<1x16xi32>,
        %get3A_417 = vector.shape_cast %get3A_416 : vector<1x16xi32> to vector<16xi32>
        %get3A_418 = arith.constant 2 : i32
        %get3A_419 = arith.index_cast %get3A_418 : i32 to index
        %get3A_420 = arith.constant 80 : index
        %get3A_421 = tpu.vector_load %arg13[%get3A_419, %get3A_420] {strides = array<i32>} : memref<3x128xi32, #tpu.memory_space<vmem>>, vector<1x16xi32>,
        %get3A_422 = vector.shape_cast %get3A_421 : vector<1x16xi32> to vector<16xi32>
        %eq3A_423 = vector.broadcast %arg0 : i32 to vector<16xi32>
        %eq3A_424 = arith.cmpi eq, %get3A_422, %eq3A_423 : vector<16xi32>
        %jit3A_425 = arith.constant 10000 : i32
        %broadcast_in_dim3A_426 = vector.broadcast %jit3A_425 : i32 to vector<16xi32>
        %select_n3A_427 = arith.select %eq3A_424, %get3A_417, %broadcast_in_dim3A_426 : vector<16xi1>, vector<16xi32>
        %swap3A_428 = arith.constant 0 : i32
        %swap3A_429 = arith.index_cast %swap3A_428 : i32 to index
        %swap3A_430 = arith.constant 80 : index
        %swap3A_431 = tpu.vector_load %arg15[%swap3A_429, %swap3A_430] {strides = array<i32>} : memref<1x128xi32, #tpu.memory_space<vmem>>, vector<1x16xi32>,
        %swap3A_432 = vector.shape_cast %swap3A_431 : vector<1x16xi32> to vector<16xi32>
        %swap3A_433 = vector.shape_cast %select_n3A_427 : vector<16xi32> to vector<1x16xi32>
        tpu.vector_store %arg15[%swap3A_429, %swap3A_430], %swap3A_433 {strides = array<i32>} : memref<1x128xi32, #tpu.memory_space<vmem>>, vector<1x16xi32>,
        %get3A_434 = arith.constant 1 : i32
        %get3A_435 = arith.index_cast %get3A_434 : i32 to index
        %get3A_436 = arith.constant 96 : index
        %get3A_437 = tpu.vector_load %arg13[%get3A_435, %get3A_436] {strides = array<i32>} : memref<3x128xi32, #tpu.memory_space<vmem>>, vector<1x16xi32>,
        %get3A_438 = vector.shape_cast %get3A_437 : vector<1x16xi32> to vector<16xi32>
        %get3A_439 = arith.constant 2 : i32
        %get3A_440 = arith.index_cast %get3A_439 : i32 to index
        %get3A_441 = arith.constant 96 : index
        %get3A_442 = tpu.vector_load %arg13[%get3A_440, %get3A_441] {strides = array<i32>} : memref<3x128xi32, #tpu.memory_space<vmem>>, vector<1x16xi32>,
        %get3A_443 = vector.shape_cast %get3A_442 : vector<1x16xi32> to vector<16xi32>
        %eq3A_444 = vector.broadcast %arg0 : i32 to vector<16xi32>
        %eq3A_445 = arith.cmpi eq, %get3A_443, %eq3A_444 : vector<16xi32>
        %jit3A_446 = arith.constant 10000 : i32
        %broadcast_in_dim3A_447 = vector.broadcast %jit3A_446 : i32 to vector<16xi32>
        %select_n3A_448 = arith.select %eq3A_445, %get3A_438, %broadcast_in_dim3A_447 : vector<16xi1>, vector<16xi32>
        %swap3A_449 = arith.constant 0 : i32
        %swap3A_450 = arith.index_cast %swap3A_449 : i32 to index
        %swap3A_451 = arith.constant 96 : index
        %swap3A_452 = tpu.vector_load %arg15[%swap3A_450, %swap3A_451] {strides = array<i32>} : memref<1x128xi32, #tpu.memory_space<vmem>>, vector<1x16xi32>,
        %swap3A_453 = vector.shape_cast %swap3A_452 : vector<1x16xi32> to vector<16xi32>
        %swap3A_454 = vector.shape_cast %select_n3A_448 : vector<16xi32> to vector<1x16xi32>
        tpu.vector_store %arg15[%swap3A_450, %swap3A_451], %swap3A_454 {strides = array<i32>} : memref<1x128xi32, #tpu.memory_space<vmem>>, vector<1x16xi32>,
        %get3A_455 = arith.constant 1 : i32
        %get3A_456 = arith.index_cast %get3A_455 : i32 to index
        %get3A_457 = arith.constant 112 : index
        %get3A_458 = tpu.vector_load %arg13[%get3A_456, %get3A_457] {strides = array<i32>} : memref<3x128xi32, #tpu.memory_space<vmem>>, vector<1x16xi32>,
        %get3A_459 = vector.shape_cast %get3A_458 : vector<1x16xi32> to vector<16xi32>
        %get3A_460 = arith.constant 2 : i32
        %get3A_461 = arith.index_cast %get3A_460 : i32 to index
        %get3A_462 = arith.constant 112 : index
        %get3A_463 = tpu.vector_load %arg13[%get3A_461, %get3A_462] {strides = array<i32>} : memref<3x128xi32, #tpu.memory_space<vmem>>, vector<1x16xi32>,
        %get3A_464 = vector.shape_cast %get3A_463 : vector<1x16xi32> to vector<16xi32>
        %eq3A_465 = vector.broadcast %arg0 : i32 to vector<16xi32>
        %eq3A_466 = arith.cmpi eq, %get3A_464, %eq3A_465 : vector<16xi32>
        %jit3A_467 = arith.constant 10000 : i32
        %broadcast_in_dim3A_468 = vector.broadcast %jit3A_467 : i32 to vector<16xi32>
        %select_n3A_469 = arith.select %eq3A_466, %get3A_459, %broadcast_in_dim3A_468 : vector<16xi1>, vector<16xi32>
        %swap3A_470 = arith.constant 0 : i32
        %swap3A_471 = arith.index_cast %swap3A_470 : i32 to index
        %swap3A_472 = arith.constant 112 : index
        %swap3A_473 = tpu.vector_load %arg15[%swap3A_471, %swap3A_472] {strides = array<i32>} : memref<1x128xi32, #tpu.memory_space<vmem>>, vector<1x16xi32>,
        %swap3A_474 = vector.shape_cast %swap3A_473 : vector<1x16xi32> to vector<16xi32>
        %swap3A_475 = vector.shape_cast %select_n3A_469 : vector<16xi32> to vector<1x16xi32>
        tpu.vector_store %arg15[%swap3A_471, %swap3A_472], %swap3A_475 {strides = array<i32>} : memref<1x128xi32, #tpu.memory_space<vmem>>, vector<1x16xi32>,
      } else {
      }
    }
    %scan3A_230 = arith.constant 79 : i32
    %dma_wait3A_231 = arith.constant 0 : i32
    %dma_wait3A_232 = arith.constant 0 : i32
    %dma_wait3A_233 = tpu.memref_slice %arg2[%dma_wait3A_231, %dma_wait3A_232] : memref<10000x128xf32, #tpu.memory_space<hbm>> -> memref<128x128xf32, #tpu.memory_space<hbm>>
    %dma_wait3A_234 = arith.constant 0 : i32
    %dma_wait3A_235 = arith.constant 0 : i32
    %dma_wait3A_236 = tpu.memref_slice %arg2[%dma_wait3A_234, %dma_wait3A_235] : memref<10000x128xf32, #tpu.memory_space<hbm>> -> memref<128x128xf32, #tpu.memory_space<hbm>>
    tpu.wait_dma2 semaphore(%arg21 : memref<!tpu.dma_semaphore, #tpu.memory_space<semaphore_mem>>) src(%dma_wait3A_236 : memref<128x128xf32, #tpu.memory_space<hbm>>) dst(%arg18 : memref<128x128xf32, #tpu.memory_space<vmem>>)
    %barrier3A_237 = arith.constant 0 : index
    tpu.barrier barrier_id(%barrier3A_237)
    %eq3A_238 = arith.constant 0 : i32
    %eq3A_239 = arith.cmpi eq, %arg0, %eq3A_238 : i32
    %convert_element_type3A_240 = arith.extui %eq3A_239 : i1 to i32
    %cond3A_241 = arith.constant 0 : i32
    %cond3A_242 = arith.cmpi ne, %convert_element_type3A_240, %cond3A_241 : i32
    scf.if %cond3A_242 {
      "tpu.region"() ({
        %run_scoped3A = tpu.sem_alloc : memref<!tpu.dma_semaphore, #tpu.memory_space<semaphore_mem>>
        %dma_start3A_261 = arith.constant 0 : i32
        %dma_start3A_262 = tpu.memref_slice %arg10[%mul3A_8, %dma_start3A_261] : memref<10240x128xf32, #tpu.memory_space<hbm>> -> memref<640x128xf32, #tpu.memory_space<hbm>>
        %dma_start3A_263 = arith.constant 0 : i32
        %dma_start3A_264 = tpu.memref_slice %arg12[%mul3A_8, %dma_start3A_263] : memref<10240x128xf32, #tpu.memory_space<vmem_shared>> -> memref<640x128xf32, #tpu.memory_space<vmem_shared>>
        tpu.enqueue_dma source(%dma_start3A_264 : memref<640x128xf32, #tpu.memory_space<vmem_shared>>) target(%dma_start3A_262 : memref<640x128xf32, #tpu.memory_space<hbm>>) target_semaphore(%run_scoped3A : memref<!tpu.dma_semaphore, #tpu.memory_space<semaphore_mem>>)
        %dma_wait3A_265 = arith.constant 0 : i32
        %dma_wait3A_266 = tpu.memref_slice %arg10[%mul3A_8, %dma_wait3A_265] : memref<10240x128xf32, #tpu.memory_space<hbm>> -> memref<640x128xf32, #tpu.memory_space<hbm>>
        %dma_wait3A_267 = arith.constant 0 : i32
        %dma_wait3A_268 = tpu.memref_slice %arg12[%mul3A_8, %dma_wait3A_267] : memref<10240x128xf32, #tpu.memory_space<vmem_shared>> -> memref<640x128xf32, #tpu.memory_space<vmem_shared>>
        tpu.wait_dma2 semaphore(%run_scoped3A : memref<!tpu.dma_semaphore, #tpu.memory_space<semaphore_mem>>) src(%dma_wait3A_268 : memref<640x128xf32, #tpu.memory_space<vmem_shared>>) dst(%dma_wait3A_266 : memref<640x128xf32, #tpu.memory_space<hbm>>)
        tpu.yield
      }) : () -> ()
    } else {
    }
    %eq3A_243 = arith.constant 1 : i32
    %eq3A_244 = arith.cmpi eq, %arg0, %eq3A_243 : i32
    %convert_element_type3A_245 = arith.extui %eq3A_244 : i1 to i32
    %cond3A_246 = arith.constant 0 : i32
    %cond3A_247 = arith.cmpi ne, %convert_element_type3A_245, %cond3A_246 : i32
    scf.if %cond3A_247 {
      "tpu.region"() ({
        %run_scoped3A = tpu.sem_alloc : memref<!tpu.dma_semaphore, #tpu.memory_space<semaphore_mem>>
        %dma_start3A_261 = arith.constant 0 : i32
        %dma_start3A_262 = tpu.memref_slice %arg11[%mul3A_8, %dma_start3A_261] : memref<10240x128xf32, #tpu.memory_space<hbm>> -> memref<640x128xf32, #tpu.memory_space<hbm>>
        %dma_start3A_263 = arith.constant 0 : i32
        %dma_start3A_264 = tpu.memref_slice %arg12[%mul3A_8, %dma_start3A_263] : memref<10240x128xf32, #tpu.memory_space<vmem_shared>> -> memref<640x128xf32, #tpu.memory_space<vmem_shared>>
        tpu.enqueue_dma source(%dma_start3A_264 : memref<640x128xf32, #tpu.memory_space<vmem_shared>>) target(%dma_start3A_262 : memref<640x128xf32, #tpu.memory_space<hbm>>) target_semaphore(%run_scoped3A : memref<!tpu.dma_semaphore, #tpu.memory_space<semaphore_mem>>)
        %dma_wait3A_265 = arith.constant 0 : i32
        %dma_wait3A_266 = tpu.memref_slice %arg11[%mul3A_8, %dma_wait3A_265] : memref<10240x128xf32, #tpu.memory_space<hbm>> -> memref<640x128xf32, #tpu.memory_space<hbm>>
        %dma_wait3A_267 = arith.constant 0 : i32
        %dma_wait3A_268 = tpu.memref_slice %arg12[%mul3A_8, %dma_wait3A_267] : memref<10240x128xf32, #tpu.memory_space<vmem_shared>> -> memref<640x128xf32, #tpu.memory_space<vmem_shared>>
        tpu.wait_dma2 semaphore(%run_scoped3A : memref<!tpu.dma_semaphore, #tpu.memory_space<semaphore_mem>>) src(%dma_wait3A_268 : memref<640x128xf32, #tpu.memory_space<vmem_shared>>) dst(%dma_wait3A_266 : memref<640x128xf32, #tpu.memory_space<hbm>>)
        tpu.yield
      }) : () -> ()
    } else {
    }
    %barrier3A_248 = arith.constant 0 : index
    tpu.barrier barrier_id(%barrier3A_248)
    %mul3A_249 = arith.constant 64 : i32
    %mul3A_250 = arith.muli %arg1, %mul3A_249 : i32
    "tpu.region"() ({
      %run_scoped3A = tpu.sem_alloc : memref<!tpu.dma_semaphore, #tpu.memory_space<semaphore_mem>>
      %dma_start3A_261 = tpu.memref_slice %arg4[%mul3A_250] : memref<1024xi32, #tpu.memory_space<hbm>> -> memref<64xi32, #tpu.memory_space<hbm>>
      %dma_start3A_262 = tpu.memref_slice %arg4[%mul3A_250] : memref<1024xi32, #tpu.memory_space<hbm>> -> memref<64xi32, #tpu.memory_space<hbm>>
      tpu.enqueue_dma source(%dma_start3A_262 : memref<64xi32, #tpu.memory_space<hbm>>) target(%arg19 : memref<64xi32, #tpu.memory_space<vmem>>) target_semaphore(%run_scoped3A : memref<!tpu.dma_semaphore, #tpu.memory_space<semaphore_mem>>)
      %dma_wait3A_263 = tpu.memref_slice %arg4[%mul3A_250] : memref<1024xi32, #tpu.memory_space<hbm>> -> memref<64xi32, #tpu.memory_space<hbm>>
      %dma_wait3A_264 = tpu.memref_slice %arg4[%mul3A_250] : memref<1024xi32, #tpu.memory_space<hbm>> -> memref<64xi32, #tpu.memory_space<hbm>>
      tpu.wait_dma2 semaphore(%run_scoped3A : memref<!tpu.dma_semaphore, #tpu.memory_space<semaphore_mem>>) src(%dma_wait3A_264 : memref<64xi32, #tpu.memory_space<hbm>>) dst(%arg19 : memref<64xi32, #tpu.memory_space<vmem>>)
      tpu.yield
    }) : () -> ()
    %eq3A_251 = arith.constant 0 : i32
    %eq3A_252 = arith.cmpi eq, %arg0, %eq3A_251 : i32
    %convert_element_type3A_253 = arith.extui %eq3A_252 : i1 to i32
    %cond3A_254 = arith.constant 0 : i32
    %cond3A_255 = arith.cmpi ne, %convert_element_type3A_253, %cond3A_254 : i32
    scf.if %cond3A_255 {
      %dma_start3A_261 = arith.constant 0 : i32
      %dma_start3A_262 = arith.constant 0 : i32
      %dma_start3A_263 = tpu.memref_slice %arg18[%dma_start3A_261, %dma_start3A_262] : memref<128x128xf32, #tpu.memory_space<vmem>> -> memref<64x128xf32, #tpu.memory_space<vmem>>
      %dma_start3A_264 = arith.constant 0 : i32
      %dma_start3A_265 = arith.constant 0 : i32
      %dma_start3A_266 = tpu.memref_slice %arg8[%dma_start3A_264, %dma_start3A_265] : memref<10240x128xf32, #tpu.memory_space<hbm>> -> memref<10240x128xf32, #tpu.memory_space<hbm>>
      tpu.enqueue_indirect_dma source(%dma_start3A_266 : memref<10240x128xf32, #tpu.memory_space<hbm>>) target(%dma_start3A_263 : memref<64x128xf32, #tpu.memory_space<vmem>>) offsets(%arg19 : memref<64xi32, #tpu.memory_space<vmem>>) semaphore(%arg20 : memref<!tpu.dma_semaphore, #tpu.memory_space<semaphore_mem>>)
      %dma_wait3A_267 = arith.constant 0 : i32
      %dma_wait3A_268 = arith.constant 0 : i32
      %dma_wait3A_269 = tpu.memref_slice %arg18[%dma_wait3A_267, %dma_wait3A_268] : memref<128x128xf32, #tpu.memory_space<vmem>> -> memref<64x128xf32, #tpu.memory_space<vmem>>
      %dma_wait3A_270 = arith.constant 0 : i32
      %dma_wait3A_271 = arith.constant 0 : i32
      %dma_wait3A_272 = tpu.memref_slice %arg8[%dma_wait3A_270, %dma_wait3A_271] : memref<10240x128xf32, #tpu.memory_space<hbm>> -> memref<10240x128xf32, #tpu.memory_space<hbm>>
      tpu.wait_indirect_dma semaphore(%arg20 : memref<!tpu.dma_semaphore, #tpu.memory_space<semaphore_mem>>) src(%dma_wait3A_272 : memref<10240x128xf32, #tpu.memory_space<hbm>>) dst(%dma_wait3A_269 : memref<64x128xf32, #tpu.memory_space<vmem>>)
      "tpu.region"() ({
        %run_scoped3A = tpu.sem_alloc : memref<!tpu.dma_semaphore, #tpu.memory_space<semaphore_mem>>
        %dma_start3A_285 = arith.constant 0 : i32
        %dma_start3A_286 = arith.constant 0 : i32
        %dma_start3A_287 = tpu.memref_slice %arg18[%dma_start3A_285, %dma_start3A_286] : memref<128x128xf32, #tpu.memory_space<vmem>> -> memref<64x128xf32, #tpu.memory_space<vmem>>
        %dma_start3A_288 = arith.constant 0 : i32
        %dma_start3A_289 = tpu.memref_slice %arg5[%mul3A_250, %dma_start3A_288] : memref<1024x128xf32, #tpu.memory_space<hbm>> -> memref<64x128xf32, #tpu.memory_space<hbm>>
        %dma_start3A_290 = arith.constant 0 : i32
        %dma_start3A_291 = tpu.memref_slice %arg5[%mul3A_250, %dma_start3A_290] : memref<1024x128xf32, #tpu.memory_space<hbm>> -> memref<64x128xf32, #tpu.memory_space<hbm>>
        %dma_start3A_292 = arith.constant 0 : i32
        %dma_start3A_293 = arith.constant 0 : i32
        %dma_start3A_294 = tpu.memref_slice %arg18[%dma_start3A_292, %dma_start3A_293] : memref<128x128xf32, #tpu.memory_space<vmem>> -> memref<64x128xf32, #tpu.memory_space<vmem>>
        tpu.enqueue_dma source(%dma_start3A_294 : memref<64x128xf32, #tpu.memory_space<vmem>>) target(%dma_start3A_291 : memref<64x128xf32, #tpu.memory_space<hbm>>) target_semaphore(%run_scoped3A : memref<!tpu.dma_semaphore, #tpu.memory_space<semaphore_mem>>)
        %dma_wait3A_295 = arith.constant 0 : i32
        %dma_wait3A_296 = arith.constant 0 : i32
        %dma_wait3A_297 = tpu.memref_slice %arg18[%dma_wait3A_295, %dma_wait3A_296] : memref<128x128xf32, #tpu.memory_space<vmem>> -> memref<64x128xf32, #tpu.memory_space<vmem>>
        %dma_wait3A_298 = arith.constant 0 : i32
        %dma_wait3A_299 = tpu.memref_slice %arg5[%mul3A_250, %dma_wait3A_298] : memref<1024x128xf32, #tpu.memory_space<hbm>> -> memref<64x128xf32, #tpu.memory_space<hbm>>
        %dma_wait3A_300 = arith.constant 0 : i32
        %dma_wait3A_301 = tpu.memref_slice %arg5[%mul3A_250, %dma_wait3A_300] : memref<1024x128xf32, #tpu.memory_space<hbm>> -> memref<64x128xf32, #tpu.memory_space<hbm>>
        %dma_wait3A_302 = arith.constant 0 : i32
        %dma_wait3A_303 = arith.constant 0 : i32
        %dma_wait3A_304 = tpu.memref_slice %arg18[%dma_wait3A_302, %dma_wait3A_303] : memref<128x128xf32, #tpu.memory_space<vmem>> -> memref<64x128xf32, #tpu.memory_space<vmem>>
        tpu.wait_dma2 semaphore(%run_scoped3A : memref<!tpu.dma_semaphore, #tpu.memory_space<semaphore_mem>>) src(%dma_wait3A_304 : memref<64x128xf32, #tpu.memory_space<vmem>>) dst(%dma_wait3A_301 : memref<64x128xf32, #tpu.memory_space<hbm>>)
        tpu.yield
      }) : () -> ()
      %dma_start3A_273 = arith.constant 0 : i32
      %dma_start3A_274 = arith.constant 0 : i32
      %dma_start3A_275 = tpu.memref_slice %arg18[%dma_start3A_273, %dma_start3A_274] : memref<128x128xf32, #tpu.memory_space<vmem>> -> memref<64x128xf32, #tpu.memory_space<vmem>>
      %dma_start3A_276 = arith.constant 0 : i32
      %dma_start3A_277 = arith.constant 0 : i32
      %dma_start3A_278 = tpu.memref_slice %arg2[%dma_start3A_276, %dma_start3A_277] : memref<10000x128xf32, #tpu.memory_space<hbm>> -> memref<10000x128xf32, #tpu.memory_space<hbm>>
      tpu.enqueue_indirect_dma source(%dma_start3A_278 : memref<10000x128xf32, #tpu.memory_space<hbm>>) target(%dma_start3A_275 : memref<64x128xf32, #tpu.memory_space<vmem>>) offsets(%arg19 : memref<64xi32, #tpu.memory_space<vmem>>) semaphore(%arg20 : memref<!tpu.dma_semaphore, #tpu.memory_space<semaphore_mem>>)
      %dma_wait3A_279 = arith.constant 0 : i32
      %dma_wait3A_280 = arith.constant 0 : i32
      %dma_wait3A_281 = tpu.memref_slice %arg18[%dma_wait3A_279, %dma_wait3A_280] : memref<128x128xf32, #tpu.memory_space<vmem>> -> memref<64x128xf32, #tpu.memory_space<vmem>>
      %dma_wait3A_282 = arith.constant 0 : i32
      %dma_wait3A_283 = arith.constant 0 : i32
      %dma_wait3A_284 = tpu.memref_slice %arg2[%dma_wait3A_282, %dma_wait3A_283] : memref<10000x128xf32, #tpu.memory_space<hbm>> -> memref<10000x128xf32, #tpu.memory_space<hbm>>
      tpu.wait_indirect_dma semaphore(%arg20 : memref<!tpu.dma_semaphore, #tpu.memory_space<semaphore_mem>>) src(%dma_wait3A_284 : memref<10000x128xf32, #tpu.memory_space<hbm>>) dst(%dma_wait3A_281 : memref<64x128xf32, #tpu.memory_space<vmem>>)
      "tpu.region"() ({
        %run_scoped3A = tpu.sem_alloc : memref<!tpu.dma_semaphore, #tpu.memory_space<semaphore_mem>>
        %dma_start3A_285 = arith.constant 0 : i32
        %dma_start3A_286 = arith.constant 0 : i32
        %dma_start3A_287 = tpu.memref_slice %arg18[%dma_start3A_285, %dma_start3A_286] : memref<128x128xf32, #tpu.memory_space<vmem>> -> memref<64x128xf32, #tpu.memory_space<vmem>>
        %dma_start3A_288 = arith.constant 0 : i32
        %dma_start3A_289 = tpu.memref_slice %arg7[%mul3A_250, %dma_start3A_288] : memref<1024x128xf32, #tpu.memory_space<hbm>> -> memref<64x128xf32, #tpu.memory_space<hbm>>
        %dma_start3A_290 = arith.constant 0 : i32
        %dma_start3A_291 = tpu.memref_slice %arg7[%mul3A_250, %dma_start3A_290] : memref<1024x128xf32, #tpu.memory_space<hbm>> -> memref<64x128xf32, #tpu.memory_space<hbm>>
        %dma_start3A_292 = arith.constant 0 : i32
        %dma_start3A_293 = arith.constant 0 : i32
        %dma_start3A_294 = tpu.memref_slice %arg18[%dma_start3A_292, %dma_start3A_293] : memref<128x128xf32, #tpu.memory_space<vmem>> -> memref<64x128xf32, #tpu.memory_space<vmem>>
        tpu.enqueue_dma source(%dma_start3A_294 : memref<64x128xf32, #tpu.memory_space<vmem>>) target(%dma_start3A_291 : memref<64x128xf32, #tpu.memory_space<hbm>>) target_semaphore(%run_scoped3A : memref<!tpu.dma_semaphore, #tpu.memory_space<semaphore_mem>>)
        %dma_wait3A_295 = arith.constant 0 : i32
        %dma_wait3A_296 = arith.constant 0 : i32
        %dma_wait3A_297 = tpu.memref_slice %arg18[%dma_wait3A_295, %dma_wait3A_296] : memref<128x128xf32, #tpu.memory_space<vmem>> -> memref<64x128xf32, #tpu.memory_space<vmem>>
        %dma_wait3A_298 = arith.constant 0 : i32
        %dma_wait3A_299 = tpu.memref_slice %arg7[%mul3A_250, %dma_wait3A_298] : memref<1024x128xf32, #tpu.memory_space<hbm>> -> memref<64x128xf32, #tpu.memory_space<hbm>>
        %dma_wait3A_300 = arith.constant 0 : i32
        %dma_wait3A_301 = tpu.memref_slice %arg7[%mul3A_250, %dma_wait3A_300] : memref<1024x128xf32, #tpu.memory_space<hbm>> -> memref<64x128xf32, #tpu.memory_space<hbm>>
        %dma_wait3A_302 = arith.constant 0 : i32
        %dma_wait3A_303 = arith.constant 0 : i32
        %dma_wait3A_304 = tpu.memref_slice %arg18[%dma_wait3A_302, %dma_wait3A_303] : memref<128x128xf32, #tpu.memory_space<vmem>> -> memref<64x128xf32, #tpu.memory_space<vmem>>
        tpu.wait_dma2 semaphore(%run_scoped3A : memref<!tpu.dma_semaphore, #tpu.memory_space<semaphore_mem>>) src(%dma_wait3A_304 : memref<64x128xf32, #tpu.memory_space<vmem>>) dst(%dma_wait3A_301 : memref<64x128xf32, #tpu.memory_space<hbm>>)
        tpu.yield
      }) : () -> ()
    } else {
    }
    %eq3A_256 = arith.constant 1 : i32
    %eq3A_257 = arith.cmpi eq, %arg0, %eq3A_256 : i32
    %convert_element_type3A_258 = arith.extui %eq3A_257 : i1 to i32
    %cond3A_259 = arith.constant 0 : i32
    %cond3A_260 = arith.cmpi ne, %convert_element_type3A_258, %cond3A_259 : i32
    scf.if %cond3A_260 {
      %dma_start3A_261 = arith.constant 0 : i32
      %dma_start3A_262 = arith.constant 0 : i32
      %dma_start3A_263 = tpu.memref_slice %arg18[%dma_start3A_261, %dma_start3A_262] : memref<128x128xf32, #tpu.memory_space<vmem>> -> memref<64x128xf32, #tpu.memory_space<vmem>>
      %dma_start3A_264 = arith.constant 0 : i32
      %dma_start3A_265 = arith.constant 0 : i32
      %dma_start3A_266 = tpu.memref_slice %arg9[%dma_start3A_264, %dma_start3A_265] : memref<10240x128xf32, #tpu.memory_space<hbm>> -> memref<10240x128xf32, #tpu.memory_space<hbm>>
      tpu.enqueue_indirect_dma source(%dma_start3A_266 : memref<10240x128xf32, #tpu.memory_space<hbm>>) target(%dma_start3A_263 : memref<64x128xf32, #tpu.memory_space<vmem>>) offsets(%arg19 : memref<64xi32, #tpu.memory_space<vmem>>) semaphore(%arg20 : memref<!tpu.dma_semaphore, #tpu.memory_space<semaphore_mem>>)
      %dma_wait3A_267 = arith.constant 0 : i32
      %dma_wait3A_268 = arith.constant 0 : i32
      %dma_wait3A_269 = tpu.memref_slice %arg18[%dma_wait3A_267, %dma_wait3A_268] : memref<128x128xf32, #tpu.memory_space<vmem>> -> memref<64x128xf32, #tpu.memory_space<vmem>>
      %dma_wait3A_270 = arith.constant 0 : i32
      %dma_wait3A_271 = arith.constant 0 : i32
      %dma_wait3A_272 = tpu.memref_slice %arg9[%dma_wait3A_270, %dma_wait3A_271] : memref<10240x128xf32, #tpu.memory_space<hbm>> -> memref<10240x128xf32, #tpu.memory_space<hbm>>
      tpu.wait_indirect_dma semaphore(%arg20 : memref<!tpu.dma_semaphore, #tpu.memory_space<semaphore_mem>>) src(%dma_wait3A_272 : memref<10240x128xf32, #tpu.memory_space<hbm>>) dst(%dma_wait3A_269 : memref<64x128xf32, #tpu.memory_space<vmem>>)
      "tpu.region"() ({
        %run_scoped3A = tpu.sem_alloc : memref<!tpu.dma_semaphore, #tpu.memory_space<semaphore_mem>>
        %dma_start3A_273 = arith.constant 0 : i32
        %dma_start3A_274 = arith.constant 0 : i32
        %dma_start3A_275 = tpu.memref_slice %arg18[%dma_start3A_273, %dma_start3A_274] : memref<128x128xf32, #tpu.memory_space<vmem>> -> memref<64x128xf32, #tpu.memory_space<vmem>>
        %dma_start3A_276 = arith.constant 0 : i32
        %dma_start3A_277 = tpu.memref_slice %arg6[%mul3A_250, %dma_start3A_276] : memref<1024x128xf32, #tpu.memory_space<hbm>> -> memref<64x128xf32, #tpu.memory_space<hbm>>
        %dma_start3A_278 = arith.constant 0 : i32
        %dma_start3A_279 = tpu.memref_slice %arg6[%mul3A_250, %dma_start3A_278] : memref<1024x128xf32, #tpu.memory_space<hbm>> -> memref<64x128xf32, #tpu.memory_space<hbm>>
        %dma_start3A_280 = arith.constant 0 : i32
        %dma_start3A_281 = arith.constant 0 : i32
        %dma_start3A_282 = tpu.memref_slice %arg18[%dma_start3A_280, %dma_start3A_281] : memref<128x128xf32, #tpu.memory_space<vmem>> -> memref<64x128xf32, #tpu.memory_space<vmem>>
        tpu.enqueue_dma source(%dma_start3A_282 : memref<64x128xf32, #tpu.memory_space<vmem>>) target(%dma_start3A_279 : memref<64x128xf32, #tpu.memory_space<hbm>>) target_semaphore(%run_scoped3A : memref<!tpu.dma_semaphore, #tpu.memory_space<semaphore_mem>>)
        %dma_wait3A_283 = arith.constant 0 : i32
        %dma_wait3A_284 = arith.constant 0 : i32
        %dma_wait3A_285 = tpu.memref_slice %arg18[%dma_wait3A_283, %dma_wait3A_284] : memref<128x128xf32, #tpu.memory_space<vmem>> -> memref<64x128xf32, #tpu.memory_space<vmem>>
        %dma_wait3A_286 = arith.constant 0 : i32
        %dma_wait3A_287 = tpu.memref_slice %arg6[%mul3A_250, %dma_wait3A_286] : memref<1024x128xf32, #tpu.memory_space<hbm>> -> memref<64x128xf32, #tpu.memory_space<hbm>>
        %dma_wait3A_288 = arith.constant 0 : i32
        %dma_wait3A_289 = tpu.memref_slice %arg6[%mul3A_250, %dma_wait3A_288] : memref<1024x128xf32, #tpu.memory_space<hbm>> -> memref<64x128xf32, #tpu.memory_space<hbm>>
        %dma_wait3A_290 = arith.constant 0 : i32
        %dma_wait3A_291 = arith.constant 0 : i32
        %dma_wait3A_292 = tpu.memref_slice %arg18[%dma_wait3A_290, %dma_wait3A_291] : memref<128x128xf32, #tpu.memory_space<vmem>> -> memref<64x128xf32, #tpu.memory_space<vmem>>
        tpu.wait_dma2 semaphore(%run_scoped3A : memref<!tpu.dma_semaphore, #tpu.memory_space<semaphore_mem>>) src(%dma_wait3A_292 : memref<64x128xf32, #tpu.memory_space<vmem>>) dst(%dma_wait3A_289 : memref<64x128xf32, #tpu.memory_space<hbm>>)
        tpu.yield
      }) : () -> ()
    } else {
    }
    return
  }
}

module attributes {stable_mosaic.version = 14 : i64} {
  func.func @_enc_body(%arg0: i32, %arg1: memref<400x3xf32, #tpu.memory_space<vmem>>, %arg2: memref<400x5xf32, #tpu.memory_space<vmem>>, %arg3: memref<400x768xf32, #tpu.memory_space<vmem>>, %arg4: memref<400x768xf32, #tpu.memory_space<vmem>>, %arg5: memref<3x32xf32, #tpu.memory_space<vmem>>, %arg6: memref<32xf32, #tpu.memory_space<vmem>>, %arg7: memref<32xf32, #tpu.memory_space<vmem>>, %arg8: memref<32xf32, #tpu.memory_space<vmem>>, %arg9: memref<5x32xf32, #tpu.memory_space<vmem>>, %arg10: memref<32xf32, #tpu.memory_space<vmem>>, %arg11: memref<32xf32, #tpu.memory_space<vmem>>, %arg12: memref<32xf32, #tpu.memory_space<vmem>>, %arg13: memref<768x32xf32, #tpu.memory_space<vmem>>, %arg14: memref<32xf32, #tpu.memory_space<vmem>>, %arg15: memref<32xf32, #tpu.memory_space<vmem>>, %arg16: memref<32xf32, #tpu.memory_space<vmem>>, %arg17: memref<768x32xf32, #tpu.memory_space<vmem>>, %arg18: memref<32xf32, #tpu.memory_space<vmem>>, %arg19: memref<32xf32, #tpu.memory_space<vmem>>, %arg20: memref<32xf32, #tpu.memory_space<vmem>>, %arg21: memref<128x128xf32, #tpu.memory_space<vmem>>, %arg22: memref<128xf32, #tpu.memory_space<vmem>>, %arg23: memref<128xf32, #tpu.memory_space<vmem>>, %arg24: memref<128xf32, #tpu.memory_space<vmem>>, %arg25: memref<400x128xf32, #tpu.memory_space<vmem>>) attributes {dimension_semantics = [#tpu.dimension_semantics<arbitrary>], iteration_bounds = array<i64: 25>, scalar_prefetch = 0 : i64, scratch_operands = 0 : i64, tpu.core_type = #tpu.core_type<tc>, window_params = [{transform_indices = @transform_0, window_bounds = array<i64: 400, 3>}, {transform_indices = @transform_1, window_bounds = array<i64: 400, 5>}, {transform_indices = @transform_2, window_bounds = array<i64: 400, 768>}, {transform_indices = @transform_3, window_bounds = array<i64: 400, 768>}, {pipeline_mode = #tpu.pipeline_mode<synchronous>, transform_indices = @transform_4, window_bounds = array<i64: 3, 32>}, {pipeline_mode = #tpu.pipeline_mode<synchronous>, transform_indices = @transform_5, window_bounds = array<i64: 32>}, {pipeline_mode = #tpu.pipeline_mode<synchronous>, transform_indices = @transform_6, window_bounds = array<i64: 32>}, {pipeline_mode = #tpu.pipeline_mode<synchronous>, transform_indices = @transform_7, window_bounds = array<i64: 32>}, {pipeline_mode = #tpu.pipeline_mode<synchronous>, transform_indices = @transform_8, window_bounds = array<i64: 5, 32>}, {pipeline_mode = #tpu.pipeline_mode<synchronous>, transform_indices = @transform_9, window_bounds = array<i64: 32>}, {pipeline_mode = #tpu.pipeline_mode<synchronous>, transform_indices = @transform_10, window_bounds = array<i64: 32>}, {pipeline_mode = #tpu.pipeline_mode<synchronous>, transform_indices = @transform_11, window_bounds = array<i64: 32>}, {pipeline_mode = #tpu.pipeline_mode<synchronous>, transform_indices = @transform_12, window_bounds = array<i64: 768, 32>}, {pipeline_mode = #tpu.pipeline_mode<synchronous>, transform_indices = @transform_13, window_bounds = array<i64: 32>}, {pipeline_mode = #tpu.pipeline_mode<synchronous>, transform_indices = @transform_14, window_bounds = array<i64: 32>}, {pipeline_mode = #tpu.pipeline_mode<synchronous>, transform_indices = @transform_15, window_bounds = array<i64: 32>}, {pipeline_mode = #tpu.pipeline_mode<synchronous>, transform_indices = @transform_16, window_bounds = array<i64: 768, 32>}, {pipeline_mode = #tpu.pipeline_mode<synchronous>, transform_indices = @transform_17, window_bounds = array<i64: 32>}, {pipeline_mode = #tpu.pipeline_mode<synchronous>, transform_indices = @transform_18, window_bounds = array<i64: 32>}, {pipeline_mode = #tpu.pipeline_mode<synchronous>, transform_indices = @transform_19, window_bounds = array<i64: 32>}, {pipeline_mode = #tpu.pipeline_mode<synchronous>, transform_indices = @transform_20, window_bounds = array<i64: 128, 128>}, {pipeline_mode = #tpu.pipeline_mode<synchronous>, transform_indices = @transform_21, window_bounds = array<i64: 128>}, {pipeline_mode = #tpu.pipeline_mode<synchronous>, transform_indices = @transform_22, window_bounds = array<i64: 128>}, {pipeline_mode = #tpu.pipeline_mode<synchronous>, transform_indices = @transform_23, window_bounds = array<i64: 128>}, {transform_indices = @transform_24, window_bounds = array<i64: 400, 128>}]} {
    %get3A = arith.constant 0 : index
    %get3A_0 = arith.constant 0 : index
    %get3A_1 = vector.load %arg1[%get3A, %get3A_0] : memref<400x3xf32, #tpu.memory_space<vmem>>, vector<400x3xf32>
    %get3A_2 = arith.constant 0 : index
    %get3A_3 = arith.constant 0 : index
    %get3A_4 = vector.load %arg5[%get3A_2, %get3A_3] : memref<3x32xf32, #tpu.memory_space<vmem>>, vector<3x32xf32>
    %dot_general3A = arith.constant dense<0.000000e+00> : vector<400x32xf32>
    %dot_general3A_5 = tpu.matmul %get3A_1, %get3A_4, %dot_general3A {dimension_numbers = #tpu.dot_dimension_numbers<[1], [0], [0], [1], [0, 0, 1, 1], [], []>, transpose_lhs_hint = false} : vector<400x3xf32>, vector<3x32xf32>, vector<400x32xf32> -> vector<400x32xf32>
    %get3A_6 = arith.constant 0 : index
    %get3A_7 = vector.load %arg6[%get3A_6] : memref<32xf32, #tpu.memory_space<vmem>>, vector<32xf32>
    %broadcast_in_dim3A = vector.shape_cast %get3A_7 : vector<32xf32> to vector<1x32xf32>
    %add3A = vector.broadcast %broadcast_in_dim3A : vector<1x32xf32> to vector<400x32xf32>
    %add3A_8 = arith.addf %dot_general3A_5, %add3A : vector<400x32xf32>
    %get3A_9 = arith.constant 0 : index
    %get3A_10 = vector.load %arg7[%get3A_9] : memref<32xf32, #tpu.memory_space<vmem>>, vector<32xf32>
    %get3A_11 = arith.constant 0 : index
    %get3A_12 = vector.load %arg8[%get3A_11] : memref<32xf32, #tpu.memory_space<vmem>>, vector<32xf32>
    %reduce_sum3A = arith.constant dense<0.000000e+00> : vector<400xf32>
    %reduce_sum3A_13 = vector.multi_reduction <add>, %add3A_8, %reduce_sum3A [1] : vector<400x32xf32> to vector<400xf32>
    %broadcast_in_dim3A_14 = vector.shape_cast %reduce_sum3A_13 : vector<400xf32> to vector<400x1xf32>
    %div3A = arith.constant 3.200000e+01 : f32
    %div3A_15 = vector.broadcast %div3A : f32 to vector<400x1xf32>
    %div3A_16 = arith.divf %broadcast_in_dim3A_14, %div3A_15 : vector<400x1xf32>
    %sub3A = vector.broadcast %div3A_16 : vector<400x1xf32> to vector<400x32xf32>
    %sub3A_17 = arith.subf %add3A_8, %sub3A : vector<400x32xf32>
    %sub3A_18 = vector.broadcast %div3A_16 : vector<400x1xf32> to vector<400x32xf32>
    %sub3A_19 = arith.subf %add3A_8, %sub3A_18 : vector<400x32xf32>
    %mul3A = arith.mulf %sub3A_17, %sub3A_19 : vector<400x32xf32>
    %reduce_sum3A_20 = arith.constant dense<0.000000e+00> : vector<400xf32>
    %reduce_sum3A_21 = vector.multi_reduction <add>, %mul3A, %reduce_sum3A_20 [1] : vector<400x32xf32> to vector<400xf32>
    %broadcast_in_dim3A_22 = vector.shape_cast %reduce_sum3A_21 : vector<400xf32> to vector<400x1xf32>
    %div3A_23 = arith.constant 3.200000e+01 : f32
    %div3A_24 = vector.broadcast %div3A_23 : f32 to vector<400x1xf32>
    %div3A_25 = arith.divf %broadcast_in_dim3A_22, %div3A_24 : vector<400x1xf32>
    %sub3A_26 = vector.broadcast %div3A_16 : vector<400x1xf32> to vector<400x32xf32>
    %sub3A_27 = arith.subf %add3A_8, %sub3A_26 : vector<400x32xf32>
    %add3A_28 = arith.constant 9.99999974E-6 : f32
    %add3A_29 = vector.broadcast %add3A_28 : f32 to vector<400x1xf32>
    %add3A_30 = arith.addf %div3A_25, %add3A_29 : vector<400x1xf32>
    %rsqrt3A = math.rsqrt %add3A_30 : vector<400x1xf32>
    %mul3A_31 = vector.broadcast %rsqrt3A : vector<400x1xf32> to vector<400x32xf32>
    %mul3A_32 = arith.mulf %sub3A_27, %mul3A_31 : vector<400x32xf32>
    %broadcast_in_dim3A_33 = vector.shape_cast %get3A_10 : vector<32xf32> to vector<1x32xf32>
    %mul3A_34 = vector.broadcast %broadcast_in_dim3A_33 : vector<1x32xf32> to vector<400x32xf32>
    %mul3A_35 = arith.mulf %mul3A_32, %mul3A_34 : vector<400x32xf32>
    %broadcast_in_dim3A_36 = vector.shape_cast %get3A_12 : vector<32xf32> to vector<1x32xf32>
    %add3A_37 = vector.broadcast %broadcast_in_dim3A_36 : vector<1x32xf32> to vector<400x32xf32>
    %add3A_38 = arith.addf %mul3A_35, %add3A_37 : vector<400x32xf32>
    %ge3A = arith.constant 0.000000e+00 : f32
    %ge3A_39 = vector.broadcast %ge3A : f32 to vector<400x32xf32>
    %ge3A_40 = arith.cmpf oge, %add3A_38, %ge3A_39 : vector<400x32xf32>
    %mul3A_41 = arith.constant 0.00999999977 : f32
    %mul3A_42 = vector.broadcast %mul3A_41 : f32 to vector<400x32xf32>
    %mul3A_43 = arith.mulf %mul3A_42, %add3A_38 : vector<400x32xf32>
    %select_n3A = arith.select %ge3A_40, %add3A_38, %mul3A_43 : vector<400x32xi1>, vector<400x32xf32>
    %get3A_44 = arith.constant 0 : index
    %get3A_45 = arith.constant 0 : index
    %get3A_46 = vector.load %arg2[%get3A_44, %get3A_45] : memref<400x5xf32, #tpu.memory_space<vmem>>, vector<400x5xf32>
    %get3A_47 = arith.constant 0 : index
    %get3A_48 = arith.constant 0 : index
    %get3A_49 = vector.load %arg9[%get3A_47, %get3A_48] : memref<5x32xf32, #tpu.memory_space<vmem>>, vector<5x32xf32>
    %dot_general3A_50 = arith.constant dense<0.000000e+00> : vector<400x32xf32>
    %dot_general3A_51 = tpu.matmul %get3A_46, %get3A_49, %dot_general3A_50 {dimension_numbers = #tpu.dot_dimension_numbers<[1], [0], [0], [1], [0, 0, 1, 1], [], []>, transpose_lhs_hint = false} : vector<400x5xf32>, vector<5x32xf32>, vector<400x32xf32> -> vector<400x32xf32>
    %get3A_52 = arith.constant 0 : index
    %get3A_53 = vector.load %arg10[%get3A_52] : memref<32xf32, #tpu.memory_space<vmem>>, vector<32xf32>
    %broadcast_in_dim3A_54 = vector.shape_cast %get3A_53 : vector<32xf32> to vector<1x32xf32>
    %add3A_55 = vector.broadcast %broadcast_in_dim3A_54 : vector<1x32xf32> to vector<400x32xf32>
    %add3A_56 = arith.addf %dot_general3A_51, %add3A_55 : vector<400x32xf32>
    %get3A_57 = arith.constant 0 : index
    %get3A_58 = vector.load %arg11[%get3A_57] : memref<32xf32, #tpu.memory_space<vmem>>, vector<32xf32>
    %get3A_59 = arith.constant 0 : index
    %get3A_60 = vector.load %arg12[%get3A_59] : memref<32xf32, #tpu.memory_space<vmem>>, vector<32xf32>
    %reduce_sum3A_61 = arith.constant dense<0.000000e+00> : vector<400xf32>
    %reduce_sum3A_62 = vector.multi_reduction <add>, %add3A_56, %reduce_sum3A_61 [1] : vector<400x32xf32> to vector<400xf32>
    %broadcast_in_dim3A_63 = vector.shape_cast %reduce_sum3A_62 : vector<400xf32> to vector<400x1xf32>
    %div3A_64 = arith.constant 3.200000e+01 : f32
    %div3A_65 = vector.broadcast %div3A_64 : f32 to vector<400x1xf32>
    %div3A_66 = arith.divf %broadcast_in_dim3A_63, %div3A_65 : vector<400x1xf32>
    %sub3A_67 = vector.broadcast %div3A_66 : vector<400x1xf32> to vector<400x32xf32>
    %sub3A_68 = arith.subf %add3A_56, %sub3A_67 : vector<400x32xf32>
    %sub3A_69 = vector.broadcast %div3A_66 : vector<400x1xf32> to vector<400x32xf32>
    %sub3A_70 = arith.subf %add3A_56, %sub3A_69 : vector<400x32xf32>
    %mul3A_71 = arith.mulf %sub3A_68, %sub3A_70 : vector<400x32xf32>
    %reduce_sum3A_72 = arith.constant dense<0.000000e+00> : vector<400xf32>
    %reduce_sum3A_73 = vector.multi_reduction <add>, %mul3A_71, %reduce_sum3A_72 [1] : vector<400x32xf32> to vector<400xf32>
    %broadcast_in_dim3A_74 = vector.shape_cast %reduce_sum3A_73 : vector<400xf32> to vector<400x1xf32>
    %div3A_75 = arith.constant 3.200000e+01 : f32
    %div3A_76 = vector.broadcast %div3A_75 : f32 to vector<400x1xf32>
    %div3A_77 = arith.divf %broadcast_in_dim3A_74, %div3A_76 : vector<400x1xf32>
    %sub3A_78 = vector.broadcast %div3A_66 : vector<400x1xf32> to vector<400x32xf32>
    %sub3A_79 = arith.subf %add3A_56, %sub3A_78 : vector<400x32xf32>
    %add3A_80 = arith.constant 9.99999974E-6 : f32
    %add3A_81 = vector.broadcast %add3A_80 : f32 to vector<400x1xf32>
    %add3A_82 = arith.addf %div3A_77, %add3A_81 : vector<400x1xf32>
    %rsqrt3A_83 = math.rsqrt %add3A_82 : vector<400x1xf32>
    %mul3A_84 = vector.broadcast %rsqrt3A_83 : vector<400x1xf32> to vector<400x32xf32>
    %mul3A_85 = arith.mulf %sub3A_79, %mul3A_84 : vector<400x32xf32>
    %broadcast_in_dim3A_86 = vector.shape_cast %get3A_58 : vector<32xf32> to vector<1x32xf32>
    %mul3A_87 = vector.broadcast %broadcast_in_dim3A_86 : vector<1x32xf32> to vector<400x32xf32>
    %mul3A_88 = arith.mulf %mul3A_85, %mul3A_87 : vector<400x32xf32>
    %broadcast_in_dim3A_89 = vector.shape_cast %get3A_60 : vector<32xf32> to vector<1x32xf32>
    %add3A_90 = vector.broadcast %broadcast_in_dim3A_89 : vector<1x32xf32> to vector<400x32xf32>
    %add3A_91 = arith.addf %mul3A_88, %add3A_90 : vector<400x32xf32>
    %ge3A_92 = arith.constant 0.000000e+00 : f32
    %ge3A_93 = vector.broadcast %ge3A_92 : f32 to vector<400x32xf32>
    %ge3A_94 = arith.cmpf oge, %add3A_91, %ge3A_93 : vector<400x32xf32>
    %mul3A_95 = arith.constant 0.00999999977 : f32
    %mul3A_96 = vector.broadcast %mul3A_95 : f32 to vector<400x32xf32>
    %mul3A_97 = arith.mulf %mul3A_96, %add3A_91 : vector<400x32xf32>
    %select_n3A_98 = arith.select %ge3A_94, %add3A_91, %mul3A_97 : vector<400x32xi1>, vector<400x32xf32>
    %get3A_99 = arith.constant 0 : index
    %get3A_100 = arith.constant 0 : index
    %get3A_101 = vector.load %arg3[%get3A_99, %get3A_100] : memref<400x768xf32, #tpu.memory_space<vmem>>, vector<400x768xf32>
    %get3A_102 = arith.constant 0 : index
    %get3A_103 = arith.constant 0 : index
    %get3A_104 = vector.load %arg13[%get3A_102, %get3A_103] : memref<768x32xf32, #tpu.memory_space<vmem>>, vector<768x32xf32>
    %dot_general3A_105 = arith.constant dense<0.000000e+00> : vector<400x32xf32>
    %dot_general3A_106 = tpu.matmul %get3A_101, %get3A_104, %dot_general3A_105 {dimension_numbers = #tpu.dot_dimension_numbers<[1], [0], [0], [1], [0, 0, 1, 1], [], []>, transpose_lhs_hint = false} : vector<400x768xf32>, vector<768x32xf32>, vector<400x32xf32> -> vector<400x32xf32>
    %get3A_107 = arith.constant 0 : index
    %get3A_108 = vector.load %arg14[%get3A_107] : memref<32xf32, #tpu.memory_space<vmem>>, vector<32xf32>
    %broadcast_in_dim3A_109 = vector.shape_cast %get3A_108 : vector<32xf32> to vector<1x32xf32>
    %add3A_110 = vector.broadcast %broadcast_in_dim3A_109 : vector<1x32xf32> to vector<400x32xf32>
    %add3A_111 = arith.addf %dot_general3A_106, %add3A_110 : vector<400x32xf32>
    %get3A_112 = arith.constant 0 : index
    %get3A_113 = vector.load %arg15[%get3A_112] : memref<32xf32, #tpu.memory_space<vmem>>, vector<32xf32>
    %get3A_114 = arith.constant 0 : index
    %get3A_115 = vector.load %arg16[%get3A_114] : memref<32xf32, #tpu.memory_space<vmem>>, vector<32xf32>
    %reduce_sum3A_116 = arith.constant dense<0.000000e+00> : vector<400xf32>
    %reduce_sum3A_117 = vector.multi_reduction <add>, %add3A_111, %reduce_sum3A_116 [1] : vector<400x32xf32> to vector<400xf32>
    %broadcast_in_dim3A_118 = vector.shape_cast %reduce_sum3A_117 : vector<400xf32> to vector<400x1xf32>
    %div3A_119 = arith.constant 3.200000e+01 : f32
    %div3A_120 = vector.broadcast %div3A_119 : f32 to vector<400x1xf32>
    %div3A_121 = arith.divf %broadcast_in_dim3A_118, %div3A_120 : vector<400x1xf32>
    %sub3A_122 = vector.broadcast %div3A_121 : vector<400x1xf32> to vector<400x32xf32>
    %sub3A_123 = arith.subf %add3A_111, %sub3A_122 : vector<400x32xf32>
    %sub3A_124 = vector.broadcast %div3A_121 : vector<400x1xf32> to vector<400x32xf32>
    %sub3A_125 = arith.subf %add3A_111, %sub3A_124 : vector<400x32xf32>
    %mul3A_126 = arith.mulf %sub3A_123, %sub3A_125 : vector<400x32xf32>
    %reduce_sum3A_127 = arith.constant dense<0.000000e+00> : vector<400xf32>
    %reduce_sum3A_128 = vector.multi_reduction <add>, %mul3A_126, %reduce_sum3A_127 [1] : vector<400x32xf32> to vector<400xf32>
    %broadcast_in_dim3A_129 = vector.shape_cast %reduce_sum3A_128 : vector<400xf32> to vector<400x1xf32>
    %div3A_130 = arith.constant 3.200000e+01 : f32
    %div3A_131 = vector.broadcast %div3A_130 : f32 to vector<400x1xf32>
    %div3A_132 = arith.divf %broadcast_in_dim3A_129, %div3A_131 : vector<400x1xf32>
    %sub3A_133 = vector.broadcast %div3A_121 : vector<400x1xf32> to vector<400x32xf32>
    %sub3A_134 = arith.subf %add3A_111, %sub3A_133 : vector<400x32xf32>
    %add3A_135 = arith.constant 9.99999974E-6 : f32
    %add3A_136 = vector.broadcast %add3A_135 : f32 to vector<400x1xf32>
    %add3A_137 = arith.addf %div3A_132, %add3A_136 : vector<400x1xf32>
    %rsqrt3A_138 = math.rsqrt %add3A_137 : vector<400x1xf32>
    %mul3A_139 = vector.broadcast %rsqrt3A_138 : vector<400x1xf32> to vector<400x32xf32>
    %mul3A_140 = arith.mulf %sub3A_134, %mul3A_139 : vector<400x32xf32>
    %broadcast_in_dim3A_141 = vector.shape_cast %get3A_113 : vector<32xf32> to vector<1x32xf32>
    %mul3A_142 = vector.broadcast %broadcast_in_dim3A_141 : vector<1x32xf32> to vector<400x32xf32>
    %mul3A_143 = arith.mulf %mul3A_140, %mul3A_142 : vector<400x32xf32>
    %broadcast_in_dim3A_144 = vector.shape_cast %get3A_115 : vector<32xf32> to vector<1x32xf32>
    %add3A_145 = vector.broadcast %broadcast_in_dim3A_144 : vector<1x32xf32> to vector<400x32xf32>
    %add3A_146 = arith.addf %mul3A_143, %add3A_145 : vector<400x32xf32>
    %ge3A_147 = arith.constant 0.000000e+00 : f32
    %ge3A_148 = vector.broadcast %ge3A_147 : f32 to vector<400x32xf32>
    %ge3A_149 = arith.cmpf oge, %add3A_146, %ge3A_148 : vector<400x32xf32>
    %mul3A_150 = arith.constant 0.00999999977 : f32
    %mul3A_151 = vector.broadcast %mul3A_150 : f32 to vector<400x32xf32>
    %mul3A_152 = arith.mulf %mul3A_151, %add3A_146 : vector<400x32xf32>
    %select_n3A_153 = arith.select %ge3A_149, %add3A_146, %mul3A_152 : vector<400x32xi1>, vector<400x32xf32>
    %get3A_154 = arith.constant 0 : index
    %get3A_155 = arith.constant 0 : index
    %get3A_156 = vector.load %arg4[%get3A_154, %get3A_155] : memref<400x768xf32, #tpu.memory_space<vmem>>, vector<400x768xf32>
    %get3A_157 = arith.constant 0 : index
    %get3A_158 = arith.constant 0 : index
    %get3A_159 = vector.load %arg17[%get3A_157, %get3A_158] : memref<768x32xf32, #tpu.memory_space<vmem>>, vector<768x32xf32>
    %dot_general3A_160 = arith.constant dense<0.000000e+00> : vector<400x32xf32>
    %dot_general3A_161 = tpu.matmul %get3A_156, %get3A_159, %dot_general3A_160 {dimension_numbers = #tpu.dot_dimension_numbers<[1], [0], [0], [1], [0, 0, 1, 1], [], []>, transpose_lhs_hint = false} : vector<400x768xf32>, vector<768x32xf32>, vector<400x32xf32> -> vector<400x32xf32>
    %get3A_162 = arith.constant 0 : index
    %get3A_163 = vector.load %arg18[%get3A_162] : memref<32xf32, #tpu.memory_space<vmem>>, vector<32xf32>
    %broadcast_in_dim3A_164 = vector.shape_cast %get3A_163 : vector<32xf32> to vector<1x32xf32>
    %add3A_165 = vector.broadcast %broadcast_in_dim3A_164 : vector<1x32xf32> to vector<400x32xf32>
    %add3A_166 = arith.addf %dot_general3A_161, %add3A_165 : vector<400x32xf32>
    %get3A_167 = arith.constant 0 : index
    %get3A_168 = vector.load %arg19[%get3A_167] : memref<32xf32, #tpu.memory_space<vmem>>, vector<32xf32>
    %get3A_169 = arith.constant 0 : index
    %get3A_170 = vector.load %arg20[%get3A_169] : memref<32xf32, #tpu.memory_space<vmem>>, vector<32xf32>
    %reduce_sum3A_171 = arith.constant dense<0.000000e+00> : vector<400xf32>
    %reduce_sum3A_172 = vector.multi_reduction <add>, %add3A_166, %reduce_sum3A_171 [1] : vector<400x32xf32> to vector<400xf32>
    %broadcast_in_dim3A_173 = vector.shape_cast %reduce_sum3A_172 : vector<400xf32> to vector<400x1xf32>
    %div3A_174 = arith.constant 3.200000e+01 : f32
    %div3A_175 = vector.broadcast %div3A_174 : f32 to vector<400x1xf32>
    %div3A_176 = arith.divf %broadcast_in_dim3A_173, %div3A_175 : vector<400x1xf32>
    %sub3A_177 = vector.broadcast %div3A_176 : vector<400x1xf32> to vector<400x32xf32>
    %sub3A_178 = arith.subf %add3A_166, %sub3A_177 : vector<400x32xf32>
    %sub3A_179 = vector.broadcast %div3A_176 : vector<400x1xf32> to vector<400x32xf32>
    %sub3A_180 = arith.subf %add3A_166, %sub3A_179 : vector<400x32xf32>
    %mul3A_181 = arith.mulf %sub3A_178, %sub3A_180 : vector<400x32xf32>
    %reduce_sum3A_182 = arith.constant dense<0.000000e+00> : vector<400xf32>
    %reduce_sum3A_183 = vector.multi_reduction <add>, %mul3A_181, %reduce_sum3A_182 [1] : vector<400x32xf32> to vector<400xf32>
    %broadcast_in_dim3A_184 = vector.shape_cast %reduce_sum3A_183 : vector<400xf32> to vector<400x1xf32>
    %div3A_185 = arith.constant 3.200000e+01 : f32
    %div3A_186 = vector.broadcast %div3A_185 : f32 to vector<400x1xf32>
    %div3A_187 = arith.divf %broadcast_in_dim3A_184, %div3A_186 : vector<400x1xf32>
    %sub3A_188 = vector.broadcast %div3A_176 : vector<400x1xf32> to vector<400x32xf32>
    %sub3A_189 = arith.subf %add3A_166, %sub3A_188 : vector<400x32xf32>
    %add3A_190 = arith.constant 9.99999974E-6 : f32
    %add3A_191 = vector.broadcast %add3A_190 : f32 to vector<400x1xf32>
    %add3A_192 = arith.addf %div3A_187, %add3A_191 : vector<400x1xf32>
    %rsqrt3A_193 = math.rsqrt %add3A_192 : vector<400x1xf32>
    %mul3A_194 = vector.broadcast %rsqrt3A_193 : vector<400x1xf32> to vector<400x32xf32>
    %mul3A_195 = arith.mulf %sub3A_189, %mul3A_194 : vector<400x32xf32>
    %broadcast_in_dim3A_196 = vector.shape_cast %get3A_168 : vector<32xf32> to vector<1x32xf32>
    %mul3A_197 = vector.broadcast %broadcast_in_dim3A_196 : vector<1x32xf32> to vector<400x32xf32>
    %mul3A_198 = arith.mulf %mul3A_195, %mul3A_197 : vector<400x32xf32>
    %broadcast_in_dim3A_199 = vector.shape_cast %get3A_170 : vector<32xf32> to vector<1x32xf32>
    %add3A_200 = vector.broadcast %broadcast_in_dim3A_199 : vector<1x32xf32> to vector<400x32xf32>
    %add3A_201 = arith.addf %mul3A_198, %add3A_200 : vector<400x32xf32>
    %ge3A_202 = arith.constant 0.000000e+00 : f32
    %ge3A_203 = vector.broadcast %ge3A_202 : f32 to vector<400x32xf32>
    %ge3A_204 = arith.cmpf oge, %add3A_201, %ge3A_203 : vector<400x32xf32>
    %mul3A_205 = arith.constant 0.00999999977 : f32
    %mul3A_206 = vector.broadcast %mul3A_205 : f32 to vector<400x32xf32>
    %mul3A_207 = arith.mulf %mul3A_206, %add3A_201 : vector<400x32xf32>
    %select_n3A_208 = arith.select %ge3A_204, %add3A_201, %mul3A_207 : vector<400x32xi1>, vector<400x32xf32>
    %concatenate3A = tpu.concatenate %select_n3A, %select_n3A_98, %select_n3A_153, %select_n3A_208 in 1 : vector<400x32xf32>, vector<400x32xf32>, vector<400x32xf32>, vector<400x32xf32> -> vector<400x128xf32>
    %get3A_209 = arith.constant 0 : index
    %get3A_210 = arith.constant 0 : index
    %get3A_211 = vector.load %arg21[%get3A_209, %get3A_210] : memref<128x128xf32, #tpu.memory_space<vmem>>, vector<128x128xf32>
    %dot_general3A_212 = arith.constant dense<0.000000e+00> : vector<400x128xf32>
    %dot_general3A_213 = tpu.matmul %concatenate3A, %get3A_211, %dot_general3A_212 {dimension_numbers = #tpu.dot_dimension_numbers<[1], [0], [0], [1], [0, 0, 1, 1], [], []>, transpose_lhs_hint = false} : vector<400x128xf32>, vector<128x128xf32>, vector<400x128xf32> -> vector<400x128xf32>
    %get3A_214 = arith.constant 0 : index
    %get3A_215 = vector.load %arg22[%get3A_214] : memref<128xf32, #tpu.memory_space<vmem>>, vector<128xf32>
    %broadcast_in_dim3A_216 = vector.shape_cast %get3A_215 : vector<128xf32> to vector<1x128xf32>
    %add3A_217 = vector.broadcast %broadcast_in_dim3A_216 : vector<1x128xf32> to vector<400x128xf32>
    %add3A_218 = arith.addf %dot_general3A_213, %add3A_217 : vector<400x128xf32>
    %get3A_219 = arith.constant 0 : index
    %get3A_220 = vector.load %arg23[%get3A_219] : memref<128xf32, #tpu.memory_space<vmem>>, vector<128xf32>
    %get3A_221 = arith.constant 0 : index
    %get3A_222 = vector.load %arg24[%get3A_221] : memref<128xf32, #tpu.memory_space<vmem>>, vector<128xf32>
    %reduce_sum3A_223 = arith.constant dense<0.000000e+00> : vector<400xf32>
    %reduce_sum3A_224 = vector.multi_reduction <add>, %add3A_218, %reduce_sum3A_223 [1] : vector<400x128xf32> to vector<400xf32>
    %broadcast_in_dim3A_225 = vector.shape_cast %reduce_sum3A_224 : vector<400xf32> to vector<400x1xf32>
    %div3A_226 = arith.constant 1.280000e+02 : f32
    %div3A_227 = vector.broadcast %div3A_226 : f32 to vector<400x1xf32>
    %div3A_228 = arith.divf %broadcast_in_dim3A_225, %div3A_227 : vector<400x1xf32>
    %sub3A_229 = vector.broadcast %div3A_228 : vector<400x1xf32> to vector<400x128xf32>
    %sub3A_230 = arith.subf %add3A_218, %sub3A_229 : vector<400x128xf32>
    %sub3A_231 = vector.broadcast %div3A_228 : vector<400x1xf32> to vector<400x128xf32>
    %sub3A_232 = arith.subf %add3A_218, %sub3A_231 : vector<400x128xf32>
    %mul3A_233 = arith.mulf %sub3A_230, %sub3A_232 : vector<400x128xf32>
    %reduce_sum3A_234 = arith.constant dense<0.000000e+00> : vector<400xf32>
    %reduce_sum3A_235 = vector.multi_reduction <add>, %mul3A_233, %reduce_sum3A_234 [1] : vector<400x128xf32> to vector<400xf32>
    %broadcast_in_dim3A_236 = vector.shape_cast %reduce_sum3A_235 : vector<400xf32> to vector<400x1xf32>
    %div3A_237 = arith.constant 1.280000e+02 : f32
    %div3A_238 = vector.broadcast %div3A_237 : f32 to vector<400x1xf32>
    %div3A_239 = arith.divf %broadcast_in_dim3A_236, %div3A_238 : vector<400x1xf32>
    %sub3A_240 = vector.broadcast %div3A_228 : vector<400x1xf32> to vector<400x128xf32>
    %sub3A_241 = arith.subf %add3A_218, %sub3A_240 : vector<400x128xf32>
    %add3A_242 = arith.constant 9.99999974E-6 : f32
    %add3A_243 = vector.broadcast %add3A_242 : f32 to vector<400x1xf32>
    %add3A_244 = arith.addf %div3A_239, %add3A_243 : vector<400x1xf32>
    %rsqrt3A_245 = math.rsqrt %add3A_244 : vector<400x1xf32>
    %mul3A_246 = vector.broadcast %rsqrt3A_245 : vector<400x1xf32> to vector<400x128xf32>
    %mul3A_247 = arith.mulf %sub3A_241, %mul3A_246 : vector<400x128xf32>
    %broadcast_in_dim3A_248 = vector.shape_cast %get3A_220 : vector<128xf32> to vector<1x128xf32>
    %mul3A_249 = vector.broadcast %broadcast_in_dim3A_248 : vector<1x128xf32> to vector<400x128xf32>
    %mul3A_250 = arith.mulf %mul3A_247, %mul3A_249 : vector<400x128xf32>
    %broadcast_in_dim3A_251 = vector.shape_cast %get3A_222 : vector<128xf32> to vector<1x128xf32>
    %add3A_252 = vector.broadcast %broadcast_in_dim3A_251 : vector<1x128xf32> to vector<400x128xf32>
    %add3A_253 = arith.addf %mul3A_250, %add3A_252 : vector<400x128xf32>
    %ge3A_254 = arith.constant 0.000000e+00 : f32
    %ge3A_255 = vector.broadcast %ge3A_254 : f32 to vector<400x128xf32>
    %ge3A_256 = arith.cmpf oge, %add3A_253, %ge3A_255 : vector<400x128xf32>
    %mul3A_257 = arith.constant 0.00999999977 : f32
    %mul3A_258 = vector.broadcast %mul3A_257 : f32 to vector<400x128xf32>
    %mul3A_259 = arith.mulf %mul3A_258, %add3A_253 : vector<400x128xf32>
    %select_n3A_260 = arith.select %ge3A_256, %add3A_253, %mul3A_259 : vector<400x128xi1>, vector<400x128xf32>
    %swap3A = arith.constant 0 : index
    %swap3A_261 = arith.constant 0 : index
    %swap3A_262 = vector.load %arg25[%swap3A, %swap3A_261] : memref<400x128xf32, #tpu.memory_space<vmem>>, vector<400x128xf32>
    tpu.vector_store %arg25[%swap3A, %swap3A_261], %select_n3A_260 {strides = array<i32>} : memref<400x128xf32, #tpu.memory_space<vmem>>, vector<400x128xf32>,
    return
  }
  func.func @transform_0(%arg0: i32) -> (i32, i32) {
    %c0_i32 = arith.constant 0 : i32
    %c0_i32_0 = arith.constant 0 : i32
    return %arg0, %c0_i32 : i32, i32
  }
  func.func @transform_1(%arg0: i32) -> (i32, i32) {
    %c0_i32 = arith.constant 0 : i32
    %c0_i32_0 = arith.constant 0 : i32
    return %arg0, %c0_i32 : i32, i32
  }
  func.func @transform_2(%arg0: i32) -> (i32, i32) {
    %c0_i32 = arith.constant 0 : i32
    %c0_i32_0 = arith.constant 0 : i32
    return %arg0, %c0_i32 : i32, i32
  }
  func.func @transform_3(%arg0: i32) -> (i32, i32) {
    %c0_i32 = arith.constant 0 : i32
    %c0_i32_0 = arith.constant 0 : i32
    return %arg0, %c0_i32 : i32, i32
  }
  func.func @transform_4(%arg0: i32) -> (i32, i32) {
    %c0_i32 = arith.constant 0 : i32
    %c0_i32_0 = arith.constant 0 : i32
    %c0_i32_1 = arith.constant 0 : i32
    return %c0_i32, %c0_i32_0 : i32, i32
  }
  func.func @transform_5(%arg0: i32) -> i32 {
    %c0_i32 = arith.constant 0 : i32
    %c0_i32_0 = arith.constant 0 : i32
    return %c0_i32 : i32
  }
  func.func @transform_6(%arg0: i32) -> i32 {
    %c0_i32 = arith.constant 0 : i32
    %c0_i32_0 = arith.constant 0 : i32
    return %c0_i32 : i32
  }
  func.func @transform_7(%arg0: i32) -> i32 {
    %c0_i32 = arith.constant 0 : i32
    %c0_i32_0 = arith.constant 0 : i32
    return %c0_i32 : i32
  }
  func.func @transform_8(%arg0: i32) -> (i32, i32) {
    %c0_i32 = arith.constant 0 : i32
    %c0_i32_0 = arith.constant 0 : i32
    %c0_i32_1 = arith.constant 0 : i32
    return %c0_i32, %c0_i32_0 : i32, i32
  }
  func.func @transform_9(%arg0: i32) -> i32 {
    %c0_i32 = arith.constant 0 : i32
    %c0_i32_0 = arith.constant 0 : i32
    return %c0_i32 : i32
  }
  func.func @transform_10(%arg0: i32) -> i32 {
    %c0_i32 = arith.constant 0 : i32
    %c0_i32_0 = arith.constant 0 : i32
    return %c0_i32 : i32
  }
  func.func @transform_11(%arg0: i32) -> i32 {
    %c0_i32 = arith.constant 0 : i32
    %c0_i32_0 = arith.constant 0 : i32
    return %c0_i32 : i32
  }
  func.func @transform_12(%arg0: i32) -> (i32, i32) {
    %c0_i32 = arith.constant 0 : i32
    %c0_i32_0 = arith.constant 0 : i32
    %c0_i32_1 = arith.constant 0 : i32
    return %c0_i32, %c0_i32_0 : i32, i32
  }
  func.func @transform_13(%arg0: i32) -> i32 {
    %c0_i32 = arith.constant 0 : i32
    %c0_i32_0 = arith.constant 0 : i32
    return %c0_i32 : i32
  }
  func.func @transform_14(%arg0: i32) -> i32 {
    %c0_i32 = arith.constant 0 : i32
    %c0_i32_0 = arith.constant 0 : i32
    return %c0_i32 : i32
  }
  func.func @transform_15(%arg0: i32) -> i32 {
    %c0_i32 = arith.constant 0 : i32
    %c0_i32_0 = arith.constant 0 : i32
    return %c0_i32 : i32
  }
  func.func @transform_16(%arg0: i32) -> (i32, i32) {
    %c0_i32 = arith.constant 0 : i32
    %c0_i32_0 = arith.constant 0 : i32
    %c0_i32_1 = arith.constant 0 : i32
    return %c0_i32, %c0_i32_0 : i32, i32
  }
  func.func @transform_17(%arg0: i32) -> i32 {
    %c0_i32 = arith.constant 0 : i32
    %c0_i32_0 = arith.constant 0 : i32
    return %c0_i32 : i32
  }
  func.func @transform_18(%arg0: i32) -> i32 {
    %c0_i32 = arith.constant 0 : i32
    %c0_i32_0 = arith.constant 0 : i32
    return %c0_i32 : i32
  }
  func.func @transform_19(%arg0: i32) -> i32 {
    %c0_i32 = arith.constant 0 : i32
    %c0_i32_0 = arith.constant 0 : i32
    return %c0_i32 : i32
  }
  func.func @transform_20(%arg0: i32) -> (i32, i32) {
    %c0_i32 = arith.constant 0 : i32
    %c0_i32_0 = arith.constant 0 : i32
    %c0_i32_1 = arith.constant 0 : i32
    return %c0_i32, %c0_i32_0 : i32, i32
  }
  func.func @transform_21(%arg0: i32) -> i32 {
    %c0_i32 = arith.constant 0 : i32
    %c0_i32_0 = arith.constant 0 : i32
    return %c0_i32 : i32
  }
  func.func @transform_22(%arg0: i32) -> i32 {
    %c0_i32 = arith.constant 0 : i32
    %c0_i32_0 = arith.constant 0 : i32
    return %c0_i32 : i32
  }
  func.func @transform_23(%arg0: i32) -> i32 {
    %c0_i32 = arith.constant 0 : i32
    %c0_i32_0 = arith.constant 0 : i32
    return %c0_i32 : i32
  }
  func.func @transform_24(%arg0: i32) -> (i32, i32) {
    %c0_i32 = arith.constant 0 : i32
    %c0_i32_0 = arith.constant 0 : i32
    return %arg0, %c0_i32 : i32, i32
  }
}

module attributes {stable_mosaic.version = 14 : i64} {
  func.func @_head_body(%arg0: memref<1024x128xf32, #tpu.memory_space<vmem>>, %arg1: memref<1024x128xf32, #tpu.memory_space<vmem>>, %arg2: memref<1024x128xf32, #tpu.memory_space<vmem>>, %arg3: memref<1024x1xf32, #tpu.memory_space<vmem>>, %arg4: memref<1024x1xf32, #tpu.memory_space<vmem>>, %arg5: memref<2x2xf32, #tpu.memory_space<vmem>>, %arg6: memref<128x128xf32, #tpu.memory_space<vmem>>, %arg7: memref<128x128xf32, #tpu.memory_space<vmem>>, %arg8: memref<128x128xf32, #tpu.memory_space<vmem>>, %arg9: memref<128xf32, #tpu.memory_space<vmem>>, %arg10: memref<128x128xf32, #tpu.memory_space<vmem>>, %arg11: memref<128xf32, #tpu.memory_space<vmem>>, %arg12: memref<128xf32, #tpu.memory_space<vmem>>, %arg13: memref<128xf32, #tpu.memory_space<vmem>>, %arg14: memref<128x128xf32, #tpu.memory_space<vmem>>, %arg15: memref<128xf32, #tpu.memory_space<vmem>>, %arg16: memref<128xf32, #tpu.memory_space<vmem>>, %arg17: memref<128xf32, #tpu.memory_space<vmem>>, %arg18: memref<128x64xf32, #tpu.memory_space<vmem>>, %arg19: memref<64xf32, #tpu.memory_space<vmem>>, %arg20: memref<64xf32, #tpu.memory_space<vmem>>, %arg21: memref<64xf32, #tpu.memory_space<vmem>>, %arg22: memref<64x64xf32, #tpu.memory_space<vmem>>, %arg23: memref<64xf32, #tpu.memory_space<vmem>>, %arg24: memref<64x32xf32, #tpu.memory_space<vmem>>, %arg25: memref<32xf32, #tpu.memory_space<vmem>>, %arg26: memref<32xf32, #tpu.memory_space<vmem>>, %arg27: memref<32xf32, #tpu.memory_space<vmem>>, %arg28: memref<32x1xf32, #tpu.memory_space<vmem>>, %arg29: memref<1xf32, #tpu.memory_space<vmem>>, %arg30: memref<1024x64xf32, #tpu.memory_space<vmem>>, %arg31: memref<1024x1xf32, #tpu.memory_space<vmem>>) attributes {dimension_semantics = [], scalar_prefetch = 0 : i64, scratch_operands = 0 : i64, tpu.core_type = #tpu.core_type<tc>} {
    %get3A = arith.constant 0 : index
    %get3A_0 = arith.constant 0 : index
    %get3A_1 = vector.load %arg5[%get3A, %get3A_0] : memref<2x2xf32, #tpu.memory_space<vmem>>, vector<1x1xf32>
    %get3A_2 = arith.constant 0 : index
    %get3A_3 = arith.constant 0 : index
    %get3A_4 = vector.load %arg6[%get3A_2, %get3A_3] : memref<128x128xf32, #tpu.memory_space<vmem>>, vector<128x128xf32>
    %mul3A = vector.broadcast %get3A_1 : vector<1x1xf32> to vector<128x128xf32>
    %mul3A_5 = arith.mulf %mul3A, %get3A_4 : vector<128x128xf32>
    %get3A_6 = arith.constant 0 : index
    %get3A_7 = arith.constant 1 : index
    %get3A_8 = vector.load %arg5[%get3A_6, %get3A_7] : memref<2x2xf32, #tpu.memory_space<vmem>>, vector<1x1xf32>
    %get3A_9 = arith.constant 0 : index
    %get3A_10 = arith.constant 0 : index
    %get3A_11 = vector.load %arg7[%get3A_9, %get3A_10] : memref<128x128xf32, #tpu.memory_space<vmem>>, vector<128x128xf32>
    %mul3A_12 = vector.broadcast %get3A_8 : vector<1x1xf32> to vector<128x128xf32>
    %mul3A_13 = arith.mulf %mul3A_12, %get3A_11 : vector<128x128xf32>
    %add3A = arith.addf %mul3A_5, %mul3A_13 : vector<128x128xf32>
    %get3A_14 = arith.constant 1 : index
    %get3A_15 = arith.constant 0 : index
    %get3A_16 = vector.load %arg5[%get3A_14, %get3A_15] : memref<2x2xf32, #tpu.memory_space<vmem>>, vector<1x1xf32>
    %get3A_17 = arith.constant 0 : index
    %get3A_18 = arith.constant 0 : index
    %get3A_19 = vector.load %arg6[%get3A_17, %get3A_18] : memref<128x128xf32, #tpu.memory_space<vmem>>, vector<128x128xf32>
    %mul3A_20 = vector.broadcast %get3A_16 : vector<1x1xf32> to vector<128x128xf32>
    %mul3A_21 = arith.mulf %mul3A_20, %get3A_19 : vector<128x128xf32>
    %get3A_22 = arith.constant 1 : index
    %get3A_23 = arith.constant 1 : index
    %get3A_24 = vector.load %arg5[%get3A_22, %get3A_23] : memref<2x2xf32, #tpu.memory_space<vmem>>, vector<1x1xf32>
    %get3A_25 = arith.constant 0 : index
    %get3A_26 = arith.constant 0 : index
    %get3A_27 = vector.load %arg7[%get3A_25, %get3A_26] : memref<128x128xf32, #tpu.memory_space<vmem>>, vector<128x128xf32>
    %mul3A_28 = vector.broadcast %get3A_24 : vector<1x1xf32> to vector<128x128xf32>
    %mul3A_29 = arith.mulf %mul3A_28, %get3A_27 : vector<128x128xf32>
    %add3A_30 = arith.addf %mul3A_21, %mul3A_29 : vector<128x128xf32>
    %get3A_31 = arith.constant 0 : index
    %get3A_32 = arith.constant 0 : index
    %get3A_33 = vector.load %arg1[%get3A_31, %get3A_32] : memref<1024x128xf32, #tpu.memory_space<vmem>>, vector<1024x128xf32>
    %get3A_34 = arith.constant 0 : index
    %get3A_35 = arith.constant 0 : index
    %get3A_36 = vector.load %arg3[%get3A_34, %get3A_35] : memref<1024x1xf32, #tpu.memory_space<vmem>>, vector<1024x1xf32>
    %max3A = arith.constant 1.000000e+00 : f32
    %max3A_37 = vector.broadcast %max3A : f32 to vector<1024x1xf32>
    %max3A_38 = arith.maximumf %get3A_36, %max3A_37 : vector<1024x1xf32>
    %div3A = vector.broadcast %max3A_38 : vector<1024x1xf32> to vector<1024x128xf32>
    %div3A_39 = arith.divf %get3A_33, %div3A : vector<1024x128xf32>
    %get3A_40 = arith.constant 0 : index
    %get3A_41 = arith.constant 0 : index
    %get3A_42 = vector.load %arg2[%get3A_40, %get3A_41] : memref<1024x128xf32, #tpu.memory_space<vmem>>, vector<1024x128xf32>
    %get3A_43 = arith.constant 0 : index
    %get3A_44 = arith.constant 0 : index
    %get3A_45 = vector.load %arg4[%get3A_43, %get3A_44] : memref<1024x1xf32, #tpu.memory_space<vmem>>, vector<1024x1xf32>
    %max3A_46 = arith.constant 1.000000e+00 : f32
    %max3A_47 = vector.broadcast %max3A_46 : f32 to vector<1024x1xf32>
    %max3A_48 = arith.maximumf %get3A_45, %max3A_47 : vector<1024x1xf32>
    %div3A_49 = vector.broadcast %max3A_48 : vector<1024x1xf32> to vector<1024x128xf32>
    %div3A_50 = arith.divf %get3A_42, %div3A_49 : vector<1024x128xf32>
    %get3A_51 = arith.constant 0 : index
    %get3A_52 = arith.constant 0 : index
    %get3A_53 = vector.load %arg0[%get3A_51, %get3A_52] : memref<1024x128xf32, #tpu.memory_space<vmem>>, vector<1024x128xf32>
    %get3A_54 = arith.constant 0 : index
    %get3A_55 = arith.constant 0 : index
    %get3A_56 = vector.load %arg8[%get3A_54, %get3A_55] : memref<128x128xf32, #tpu.memory_space<vmem>>, vector<128x128xf32>
    %dot_general3A = arith.constant dense<0.000000e+00> : vector<1024x128xf32>
    %dot_general3A_57 = tpu.matmul %get3A_53, %get3A_56, %dot_general3A {dimension_numbers = #tpu.dot_dimension_numbers<[1], [0], [0], [1], [0, 0, 1, 1], [], []>, transpose_lhs_hint = false} : vector<1024x128xf32>, vector<128x128xf32>, vector<1024x128xf32> -> vector<1024x128xf32>
    %get3A_58 = arith.constant 0 : index
    %get3A_59 = vector.load %arg9[%get3A_58] : memref<128xf32, #tpu.memory_space<vmem>>, vector<128xf32>
    %broadcast_in_dim3A = vector.shape_cast %get3A_59 : vector<128xf32> to vector<1x128xf32>
    %add3A_60 = vector.broadcast %broadcast_in_dim3A : vector<1x128xf32> to vector<1024x128xf32>
    %add3A_61 = arith.addf %dot_general3A_57, %add3A_60 : vector<1024x128xf32>
    %dot_general3A_62 = arith.constant dense<0.000000e+00> : vector<1024x128xf32>
    %dot_general3A_63 = tpu.matmul %div3A_39, %add3A, %dot_general3A_62 {dimension_numbers = #tpu.dot_dimension_numbers<[1], [0], [0], [1], [0, 0, 1, 1], [], []>, transpose_lhs_hint = false} : vector<1024x128xf32>, vector<128x128xf32>, vector<1024x128xf32> -> vector<1024x128xf32>
    %add3A_64 = arith.addf %add3A_61, %dot_general3A_63 : vector<1024x128xf32>
    %dot_general3A_65 = arith.constant dense<0.000000e+00> : vector<1024x128xf32>
    %dot_general3A_66 = tpu.matmul %div3A_50, %add3A_30, %dot_general3A_65 {dimension_numbers = #tpu.dot_dimension_numbers<[1], [0], [0], [1], [0, 0, 1, 1], [], []>, transpose_lhs_hint = false} : vector<1024x128xf32>, vector<128x128xf32>, vector<1024x128xf32> -> vector<1024x128xf32>
    %add3A_67 = arith.addf %add3A_64, %dot_general3A_66 : vector<1024x128xf32>
    %get3A_68 = arith.constant 0 : index
    %get3A_69 = arith.constant 0 : index
    %get3A_70 = vector.load %arg10[%get3A_68, %get3A_69] : memref<128x128xf32, #tpu.memory_space<vmem>>, vector<128x128xf32>
    %dot_general3A_71 = arith.constant dense<0.000000e+00> : vector<1024x128xf32>
    %dot_general3A_72 = tpu.matmul %add3A_67, %get3A_70, %dot_general3A_71 {dimension_numbers = #tpu.dot_dimension_numbers<[1], [0], [0], [1], [0, 0, 1, 1], [], []>, transpose_lhs_hint = false} : vector<1024x128xf32>, vector<128x128xf32>, vector<1024x128xf32> -> vector<1024x128xf32>
    %get3A_73 = arith.constant 0 : index
    %get3A_74 = vector.load %arg11[%get3A_73] : memref<128xf32, #tpu.memory_space<vmem>>, vector<128xf32>
    %broadcast_in_dim3A_75 = vector.shape_cast %get3A_74 : vector<128xf32> to vector<1x128xf32>
    %add3A_76 = vector.broadcast %broadcast_in_dim3A_75 : vector<1x128xf32> to vector<1024x128xf32>
    %add3A_77 = arith.addf %dot_general3A_72, %add3A_76 : vector<1024x128xf32>
    %get3A_78 = arith.constant 0 : index
    %get3A_79 = vector.load %arg12[%get3A_78] : memref<128xf32, #tpu.memory_space<vmem>>, vector<128xf32>
    %get3A_80 = arith.constant 0 : index
    %get3A_81 = vector.load %arg13[%get3A_80] : memref<128xf32, #tpu.memory_space<vmem>>, vector<128xf32>
    %reduce_sum3A = arith.constant dense<0.000000e+00> : vector<1024xf32>
    %reduce_sum3A_82 = vector.multi_reduction <add>, %add3A_77, %reduce_sum3A [1] : vector<1024x128xf32> to vector<1024xf32>
    %broadcast_in_dim3A_83 = vector.shape_cast %reduce_sum3A_82 : vector<1024xf32> to vector<1024x1xf32>
    %div3A_84 = arith.constant 1.280000e+02 : f32
    %div3A_85 = vector.broadcast %div3A_84 : f32 to vector<1024x1xf32>
    %div3A_86 = arith.divf %broadcast_in_dim3A_83, %div3A_85 : vector<1024x1xf32>
    %sub3A = vector.broadcast %div3A_86 : vector<1024x1xf32> to vector<1024x128xf32>
    %sub3A_87 = arith.subf %add3A_77, %sub3A : vector<1024x128xf32>
    %sub3A_88 = vector.broadcast %div3A_86 : vector<1024x1xf32> to vector<1024x128xf32>
    %sub3A_89 = arith.subf %add3A_77, %sub3A_88 : vector<1024x128xf32>
    %mul3A_90 = arith.mulf %sub3A_87, %sub3A_89 : vector<1024x128xf32>
    %reduce_sum3A_91 = arith.constant dense<0.000000e+00> : vector<1024xf32>
    %reduce_sum3A_92 = vector.multi_reduction <add>, %mul3A_90, %reduce_sum3A_91 [1] : vector<1024x128xf32> to vector<1024xf32>
    %broadcast_in_dim3A_93 = vector.shape_cast %reduce_sum3A_92 : vector<1024xf32> to vector<1024x1xf32>
    %div3A_94 = arith.constant 1.280000e+02 : f32
    %div3A_95 = vector.broadcast %div3A_94 : f32 to vector<1024x1xf32>
    %div3A_96 = arith.divf %broadcast_in_dim3A_93, %div3A_95 : vector<1024x1xf32>
    %sub3A_97 = vector.broadcast %div3A_86 : vector<1024x1xf32> to vector<1024x128xf32>
    %sub3A_98 = arith.subf %add3A_77, %sub3A_97 : vector<1024x128xf32>
    %add3A_99 = arith.constant 9.99999974E-6 : f32
    %add3A_100 = vector.broadcast %add3A_99 : f32 to vector<1024x1xf32>
    %add3A_101 = arith.addf %div3A_96, %add3A_100 : vector<1024x1xf32>
    %rsqrt3A = math.rsqrt %add3A_101 : vector<1024x1xf32>
    %mul3A_102 = vector.broadcast %rsqrt3A : vector<1024x1xf32> to vector<1024x128xf32>
    %mul3A_103 = arith.mulf %sub3A_98, %mul3A_102 : vector<1024x128xf32>
    %broadcast_in_dim3A_104 = vector.shape_cast %get3A_79 : vector<128xf32> to vector<1x128xf32>
    %mul3A_105 = vector.broadcast %broadcast_in_dim3A_104 : vector<1x128xf32> to vector<1024x128xf32>
    %mul3A_106 = arith.mulf %mul3A_103, %mul3A_105 : vector<1024x128xf32>
    %broadcast_in_dim3A_107 = vector.shape_cast %get3A_81 : vector<128xf32> to vector<1x128xf32>
    %add3A_108 = vector.broadcast %broadcast_in_dim3A_107 : vector<1x128xf32> to vector<1024x128xf32>
    %add3A_109 = arith.addf %mul3A_106, %add3A_108 : vector<1024x128xf32>
    %ge3A = arith.constant 0.000000e+00 : f32
    %ge3A_110 = vector.broadcast %ge3A : f32 to vector<1024x128xf32>
    %ge3A_111 = arith.cmpf oge, %add3A_109, %ge3A_110 : vector<1024x128xf32>
    %mul3A_112 = arith.constant 0.00999999977 : f32
    %mul3A_113 = vector.broadcast %mul3A_112 : f32 to vector<1024x128xf32>
    %mul3A_114 = arith.mulf %mul3A_113, %add3A_109 : vector<1024x128xf32>
    %select_n3A = arith.select %ge3A_111, %add3A_109, %mul3A_114 : vector<1024x128xi1>, vector<1024x128xf32>
    %get3A_115 = arith.constant 0 : index
    %get3A_116 = arith.constant 0 : index
    %get3A_117 = vector.load %arg14[%get3A_115, %get3A_116] : memref<128x128xf32, #tpu.memory_space<vmem>>, vector<128x128xf32>
    %dot_general3A_118 = arith.constant dense<0.000000e+00> : vector<1024x128xf32>
    %dot_general3A_119 = tpu.matmul %select_n3A, %get3A_117, %dot_general3A_118 {dimension_numbers = #tpu.dot_dimension_numbers<[1], [0], [0], [1], [0, 0, 1, 1], [], []>, transpose_lhs_hint = false} : vector<1024x128xf32>, vector<128x128xf32>, vector<1024x128xf32> -> vector<1024x128xf32>
    %get3A_120 = arith.constant 0 : index
    %get3A_121 = vector.load %arg15[%get3A_120] : memref<128xf32, #tpu.memory_space<vmem>>, vector<128xf32>
    %broadcast_in_dim3A_122 = vector.shape_cast %get3A_121 : vector<128xf32> to vector<1x128xf32>
    %add3A_123 = vector.broadcast %broadcast_in_dim3A_122 : vector<1x128xf32> to vector<1024x128xf32>
    %add3A_124 = arith.addf %dot_general3A_119, %add3A_123 : vector<1024x128xf32>
    %get3A_125 = arith.constant 0 : index
    %get3A_126 = vector.load %arg16[%get3A_125] : memref<128xf32, #tpu.memory_space<vmem>>, vector<128xf32>
    %get3A_127 = arith.constant 0 : index
    %get3A_128 = vector.load %arg17[%get3A_127] : memref<128xf32, #tpu.memory_space<vmem>>, vector<128xf32>
    %reduce_sum3A_129 = arith.constant dense<0.000000e+00> : vector<1024xf32>
    %reduce_sum3A_130 = vector.multi_reduction <add>, %add3A_124, %reduce_sum3A_129 [1] : vector<1024x128xf32> to vector<1024xf32>
    %broadcast_in_dim3A_131 = vector.shape_cast %reduce_sum3A_130 : vector<1024xf32> to vector<1024x1xf32>
    %div3A_132 = arith.constant 1.280000e+02 : f32
    %div3A_133 = vector.broadcast %div3A_132 : f32 to vector<1024x1xf32>
    %div3A_134 = arith.divf %broadcast_in_dim3A_131, %div3A_133 : vector<1024x1xf32>
    %sub3A_135 = vector.broadcast %div3A_134 : vector<1024x1xf32> to vector<1024x128xf32>
    %sub3A_136 = arith.subf %add3A_124, %sub3A_135 : vector<1024x128xf32>
    %sub3A_137 = vector.broadcast %div3A_134 : vector<1024x1xf32> to vector<1024x128xf32>
    %sub3A_138 = arith.subf %add3A_124, %sub3A_137 : vector<1024x128xf32>
    %mul3A_139 = arith.mulf %sub3A_136, %sub3A_138 : vector<1024x128xf32>
    %reduce_sum3A_140 = arith.constant dense<0.000000e+00> : vector<1024xf32>
    %reduce_sum3A_141 = vector.multi_reduction <add>, %mul3A_139, %reduce_sum3A_140 [1] : vector<1024x128xf32> to vector<1024xf32>
    %broadcast_in_dim3A_142 = vector.shape_cast %reduce_sum3A_141 : vector<1024xf32> to vector<1024x1xf32>
    %div3A_143 = arith.constant 1.280000e+02 : f32
    %div3A_144 = vector.broadcast %div3A_143 : f32 to vector<1024x1xf32>
    %div3A_145 = arith.divf %broadcast_in_dim3A_142, %div3A_144 : vector<1024x1xf32>
    %sub3A_146 = vector.broadcast %div3A_134 : vector<1024x1xf32> to vector<1024x128xf32>
    %sub3A_147 = arith.subf %add3A_124, %sub3A_146 : vector<1024x128xf32>
    %add3A_148 = arith.constant 9.99999974E-6 : f32
    %add3A_149 = vector.broadcast %add3A_148 : f32 to vector<1024x1xf32>
    %add3A_150 = arith.addf %div3A_145, %add3A_149 : vector<1024x1xf32>
    %rsqrt3A_151 = math.rsqrt %add3A_150 : vector<1024x1xf32>
    %mul3A_152 = vector.broadcast %rsqrt3A_151 : vector<1024x1xf32> to vector<1024x128xf32>
    %mul3A_153 = arith.mulf %sub3A_147, %mul3A_152 : vector<1024x128xf32>
    %broadcast_in_dim3A_154 = vector.shape_cast %get3A_126 : vector<128xf32> to vector<1x128xf32>
    %mul3A_155 = vector.broadcast %broadcast_in_dim3A_154 : vector<1x128xf32> to vector<1024x128xf32>
    %mul3A_156 = arith.mulf %mul3A_153, %mul3A_155 : vector<1024x128xf32>
    %broadcast_in_dim3A_157 = vector.shape_cast %get3A_128 : vector<128xf32> to vector<1x128xf32>
    %add3A_158 = vector.broadcast %broadcast_in_dim3A_157 : vector<1x128xf32> to vector<1024x128xf32>
    %add3A_159 = arith.addf %mul3A_156, %add3A_158 : vector<1024x128xf32>
    %ge3A_160 = arith.constant 0.000000e+00 : f32
    %ge3A_161 = vector.broadcast %ge3A_160 : f32 to vector<1024x128xf32>
    %ge3A_162 = arith.cmpf oge, %add3A_159, %ge3A_161 : vector<1024x128xf32>
    %mul3A_163 = arith.constant 0.00999999977 : f32
    %mul3A_164 = vector.broadcast %mul3A_163 : f32 to vector<1024x128xf32>
    %mul3A_165 = arith.mulf %mul3A_164, %add3A_159 : vector<1024x128xf32>
    %select_n3A_166 = arith.select %ge3A_162, %add3A_159, %mul3A_165 : vector<1024x128xi1>, vector<1024x128xf32>
    %get3A_167 = arith.constant 0 : index
    %get3A_168 = arith.constant 0 : index
    %get3A_169 = vector.load %arg18[%get3A_167, %get3A_168] : memref<128x64xf32, #tpu.memory_space<vmem>>, vector<128x64xf32>
    %dot_general3A_170 = arith.constant dense<0.000000e+00> : vector<1024x64xf32>
    %dot_general3A_171 = tpu.matmul %select_n3A_166, %get3A_169, %dot_general3A_170 {dimension_numbers = #tpu.dot_dimension_numbers<[1], [0], [0], [1], [0, 0, 1, 1], [], []>, transpose_lhs_hint = false} : vector<1024x128xf32>, vector<128x64xf32>, vector<1024x64xf32> -> vector<1024x64xf32>
    %get3A_172 = arith.constant 0 : index
    %get3A_173 = vector.load %arg19[%get3A_172] : memref<64xf32, #tpu.memory_space<vmem>>, vector<64xf32>
    %broadcast_in_dim3A_174 = vector.shape_cast %get3A_173 : vector<64xf32> to vector<1x64xf32>
    %add3A_175 = vector.broadcast %broadcast_in_dim3A_174 : vector<1x64xf32> to vector<1024x64xf32>
    %add3A_176 = arith.addf %dot_general3A_171, %add3A_175 : vector<1024x64xf32>
    %get3A_177 = arith.constant 0 : index
    %get3A_178 = vector.load %arg20[%get3A_177] : memref<64xf32, #tpu.memory_space<vmem>>, vector<64xf32>
    %get3A_179 = arith.constant 0 : index
    %get3A_180 = vector.load %arg21[%get3A_179] : memref<64xf32, #tpu.memory_space<vmem>>, vector<64xf32>
    %reduce_sum3A_181 = arith.constant dense<0.000000e+00> : vector<1024xf32>
    %reduce_sum3A_182 = vector.multi_reduction <add>, %add3A_176, %reduce_sum3A_181 [1] : vector<1024x64xf32> to vector<1024xf32>
    %broadcast_in_dim3A_183 = vector.shape_cast %reduce_sum3A_182 : vector<1024xf32> to vector<1024x1xf32>
    %div3A_184 = arith.constant 6.400000e+01 : f32
    %div3A_185 = vector.broadcast %div3A_184 : f32 to vector<1024x1xf32>
    %div3A_186 = arith.divf %broadcast_in_dim3A_183, %div3A_185 : vector<1024x1xf32>
    %sub3A_187 = vector.broadcast %div3A_186 : vector<1024x1xf32> to vector<1024x64xf32>
    %sub3A_188 = arith.subf %add3A_176, %sub3A_187 : vector<1024x64xf32>
    %sub3A_189 = vector.broadcast %div3A_186 : vector<1024x1xf32> to vector<1024x64xf32>
    %sub3A_190 = arith.subf %add3A_176, %sub3A_189 : vector<1024x64xf32>
    %mul3A_191 = arith.mulf %sub3A_188, %sub3A_190 : vector<1024x64xf32>
    %reduce_sum3A_192 = arith.constant dense<0.000000e+00> : vector<1024xf32>
    %reduce_sum3A_193 = vector.multi_reduction <add>, %mul3A_191, %reduce_sum3A_192 [1] : vector<1024x64xf32> to vector<1024xf32>
    %broadcast_in_dim3A_194 = vector.shape_cast %reduce_sum3A_193 : vector<1024xf32> to vector<1024x1xf32>
    %div3A_195 = arith.constant 6.400000e+01 : f32
    %div3A_196 = vector.broadcast %div3A_195 : f32 to vector<1024x1xf32>
    %div3A_197 = arith.divf %broadcast_in_dim3A_194, %div3A_196 : vector<1024x1xf32>
    %sub3A_198 = vector.broadcast %div3A_186 : vector<1024x1xf32> to vector<1024x64xf32>
    %sub3A_199 = arith.subf %add3A_176, %sub3A_198 : vector<1024x64xf32>
    %add3A_200 = arith.constant 9.99999974E-6 : f32
    %add3A_201 = vector.broadcast %add3A_200 : f32 to vector<1024x1xf32>
    %add3A_202 = arith.addf %div3A_197, %add3A_201 : vector<1024x1xf32>
    %rsqrt3A_203 = math.rsqrt %add3A_202 : vector<1024x1xf32>
    %mul3A_204 = vector.broadcast %rsqrt3A_203 : vector<1024x1xf32> to vector<1024x64xf32>
    %mul3A_205 = arith.mulf %sub3A_199, %mul3A_204 : vector<1024x64xf32>
    %broadcast_in_dim3A_206 = vector.shape_cast %get3A_178 : vector<64xf32> to vector<1x64xf32>
    %mul3A_207 = vector.broadcast %broadcast_in_dim3A_206 : vector<1x64xf32> to vector<1024x64xf32>
    %mul3A_208 = arith.mulf %mul3A_205, %mul3A_207 : vector<1024x64xf32>
    %broadcast_in_dim3A_209 = vector.shape_cast %get3A_180 : vector<64xf32> to vector<1x64xf32>
    %add3A_210 = vector.broadcast %broadcast_in_dim3A_209 : vector<1x64xf32> to vector<1024x64xf32>
    %add3A_211 = arith.addf %mul3A_208, %add3A_210 : vector<1024x64xf32>
    %ge3A_212 = arith.constant 0.000000e+00 : f32
    %ge3A_213 = vector.broadcast %ge3A_212 : f32 to vector<1024x64xf32>
    %ge3A_214 = arith.cmpf oge, %add3A_211, %ge3A_213 : vector<1024x64xf32>
    %mul3A_215 = arith.constant 0.00999999977 : f32
    %mul3A_216 = vector.broadcast %mul3A_215 : f32 to vector<1024x64xf32>
    %mul3A_217 = arith.mulf %mul3A_216, %add3A_211 : vector<1024x64xf32>
    %select_n3A_218 = arith.select %ge3A_214, %add3A_211, %mul3A_217 : vector<1024x64xi1>, vector<1024x64xf32>
    %get3A_219 = arith.constant 0 : index
    %get3A_220 = arith.constant 0 : index
    %get3A_221 = vector.load %arg22[%get3A_219, %get3A_220] : memref<64x64xf32, #tpu.memory_space<vmem>>, vector<64x64xf32>
    %dot_general3A_222 = arith.constant dense<0.000000e+00> : vector<1024x64xf32>
    %dot_general3A_223 = tpu.matmul %select_n3A_218, %get3A_221, %dot_general3A_222 {dimension_numbers = #tpu.dot_dimension_numbers<[1], [0], [0], [1], [0, 0, 1, 1], [], []>, transpose_lhs_hint = false} : vector<1024x64xf32>, vector<64x64xf32>, vector<1024x64xf32> -> vector<1024x64xf32>
    %get3A_224 = arith.constant 0 : index
    %get3A_225 = vector.load %arg23[%get3A_224] : memref<64xf32, #tpu.memory_space<vmem>>, vector<64xf32>
    %broadcast_in_dim3A_226 = vector.shape_cast %get3A_225 : vector<64xf32> to vector<1x64xf32>
    %add3A_227 = vector.broadcast %broadcast_in_dim3A_226 : vector<1x64xf32> to vector<1024x64xf32>
    %add3A_228 = arith.addf %dot_general3A_223, %add3A_227 : vector<1024x64xf32>
    %get3A_229 = arith.constant 0 : index
    %get3A_230 = arith.constant 0 : index
    %get3A_231 = vector.load %arg24[%get3A_229, %get3A_230] : memref<64x32xf32, #tpu.memory_space<vmem>>, vector<64x32xf32>
    %dot_general3A_232 = arith.constant dense<0.000000e+00> : vector<1024x32xf32>
    %dot_general3A_233 = tpu.matmul %add3A_228, %get3A_231, %dot_general3A_232 {dimension_numbers = #tpu.dot_dimension_numbers<[1], [0], [0], [1], [0, 0, 1, 1], [], []>, transpose_lhs_hint = false} : vector<1024x64xf32>, vector<64x32xf32>, vector<1024x32xf32> -> vector<1024x32xf32>
    %get3A_234 = arith.constant 0 : index
    %get3A_235 = vector.load %arg25[%get3A_234] : memref<32xf32, #tpu.memory_space<vmem>>, vector<32xf32>
    %broadcast_in_dim3A_236 = vector.shape_cast %get3A_235 : vector<32xf32> to vector<1x32xf32>
    %add3A_237 = vector.broadcast %broadcast_in_dim3A_236 : vector<1x32xf32> to vector<1024x32xf32>
    %add3A_238 = arith.addf %dot_general3A_233, %add3A_237 : vector<1024x32xf32>
    %get3A_239 = arith.constant 0 : index
    %get3A_240 = vector.load %arg26[%get3A_239] : memref<32xf32, #tpu.memory_space<vmem>>, vector<32xf32>
    %get3A_241 = arith.constant 0 : index
    %get3A_242 = vector.load %arg27[%get3A_241] : memref<32xf32, #tpu.memory_space<vmem>>, vector<32xf32>
    %reduce_sum3A_243 = arith.constant dense<0.000000e+00> : vector<1024xf32>
    %reduce_sum3A_244 = vector.multi_reduction <add>, %add3A_238, %reduce_sum3A_243 [1] : vector<1024x32xf32> to vector<1024xf32>
    %broadcast_in_dim3A_245 = vector.shape_cast %reduce_sum3A_244 : vector<1024xf32> to vector<1024x1xf32>
    %div3A_246 = arith.constant 3.200000e+01 : f32
    %div3A_247 = vector.broadcast %div3A_246 : f32 to vector<1024x1xf32>
    %div3A_248 = arith.divf %broadcast_in_dim3A_245, %div3A_247 : vector<1024x1xf32>
    %sub3A_249 = vector.broadcast %div3A_248 : vector<1024x1xf32> to vector<1024x32xf32>
    %sub3A_250 = arith.subf %add3A_238, %sub3A_249 : vector<1024x32xf32>
    %sub3A_251 = vector.broadcast %div3A_248 : vector<1024x1xf32> to vector<1024x32xf32>
    %sub3A_252 = arith.subf %add3A_238, %sub3A_251 : vector<1024x32xf32>
    %mul3A_253 = arith.mulf %sub3A_250, %sub3A_252 : vector<1024x32xf32>
    %reduce_sum3A_254 = arith.constant dense<0.000000e+00> : vector<1024xf32>
    %reduce_sum3A_255 = vector.multi_reduction <add>, %mul3A_253, %reduce_sum3A_254 [1] : vector<1024x32xf32> to vector<1024xf32>
    %broadcast_in_dim3A_256 = vector.shape_cast %reduce_sum3A_255 : vector<1024xf32> to vector<1024x1xf32>
    %div3A_257 = arith.constant 3.200000e+01 : f32
    %div3A_258 = vector.broadcast %div3A_257 : f32 to vector<1024x1xf32>
    %div3A_259 = arith.divf %broadcast_in_dim3A_256, %div3A_258 : vector<1024x1xf32>
    %sub3A_260 = vector.broadcast %div3A_248 : vector<1024x1xf32> to vector<1024x32xf32>
    %sub3A_261 = arith.subf %add3A_238, %sub3A_260 : vector<1024x32xf32>
    %add3A_262 = arith.constant 9.99999974E-6 : f32
    %add3A_263 = vector.broadcast %add3A_262 : f32 to vector<1024x1xf32>
    %add3A_264 = arith.addf %div3A_259, %add3A_263 : vector<1024x1xf32>
    %rsqrt3A_265 = math.rsqrt %add3A_264 : vector<1024x1xf32>
    %mul3A_266 = vector.broadcast %rsqrt3A_265 : vector<1024x1xf32> to vector<1024x32xf32>
    %mul3A_267 = arith.mulf %sub3A_261, %mul3A_266 : vector<1024x32xf32>
    %broadcast_in_dim3A_268 = vector.shape_cast %get3A_240 : vector<32xf32> to vector<1x32xf32>
    %mul3A_269 = vector.broadcast %broadcast_in_dim3A_268 : vector<1x32xf32> to vector<1024x32xf32>
    %mul3A_270 = arith.mulf %mul3A_267, %mul3A_269 : vector<1024x32xf32>
    %broadcast_in_dim3A_271 = vector.shape_cast %get3A_242 : vector<32xf32> to vector<1x32xf32>
    %add3A_272 = vector.broadcast %broadcast_in_dim3A_271 : vector<1x32xf32> to vector<1024x32xf32>
    %add3A_273 = arith.addf %mul3A_270, %add3A_272 : vector<1024x32xf32>
    %ge3A_274 = arith.constant 0.000000e+00 : f32
    %ge3A_275 = vector.broadcast %ge3A_274 : f32 to vector<1024x32xf32>
    %ge3A_276 = arith.cmpf oge, %add3A_273, %ge3A_275 : vector<1024x32xf32>
    %mul3A_277 = arith.constant 0.00999999977 : f32
    %mul3A_278 = vector.broadcast %mul3A_277 : f32 to vector<1024x32xf32>
    %mul3A_279 = arith.mulf %mul3A_278, %add3A_273 : vector<1024x32xf32>
    %select_n3A_280 = arith.select %ge3A_276, %add3A_273, %mul3A_279 : vector<1024x32xi1>, vector<1024x32xf32>
    %get3A_281 = arith.constant 0 : index
    %get3A_282 = arith.constant 0 : index
    %get3A_283 = vector.load %arg28[%get3A_281, %get3A_282] : memref<32x1xf32, #tpu.memory_space<vmem>>, vector<32x1xf32>
    %dot_general3A_284 = arith.constant dense<0.000000e+00> : vector<1024x1xf32>
    %dot_general3A_285 = tpu.matmul %select_n3A_280, %get3A_283, %dot_general3A_284 {dimension_numbers = #tpu.dot_dimension_numbers<[1], [0], [0], [1], [0, 0, 1, 1], [], []>, transpose_lhs_hint = false} : vector<1024x32xf32>, vector<32x1xf32>, vector<1024x1xf32> -> vector<1024x1xf32>
    %get3A_286 = arith.constant 0 : index
    %get3A_287 = vector.load %arg29[%get3A_286] : memref<1xf32, #tpu.memory_space<vmem>>, vector<1xf32>
    %broadcast_in_dim3A_288 = vector.shape_cast %get3A_287 : vector<1xf32> to vector<1x1xf32>
    %add3A_289 = vector.broadcast %broadcast_in_dim3A_288 : vector<1x1xf32> to vector<1024x1xf32>
    %add3A_290 = arith.addf %dot_general3A_285, %add3A_289 : vector<1024x1xf32>
    %logistic3A = arith.negf %add3A_290 : vector<1024x1xf32>
    %logistic3A_291 = math.exp %logistic3A : vector<1024x1xf32>
    %logistic3A_292 = arith.constant 1.000000e+00 : f32
    %logistic3A_293 = vector.broadcast %logistic3A_292 : f32 to vector<1024x1xf32>
    %logistic3A_294 = arith.addf %logistic3A_293, %logistic3A_291 : vector<1024x1xf32>
    %logistic3A_295 = arith.divf %logistic3A_293, %logistic3A_294 : vector<1024x1xf32>
    %swap3A = arith.constant 0 : index
    %swap3A_296 = arith.constant 0 : index
    %swap3A_297 = vector.load %arg30[%swap3A, %swap3A_296] : memref<1024x64xf32, #tpu.memory_space<vmem>>, vector<1024x64xf32>
    tpu.vector_store %arg30[%swap3A, %swap3A_296], %add3A_228 {strides = array<i32>} : memref<1024x64xf32, #tpu.memory_space<vmem>>, vector<1024x64xf32>,
    %swap3A_298 = arith.constant 0 : index
    %swap3A_299 = arith.constant 0 : index
    %swap3A_300 = vector.load %arg31[%swap3A_298, %swap3A_299] : memref<1024x1xf32, #tpu.memory_space<vmem>>, vector<1024x1xf32>
    tpu.vector_store %arg31[%swap3A_298, %swap3A_299], %logistic3A_295 {strides = array<i32>} : memref<1024x1xf32, #tpu.memory_space<vmem>>, vector<1024x1xf32>,
    return
  }
}

</mosaic_0001>

<sc_bundles>
// kernel: kernel.5.cloned.1.call-start
scs
__scs_entry_jumppad:
0x0: {  	(pc) =	sbr.rel $0x88, $3  }
0x1: {  	(tag) =	ssettag $0x0;
	lr =	simm.s32 $0x1  }
0x2: {  	[smem:$0x3F6E] =	sst lr;
	_ =	strace $0xD0000000  }
0x3: {  	_ = 	snop  }
0x4: {  	_ = 	snop  }
0x5: {  	_ = 	snop  }
0x6: {  	_ = 	snop  }
0x7: {  	_ = 	snop  }
__scs_overlays_trampoline_lowered:
0x8: {  	[smem:$0x3F7D] =	sst s0  }
0x9: {  	[smem:$0x3F7E] =	sst s1  }
0xa: {  	[smem:$0x3F7F] =	sst s2  }
0xb: {  	[smem:$0x3F80] =	sst s3  }
0xc: {  	[smem:$0x3F81] =	sst s4  }
0xd: {  	[smem:$0x3F82] =	sst s5  }
0xe: {  	[smem:$0x3F83] =	sst s6  }
0xf: {  	[smem:$0x3F84] =	sst s7  }
0x10: {  	[smem:$0x3F85] =	sst s8  }
0x11: {  	[smem:$0x3F86] =	sst s9;
	s0 =	simm.s32 @!p0 $0x0  }
0x12: {  	s1 =	sld [smem:$0x3F6C];
	s0 =	simm.s32 @p0 $0x1  }
0x13: {  	[smem:$0x3F87] =	sst s0;
	s0 =	simm.s32 @!p1 $0x0  }
0x14: {  	s2 =	sld [smem:$0x3F6B];
	s0 =	simm.s32 @p1 $0x1  }
0x15: {  	[smem:$0x3F88] =	sst s0;
	s0 =	simm.s32 @!p2 $0x0  }
0x16: {  	s3 =	sld [smem:$0x3FDB];
	s0 =	simm.s32 @p2 $0x1  }
0x17: {  	s4 =	simm.s32 $0x1BF5;
	[smem:$0x3F8A] =	sst s0  }
0x18: {  	s0 =	sld [smem:$0x3F6D];
	_ =	swait.ge [sflag:s4], $0x0  }
0x19: {  	s7 =	sld [smem:$0x3F6E]  }
0x1a: {  	s8 =	sadd.s32 $0xFFFFE003, lr  }
0x1b: {  	s9 =	sadd.s32 $0xFFFFFEF7, lr;
	s5 =	simm.s32 $0xFFFFFFFF;
	p2 =	slt.u32 s8, $0xFFFFF086  }
0x1c: {  	p1 =	slt.u32 s9, $0xF7A;
	s5 =	simm.s32 @!p2 $0x0  }
0x1d: {  	s5 =	simm.s32 @p1 $0x1;
	p0 =	seq.s32 s7, s2  }
0x1e: {  	s7 =	smul.u32 @!p0 $0xF7A, s2;
	p2 =	seq.s32 @!p0 s5, $0x0  }
0x1f: {  	s9 =	smul.u32 $0xF7A, s1;
	s8 =	simm.s32 @!p0 $0x1BF5;
	p2 =	por !p2, p0  }
0x20: {  	[sflag:s8] =	ssyncset.s32 @!p0 $0xFFFFF086;
	s6 =	sadd.s32 @!p0 s3, s7;
	s7 =	simm.s32 @!p0 $0x108  }
0x21: {  	s3 =	sadd.s32 s3, s9;
	s6 =	sadd.s32 @!p0 $0x88, s6;
	s7 =	simm.s32 @p2 $0x1082  }
0x22: {  	[simem:s7], [sflag:s8] =	dma.local @!p0 [hbm:s6], $0xF7A  }
0x23: {  	s9 =	sor.u32 $0xD0000000, s2;
	s6 =	simm.s32 $0x108;
	_ =	swait.ge @!p0 [sflag:s8], $0x0  }
0x24: {  	s3 =	sadd.s32 $0x88, s3;
	s6 =	simm.s32 @!p1 $0x1082;
	[sflag:s4] =	ssyncset.s32 $0xFFFFF086  }
0x25: {  	[simem:s6], [sflag:s4] =	dma.local [hbm:s3], $0xF7A  }
0x26: {  	[smem:$0x3F6E] =	sst s1;
	(tag) =	ssettag s2;
	_ =	strace s9  }
0x27: {  	s1 =	sld [smem:$0x3F7E]  }
0x28: {  	s2 =	sld [smem:$0x3F7F]  }
0x29: {  	s4 =	sld [smem:$0x3F81]  }
0x2a: {  	p0 =	seq.s32 s5, $0x0;
	s5 =	sld [smem:$0x3F82]  }
0x2b: {  	s6 =	sld [smem:$0x3F83]  }
0x2c: {  	s7 =	sld [smem:$0x3F84]  }
0x2d: {  	s3 =	simm.s32 $0x108;
	s8 =	sld [smem:$0x3F85]  }
0x2e: {  	s3 =	simm.s32 @!p0 $0x1082;
	s9 =	sld [smem:$0x3F86]  }
0x2f: {  	lr =	sadd.s32 s0, s3;
	s0 =	sld [smem:$0x3F7D]  }
0x30: {  	s3 =	sld [smem:$0x3F80]  }
0x31: {  	[smem:$0x3F89] =	sst s10  }
0x32: {  	s10 =	sld [smem:$0x3F87];
	_ =	sdelay $0x3  }
0x33: {  	p0 =	seq.s32 s10, $0x1;
	s10 =	sld [smem:$0x3F89];
	_ =	sdelay $0x3  }
0x34: {  	[smem:$0x3F89] =	sst s10  }
0x35: {  	s10 =	sld [smem:$0x3F88];
	_ =	sdelay $0x3  }
0x36: {  	p1 =	seq.s32 s10, $0x1;
	s10 =	sld [smem:$0x3F89];
	_ =	sdelay $0x3  }
0x37: {  	[smem:$0x3F89] =	sst s10  }
0x38: {  	s10 =	sld [smem:$0x3F8A]  }
0x39: {  	_ = 	snop;
	(pc) =	sbr.ind lr, $3  }
0x3a: {  	_ = 	snop  }
0x3b: {  	_ = 	snop  }
0x3c: {  	p2 =	seq.s32 s10, $0x1;
	s10 =	sld [smem:$0x3F89]  }
0x3d: {  	_ =	shalt  }
0x3e: {  	_ =	shalt  }
0x3f: {  	_ =	shalt  }
0x40: {  	_ =	shalt  }
0x41: {  	_ =	shalt  }
0x42: {  	_ =	shalt  }
0x43: {  	_ =	shalt  }
0x44: {  	_ =	shalt  }
0x45: {  	_ =	shalt  }
0x46: {  	_ =	shalt  }
0x47: {  	_ =	shalt  }
0x48: {  	_ =	shalt  }
0x49: {  	_ =	shalt  }
0x4a: {  	_ =	shalt  }
0x4b: {  	_ =	shalt  }
0x4c: {  	_ =	shalt  }
0x4d: {  	_ =	shalt  }
0x4e: {  	_ =	shalt  }
0x4f: {  	_ =	shalt  }
0x50: {  	_ =	shalt  }
0x51: {  	_ =	shalt  }
0x52: {  	_ =	shalt  }
0x53: {  	_ =	shalt  }
0x54: {  	_ =	shalt  }
0x55: {  	_ =	shalt  }
0x56: {  	_ =	shalt  }
0x57: {  	_ =	shalt  }
0x58: {  	_ =	shalt  }
0x59: {  	_ =	shalt  }
0x5a: {  	_ =	shalt  }
0x5b: {  	_ =	shalt  }
0x5c: {  	_ =	shalt  }
0x5d: {  	_ =	shalt  }
0x5e: {  	_ =	shalt  }
0x5f: {  	_ =	shalt  }
0x60: {  	_ =	shalt  }
0x61: {  	_ =	shalt  }
0x62: {  	_ =	shalt  }
0x63: {  	_ =	shalt  }
0x64: {  	_ =	shalt  }
0x65: {  	_ =	shalt  }
0x66: {  	_ =	shalt  }
0x67: {  	_ =	shalt  }
0x68: {  	_ =	shalt  }
0x69: {  	_ =	shalt  }
0x6a: {  	_ =	shalt  }
0x6b: {  	_ =	shalt  }
0x6c: {  	_ =	shalt  }
0x6d: {  	_ =	shalt  }
0x6e: {  	_ =	shalt  }
0x6f: {  	_ =	shalt  }
0x70: {  	_ =	shalt  }
0x71: {  	_ =	shalt  }
0x72: {  	_ =	shalt  }
0x73: {  	_ =	shalt  }
0x74: {  	_ =	shalt  }
0x75: {  	_ =	shalt  }
0x76: {  	_ =	shalt  }
0x77: {  	_ =	shalt  }
0x78: {  	_ =	shalt  }
0x79: {  	_ =	shalt  }
0x7a: {  	_ =	shalt  }
0x7b: {  	_ =	shalt  }
0x7c: {  	_ =	shalt  }
0x7d: {  	_ =	shalt  }
0x7e: {  	_ =	shalt  }
0x7f: {  	_ =	shalt  }
0x80: {  	_ =	shalt  }
0x81: {  	_ =	shalt  }
0x82: {  	_ =	shalt  }
0x83: {  	_ =	shalt  }
0x84: {  	_ =	shalt  }
0x85: {  	_ =	shalt  }
0x86: {  	_ =	shalt  }
0x87: {  	_ =	shalt  }
.Lfunc_end0:
.L_simem_size_0:
called_computation_lowered:
.L_overlay_start_0:
0x88: {  	s2 =	sld [smem:$0x3FD9]  }
0x89: {  	s3 =	sld [smem:$0x3FFE];
	_ =	sdelay $0x1  }
0x8a: {  	s1 =	srdreg.scid  }
0x8b: {  	s0 =	sand.u32 $0x1, s1  }
0x8c: {  	s17 =	sshll.u32 s0, $0xA;
	s2 =	sadd.s32 s3, s2  }
0x8d: {  	s2 =	sadd.s32 s2, s17  }
0x8e: {  	[smem:$0x3F95] =	sst s2  }
0x8f: {  	_ = 	snop  }
0x90: {  	s2 =	sld [smem:$0x3F99];
	(tm) =	ssettm $0x1  }
0x91: {  	s18 =	sld [smem:$0x3FFB];
	_ =	sdelay $0x3  }
0x92: {  	_ =	strace s18  }
0x93: {  	s3 =	sld [smem:$0x3FFC];
	_ =	sdelay $0x3  }
0x94: {  	_ =	strace s3  }
0x95: {  	s3 =	sld [smem:$0x3FFD];
	_ =	sdelay $0x3  }
0x96: {  	_ =	strace s3  }
0x97: {  	_ =	strace $0x8FFFFFFF  }
0x98: {  	s19 =	sld [smem:$0x3FDB];
	_ =	sdelay $0x1  }
0x99: {  	s4 =	simm.s32 $_scs_section_size  }
0x9a: {  	s5 =	simm.s32 $_size__tile_overlayer_lowered;
	s6 =	simm.s32 $_tile_overlayer_lowered  }
0x9b: {  	s22 =	simm.s32 $0x1BFF;
	s21 =	sshll.u32 s6, $0x1;
	s3 =	sadd.s32 s4, s19  }
0x9c: {  	s7 =	simm.s32 $0x0;
	s20 =	sshll.u32 s5, $0x1;
	s5 =	sadd.s32 s21, s3  }
0x9d: {  	[timem:s7], [sflag:s22] =	dma.local [hbm:s5], s20  }
0x9e: {  	_ =	swait.ge [sflag:s22], s20  }
0x9f: {  	s4 =	ssub.s32 $0x0, s20;
	[sflag:s22] =	ssyncset.done $0x0  }
0xa0: {  	[sflag:s22] =	ssyncadd.s32 s4;
	_ =	sdelay $0x1  }
0xa1: {  	s23 =	simm.s32 $0x1B8B  }
0xa2: {  	_ =	swait.ge [sflag:s23], $0x1  }
0xa3: {  	[sflag:s23] =	ssyncset.done $0x0  }
0xa4: {  	s25 =	simm.s32 $0x1B8E;
	s24 =	sld [smem:$0x3FFE];
	[sflag:s23] =	ssyncadd.s32 $0xFFFFFFFF  }
0xa5: {  	s26 =	simm.s32 $execute0_lowered;
	[smem:$0x3FD2] =	sst s25  }
0xa6: {  	s5 =	sshll.u32 s26, $0x1;
	_ =	strace $0x80000046;
	[dreg:$0x1] =	wrdreg $0xFFFFFFFF  }
0xa7: {  	s28 =	simm.s32 $_size_execute0_lowered;
	s3 =	sadd.s32 s3, s5;
	[dreg:$0x0] =	wrdreg $0x0  }
0xa8: {  	s5 =	sshll.u32 s28, $0x1;
	[dreg:$0x2] =	wrdreg s3  }
0xa9: {  	[dreg:$0x3] =	wrdreg s5  }
0xaa: {  	[dreg:$0x4] =	wrdreg $0xC0  }
0xab: {  	_ =	task [dreg:s7], $0x5FFFF  }
0xac: {  	[dreg:$0x1] =	wrdreg $0xFFFFFFFF  }
0xad: {  	[dreg:$0x0] =	wrdreg $0x60  }
0xae: {  	[dreg:$0x2] =	wrdreg s24  }
0xaf: {  	[dreg:$0x3] =	wrdreg s2  }
0xb0: {  	[dreg:$0x4] =	wrdreg $0x0  }
0xb1: {  	[dreg:$0x5] =	wrdreg $0x9  }
0xb2: {  	_ =	task.clear_ibuf [dreg:s7], $0x6FFFF;
	_ =	strace $0x90000046  }
0xb3: {  	s29 =	simm.s32 $0x9;
	_ =	strace $0x80000048  }
0xb4: {  	_ =	swait.ge [sflag:s29], $0x1  }
0xb5: {  	[sflag:s29] =	ssyncadd.s32 $0xFFFFFFFF  }
0xb6: {  	_ =	strace $0x90000048  }
0xb7: {  	_ =	sfence  }
0xb8: {  	s30 =	sld [smem:$0x0];
	_ =	sdelay $0x2  }
0xb9: {  	s31 =	sshll.u32 s1, $0xD;
	s1 =	sshrl.u32 s1, $0x2  }
0xba: {  	s3 =	sand.u32 $0x4000, s31;
	s1 =	sadd.s32 s1, s30  }
0xbb: {  	s0 =	sor.u32 s3, s0;
	s1 =	sshll.u32 s1, $0x11  }
0xbc: {  	s0 =	sor.u32 s1, s0  }
0xbd: {  	s0 =	sadd.s32 $0x8F2B, s0  }
0xbe: {  	[sflag:s0] =	ssyncadd.remote.s32 $0x1  }
0xbf: {  	_ =	sfence.sel $0xFFFF  }
0xc0: {  	[dreg:$0x0] =	wrdreg $0xFFFFFFFF;
	(pc) =	sbr.abs _section_cstart, $3  }
0xc1: {  	[dreg:$0x1] =	wrdreg $0xFFFFFFFF  }
0xc2: {  	_ =	task.clear_ibuf [dreg:s7], $0x2FFFF;
	_ =	strace $0x9FFFFFFF  }
0xc3: {  	(tm) =	ssettm $0x7FFFFFFF  }
tec
execute0_lowered:
.L_overlay_start_1:
0x0: {  	(tag) =	ssettag $0x1  }
0x1: {  	s0 =	rddreg [dreg:$0x0]  }
0x2: {  	s1 =	rddreg [dreg:$0x1]  }
0x3: {  	s2 =	rddreg [dreg:$0x2];
	s3 =	simm.s32 $0x0;
	s12 =	stileid.u32  }
0x4: {  	s6 =	srdreg.scid;
	s18 =	simm.s32 $0x14500;
	s19 =	simm.s32 $0x3  }
0x5: {  	s20 =	simm.s32 $0x14000;
	s21 =	simm.s32 $0x80;
	s24 =	simm.s32 $0x14200  }
0x6: {  	s28 =	simm.s32 $0x2;
	s29 =	simm.s32 $0x14480;
	[smem:$0x7FF] =	sst s3  }
0x7: {  	s5 =	smul.u32 $0x2780, s12;
	s9 =	sshll.u32 s12, $0xA;
	s4 =	sadd.s32 $0x2E400, s0  }
0x8: {  	s22 =	sadd.s32 $0xF9600, s0;
	s23 =	sadd.s32 $0xFD600, s0;
	s17 =	sadd.s32 $0x55600, s0  }
0x9: {  	s30 =	sand.u32 $0x1, s6;
	s7 =	smul.u32 $0x50000, s12;
	s6 =	sadd.s32 $0x7D600, s0  }
0xa: {  	s16 =	sadd.s32 $0xA5600, s0;
	s25 =	smul.u32 $0x2800, s12;
	s12 =	sshll.u32 s12, $0x3  }
0xb: {  	_ =	strace $0x80000047;
	s10 =	sadd.s32 s9, s0;
	s8 =	ssub.s32 $0x2, s30  }
0xc: {  	p0 =	seq.s32 s30, $0x0;
	s1 =	sadd.s32 s1, s12;
	s5 =	sadd.s32 s5, s0  }
0xd: {  	s0 =	sadd.s32 $0xCD600, s0;
	s11 =	sshrl.u32 s8, $0x1;
	s7 =	sshrl.u32 s7, $0x2  }
0xe: {  	[dreg:$0x4] =	wrdreg s1;
	s26 =	sadd.s32 $0xF5600, s10;
	s1 =	smov.u32 s6  }
0xf: {  	s11 =	ssub.s32 s8, s11;
	s7 =	sadd.s32 s7, s2;
	s8 =	sadd.s32 $0x6C00, s5  }
0x10: {  	[dreg:$0x5] =	wrdreg s26;
	s1 =	smov.u32 @p0 s17;
	s0 =	smov.u32 @p0 s16  }
0x11: {  	v1 =	vmov s30;
	p0 =	sne.s32 s30, $0x0;
	s26 =	simm.s32 $0x14400;
	s30 =	simm.s32 $0x1C500  }
.Ltmp0:
0x12: {  	s31 =	smax.u32 s11, $0x1;
	s12 =	sadd.s32 $0x4000, s7;
	(pc) =	sbr.rel .LBB2_1-.Ltmp0, $4  }
0x13: {  	s13 =	sadd.s32 $0x8000, s7;
	s14 =	sadd.s32 $0xC000, s7;
	s15 =	sadd.s32 $0x10000, s7  }
0x14: {  	s11 =	smov.u32 s17;
	s16 =	sadd.s32 s1, s25;
	s17 =	sadd.s32 s0, s25  }
0x15: {  	v0 =	vimm.f32 $0.0e+00;
	vm0 =	vcmask $0x300;
	s23 =	smov.u32 @p0 s22;
	s22 =	simm.s32 $0x1;
	s25 =	simm.s32 $0x18500  }
0x16: {  	v2 =	vsel vm0, $0x3F800000, v0;
	s0 =	simm.s32 $0x0;
	[dreg:$0x6] =	wrdreg s31;
	s23 =	sadd.s32 s23, s9  }
.LBB2_13:
0x17: {  	_ =	swait.ge [sflag:s28], $0x4000  }
0x18: {  	[sflag:s28] =	ssyncset.done $0x0  }
0x19: {  	[sflag:s28] =	ssyncadd.s32 $0xFFFFC000  }
0x1a: {  	[bflag:$0x0] =	sbarrier.arrive $0xFFFF  }
0x1b: {  	[hbm:s17], [sflag:s31] =	dma.local [spmem:s1], $0x2800  }
0x1c: {  	_ =	swait.ge [sflag:s19], $0x2800  }
0x1d: {  	[sflag:s19] =	ssyncset.done $0x0  }
0x1e: {  	[sflag:s19] =	ssyncadd.s32 $0xFFFFD800  }
0x1f: {  	[bflag:$0x0] =	sbarrier.arrive $0xFFFF  }
0x20: {  	s9 =	rddreg [dreg:$0x4]  }
0x21: {  	[tilespmem:s30], [sflag:$0x3] =	stream.linear.gather [hbm4b:s9+s3], $0x40, $0x38;
	[tilespmem:$0x1C580] =	vst v63  }
0x22: {  	_ =	swait.ge [sflag:s19], $0x40  }
0x23: {  	s5 =	simm.s32 @!p0 $0x1C500;
	[sflag:s19] =	ssyncset.done $0x0  }
0x24: {  	s1 =	simm.s32 @!p0 $0x40;
	s9 =	simm.s32 @!p0 $0x18500;
	[sflag:s19] =	ssyncadd.s32 $0xFFFFFFC0  }
0x25: {  	[tilespmem:s9], [sflag:$0x1] =	stream.indirect.gather @!p0 [hbm4b:s11+s1], $0x80, s5, s1, $0xb8;
	[tilespmem:$0x1C580] =	vst v63  }
0x26: {  	s1 =	simm.s32 @!p0 $0x1  }
0x27: {  	_ =	swait.ge @!p0 [sflag:s1], $0x2000  }
0x28: {  	[sflag:s1] =	ssyncset.done @!p0 $0x0  }
0x29: {  	s5 =	rddreg [dreg:$0x5];
	[sflag:s1] =	ssyncadd.s32 @!p0 $0xFFFFE000;
	s1 =	simm.s32 @!p0 $0x0  }
0x2a: {  	[hbm4b:s5+s1] =	stream.linear.scatter @!p0 [tilespmem:s9], [sflag:$0x3], $0x2000, $0x38;
	[tilespmem:$0x1C580] =	vst v63  }
0x2b: {  	s1 =	simm.s32 @!p0 $0x3  }
0x2c: {  	_ =	swait.ge @!p0 [sflag:s1], $0x2000  }
0x2d: {  	s5 =	smov.u32 s4;
	[sflag:s1] =	ssyncset.done @!p0 $0x0  }
0x2e: {  	s10 =	simm.s32 $0x40;
	s5 =	smov.u32 @p0 s6;
	[sflag:s1] =	ssyncadd.s32 @!p0 $0xFFFFE000  }
0x2f: {  	[tilespmem:s25], [sflag:$0x1] =	stream.indirect.gather [hbm4b:s5+s10], $0x80, s30, s10, $0xb8;
	[tilespmem:$0x1C580] =	vst v63  }
0x30: {  	_ =	swait.ge [sflag:s22], $0x2000  }
0x31: {  	[sflag:s22] =	ssyncset.done $0x0  }
0x32: {  	[sflag:s22] =	ssyncadd.s32 $0xFFFFE000  }
0x33: {  	[hbm4b:s23+s3] =	stream.linear.scatter [tilespmem:s25], [sflag:$0x3], $0x2000, $0x38;
	[tilespmem:$0x1C580] =	vst v63  }
0x34: {  	_ =	swait.ge [sflag:s19], $0x2000  }
0x35: {  	s0 =	sadd.s32 $0x1, s0;
	s31 =	rddreg [dreg:$0x6]  }
0x36: {  	p1 =	sne.s32 s0, s31  }
.Ltmp1:
0x37: {  	_ = 	snop;
	(pc) =	sbr.rel @!p1 .LBB2_14-.Ltmp1, $3  }
0x38: {  	_ =	sdelay $0x1  }
0x39: {  	[sflag:s19] =	ssyncset.done $0x0  }
0x3a: {  	[sflag:s19] =	ssyncadd.s32 $0xFFFFE000  }
.LBB2_1:
0x3b: {  	s1 =	simm.s32 $0x0;
	s5 =	simm.s32 $0x200  }
.LBB2_2:
0x3c: {  	p1 =	sne.s32 s5, $0xFE00;
	[tilespmem:s1+$0x14570] =	vst v0  }
0x3d: {  	[tilespmem:s1+$0x14500] =	vst v0  }
0x3e: {  	[tilespmem:s1+$0x14510] =	vst v0  }
.Ltmp2:
0x3f: {  	[tilespmem:s1+$0x14520] =	vst v0;
	(pc) =	sbr.rel @p1 .LBB2_2-.Ltmp2, $4  }
0x40: {  	[tilespmem:s1+$0x14530] =	vst v0  }
0x41: {  	[tilespmem:s1+$0x14540] =	vst v0  }
0x42: {  	[tilespmem:s1+$0x14550] =	vst v0  }
0x43: {  	[tilespmem:s1+$0x14560] =	vst v0;
	s1 =	sshra.s32 s5, $0x2;
	s5 =	sadd.s32 $0x200, s5  }
0x44: {  	[tilespmem:s1+$0x14570] =	vst v0  }
0x45: {  	[tilespmem:s1+$0x14500] =	vst v0  }
0x46: {  	[tilespmem:s1+$0x14510] =	vst v0  }
0x47: {  	[tilespmem:s1+$0x14520] =	vst v0  }
0x48: {  	[tilespmem:s1+$0x14530] =	vst v0  }
0x49: {  	[tilespmem:s1+$0x14540] =	vst v0  }
0x4a: {  	[tilespmem:s1+$0x14550] =	vst v0  }
0x4b: {  	[tilespmem:s1+$0x14560] =	vst v0  }
0x4c: {  	[spmem:s7] =	stream.linear.scatter [tilespmem:s18], [sflag:$0x3], $0x4000, $0x38;
	[tilespmem:$0x1C580] =	vst v63  }
0x4d: {  	_ =	swait.ge [sflag:s19], $0x4000  }
0x4e: {  	[sflag:s19] =	ssyncset.done $0x0  }
0x4f: {  	[sflag:s19] =	ssyncadd.s32 $0xFFFFC000  }
0x50: {  	[spmem:s12] =	stream.linear.scatter [tilespmem:s18], [sflag:$0x3], $0x4000, $0x38;
	[tilespmem:$0x1C580] =	vst v63  }
0x51: {  	_ =	swait.ge [sflag:s19], $0x4000  }
0x52: {  	[sflag:s19] =	ssyncset.done $0x0  }
0x53: {  	[sflag:s19] =	ssyncadd.s32 $0xFFFFC000  }
0x54: {  	[spmem:s13] =	stream.linear.scatter [tilespmem:s18], [sflag:$0x3], $0x4000, $0x38;
	[tilespmem:$0x1C580] =	vst v63  }
0x55: {  	_ =	swait.ge [sflag:s19], $0x4000  }
0x56: {  	[sflag:s19] =	ssyncset.done $0x0  }
0x57: {  	[sflag:s19] =	ssyncadd.s32 $0xFFFFC000  }
0x58: {  	[spmem:s14] =	stream.linear.scatter [tilespmem:s18], [sflag:$0x3], $0x4000, $0x38;
	[tilespmem:$0x1C580] =	vst v63  }
0x59: {  	_ =	swait.ge [sflag:s19], $0x4000  }
0x5a: {  	[sflag:s19] =	ssyncset.done $0x0  }
0x5b: {  	[sflag:s19] =	ssyncadd.s32 $0xFFFFC000  }
0x5c: {  	[spmem:s15] =	stream.linear.scatter [tilespmem:s18], [sflag:$0x3], $0x4000, $0x38;
	[tilespmem:$0x1C580] =	vst v63  }
0x5d: {  	_ =	swait.ge [sflag:s19], $0x4000  }
0x5e: {  	[sflag:s19] =	ssyncset.done $0x0  }
0x5f: {  	[sflag:s19] =	ssyncadd.s32 $0xFFFFC000  }
0x60: {  	s1 =	simm.s32 $0x0;
	[bflag:$0x0] =	sbarrier.arrive $0xFFFF  }
0x61: {  	[tilespmem:s20], [sflag:$0x3] =	stream.linear.gather [hbm4b:s8+s1], $0x180, $0x38;
	[tilespmem:$0x1C580] =	vst v63  }
0x62: {  	_ =	swait.ge [sflag:s19], $0x180  }
0x63: {  	[sflag:s19] =	ssyncset.done $0x0  }
0x64: {  	[sflag:s19] =	ssyncadd.s32 $0xFFFFFE80  }
0x65: {  	[tilespmem:s18], [sflag:$0x1] =	stream.indirect.gather [hbm4b:s4+s21], $0x80, s20, s21, $0xb8;
	[tilespmem:$0x1C580] =	vst v63  }
.LBB2_4:
0x66: {  	_ =	swait.ge [sflag:s22], $0x4000  }
0x67: {  	s5 =	sadd.s32 s1, s8;
	[sflag:s22] =	ssyncset.done $0x0  }
0x68: {  	s5 =	sadd.s32 $0x40, s5;
	[sflag:s22] =	ssyncadd.s32 $0xFFFFC000  }
0x69: {  	[tilespmem:s24], [sflag:$0x3] =	stream.linear.gather [hbm4b:s5+s3], $0x180, $0x38;
	[tilespmem:$0x1C580] =	vst v63  }
0x6a: {  	_ =	swait.ge [sflag:s19], $0x180  }
0x6b: {  	[sflag:s19] =	ssyncset.done $0x0  }
0x6c: {  	[sflag:s19] =	ssyncadd.s32 $0xFFFFFE80  }
0x6d: {  	v3 =	vld [tilespmem:$0x14080]  }
0x6e: {  	v4 =	vld [tilespmem:$0x14100]  }
0x6f: {  	v5 =	vld [tilespmem:$0x14090]  }
0x70: {  	v6 =	vld [tilespmem:$0x14110]  }
0x71: {  	v7 =	vld [tilespmem:$0x140A0]  }
0x72: {  	v8 =	vld [tilespmem:$0x14120]  }
0x73: {  	v9 =	vld [tilespmem:$0x140B0]  }
0x74: {  	v10 =	vld [tilespmem:$0x14130]  }
0x75: {  	v11 =	vld [tilespmem:$0x140C0]  }
0x76: {  	v12 =	vld [tilespmem:$0x14140]  }
0x77: {  	v13 =	vld [tilespmem:$0x140D0]  }
0x78: {  	v14 =	vld [tilespmem:$0x14150]  }
0x79: {  	v45 =	vld [tilespmem:$0x140E0];
	vm0 =	veq.s32 v4, v1  }
0x7a: {  	v46 =	vld [tilespmem:$0x14160];
	vm13 =	veq.s32 v6, v1;
	v3 =	vnsel vm0, $0x2710, v3  }
0x7b: {  	v47 =	vld [tilespmem:$0x14170];
	vm14 =	veq.s32 v8, v1;
	[tilespmem:$0x14400] =	vst v3;
	v3 =	vnsel vm13, $0x2710, v5  }
0x7c: {  	v48 =	vld [tilespmem:$0x140F0];
	vm15 =	veq.s32 v10, v1;
	[tilespmem:$0x14410] =	vst v3;
	v3 =	vnsel vm14, $0x2710, v7  }
0x7d: {  	vm4 =	veq.s32 v12, v1;
	[tilespmem:$0x14420] =	vst v3;
	v3 =	vnsel vm15, $0x2710, v9  }
0x7e: {  	vm5 =	veq.s32 v14, v1;
	[tilespmem:$0x14430] =	vst v3;
	v3 =	vnsel vm4, $0x2710, v11  }
0x7f: {  	vm6 =	veq.s32 v46, v1;
	[tilespmem:$0x14440] =	vst v3;
	v3 =	vnsel vm5, $0x2710, v13  }
0x80: {  	vm7 =	veq.s32 v47, v1;
	[tilespmem:$0x14450] =	vst v3;
	v3 =	vnsel vm6, $0x2710, v45  }
0x81: {  	p1 =	seq.s32 s1, $0x0;
	[tilespmem:$0x14460] =	vst v3;
	v3 =	vnsel vm7, $0x2710, v48  }
0x82: {  	s5 =	simm.s32 @!p1 $0x2;
	[tilespmem:$0x14470] =	vst v3  }
0x83: {  	_ =	swait.ge @!p1 [sflag:s5], $0x4000  }
0x84: {  	[sflag:s5] =	ssyncset.done @!p1 $0x0  }
0x85: {  	[sflag:s5] =	ssyncadd.s32 @!p1 $0xFFFFC000  }
0x86: {  	[tilespmem:s25], [sflag:$0x1] =	stream.indirect.gather [hbm4b:s4+s21], $0x80, s24, s21, $0xb8;
	[tilespmem:$0x1C580] =	vst v63  }
0x87: {  	_ = 	snop  }
0x88: {  	[spmem:s2] =	stream.indirect.scatter.add.f32 [tilespmem:s18], [sflag:$0x2], $0x80, s26, s21, $0xb8;
	[tilespmem:$0x1C580] =	vst v63  }
0x89: {  	p1 =	seq.s32 s1, $0x2700;
	_ =	swait.ge [sflag:s22], $0x4000  }
0x8a: {  	s5 =	sadd.s32 @!p1 s1, s8;
	s9 =	simm.s32 @!p1 $0x0;
	[sflag:s22] =	ssyncset.done $0x0  }
0x8b: {  	s31 =	simm.s32 @!p1 $0x14000;
	s5 =	sadd.s32 @!p1 $0x80, s5;
	[sflag:s22] =	ssyncadd.s32 $0xFFFFC000  }
0x8c: {  	[tilespmem:s31], [sflag:$0x3] =	stream.linear.gather @!p1 [hbm4b:s5+s9], $0x180, $0x38;
	[tilespmem:$0x1C580] =	vst v63  }
0x8d: {  	s5 =	simm.s32 @!p1 $0x3  }
0x8e: {  	_ =	swait.ge @!p1 [sflag:s5], $0x180  }
0x8f: {  	[sflag:s5] =	ssyncset.done @!p1 $0x0  }
0x90: {  	[sflag:s5] =	ssyncadd.s32 @!p1 $0xFFFFFE80  }
0x91: {  	v3 =	vld [tilespmem:$0x14280]  }
0x92: {  	v49 =	vld [tilespmem:$0x14300]  }
0x93: {  	v50 =	vld [tilespmem:$0x14290]  }
0x94: {  	v51 =	vld [tilespmem:$0x14310]  }
0x95: {  	v52 =	vld [tilespmem:$0x142A0]  }
0x96: {  	v53 =	vld [tilespmem:$0x14320]  }
0x97: {  	v54 =	vld [tilespmem:$0x142B0]  }
0x98: {  	v55 =	vld [tilespmem:$0x14330]  }
0x99: {  	v56 =	vld [tilespmem:$0x142C0]  }
0x9a: {  	v57 =	vld [tilespmem:$0x14340]  }
0x9b: {  	v58 =	vld [tilespmem:$0x142D0]  }
0x9c: {  	v59 =	vld [tilespmem:$0x14350]  }
0x9d: {  	v60 =	vld [tilespmem:$0x142E0];
	vm8 =	veq.s32 v49, v1  }
0x9e: {  	v61 =	vld [tilespmem:$0x14360];
	vm9 =	veq.s32 v51, v1;
	v3 =	vnsel vm8, $0x2710, v3  }
0x9f: {  	v62 =	vld [tilespmem:$0x14370];
	vm10 =	veq.s32 v53, v1;
	[tilespmem:$0x14480] =	vst v3;
	v3 =	vnsel vm9, $0x2710, v50  }
0xa0: {  	v63 =	vld [tilespmem:$0x142F0];
	vm11 =	veq.s32 v55, v1;
	[tilespmem:$0x14490] =	vst v3;
	v3 =	vnsel vm10, $0x2710, v52  }
0xa1: {  	vm12 =	veq.s32 v57, v1;
	[tilespmem:$0x144A0] =	vst v3;
	v3 =	vnsel vm11, $0x2710, v54  }
0xa2: {  	vm13 =	veq.s32 v59, v1;
	[tilespmem:$0x144B0] =	vst v3;
	v3 =	vnsel vm12, $0x2710, v56  }
0xa3: {  	vm14 =	veq.s32 v61, v1;
	[tilespmem:$0x144C0] =	vst v3;
	v3 =	vnsel vm13, $0x2710, v58  }
0xa4: {  	vm15 =	veq.s32 v62, v1;
	[tilespmem:$0x144D0] =	vst v3;
	v3 =	vnsel vm14, $0x2710, v60  }
.Ltmp3:
0xa5: {  	[tilespmem:$0x144E0] =	vst v3;
	v3 =	vnsel vm15, $0x2710, v63;
	(pc) =	sbr.rel @p1 .LBB2_6-.Ltmp3, $4  }
0xa6: {  	[tilespmem:$0x144F0] =	vst v3  }
0xa7: {  	_ =	swait.ge [sflag:s28], $0x4000  }
0xa8: {  	[sflag:s28] =	ssyncset.done $0x0  }
0xa9: {  	[sflag:s28] =	ssyncadd.s32 $0xFFFFC000  }
.Ltmp4:
0xaa: {  	(pc) =	sbr.rel .LBB2_4-.Ltmp4, $4  }
0xab: {  	_ = 	snop  }
0xac: {  	[tilespmem:s18], [sflag:$0x1] =	stream.indirect.gather [hbm4b:s4+s21], $0x80, s20, s21, $0xb8;
	[tilespmem:$0x1C580] =	vst v63  }
0xad: {  	s1 =	sadd.s32 $0x80, s1  }
0xae: {  	[spmem:s2] =	stream.indirect.scatter.add.f32 [tilespmem:s25], [sflag:$0x2], $0x80, s29, s21, $0xb8;
	[tilespmem:$0x1C580] =	vst v63  }
.LBB2_6:
0xaf: {  	[spmem:s2] =	stream.indirect.scatter.add.f32 [tilespmem:s25], [sflag:$0x2], $0x80, s29, s21, $0xb8;
	[tilespmem:$0x1C580] =	vst v63  }
0xb0: {  	_ =	swait.ge [sflag:s28], $0x4000  }
0xb1: {  	s1 =	stileid.u32;
	[sflag:s28] =	ssyncset.done $0x0  }
0xb2: {  	s1 =	sshll.u32 s1, $0x6;
	[sflag:s28] =	ssyncadd.s32 $0xFFFFC000  }
0xb3: {  	s31 =	sor.u32 $0x1C03, s1;
	s1 =	sshrl.u32 s7, $0x3;
	[bflag:$0x0] =	sbarrier.arrive $0xFFFF  }
0xb4: {  	[hbm:s16], [sflag:s31] =	dma.local [spmem:s1], $0x2800  }
0xb5: {  	_ =	swait.ge [sflag:s19], $0x2800  }
0xb6: {  	[sflag:s19] =	ssyncset.done $0x0  }
0xb7: {  	[sflag:s19] =	ssyncadd.s32 $0xFFFFD800  }
0xb8: {  	s5 =	simm.s32 $0x0;
	s9 =	simm.s32 $0x200;
	[bflag:$0x0] =	sbarrier.arrive $0xFFFF  }
.LBB2_7:
0xb9: {  	p1 =	sne.s32 s9, $0xFE00;
	[tilespmem:s5+$0x14570] =	vst v0  }
0xba: {  	[tilespmem:s5+$0x14500] =	vst v0  }
0xbb: {  	[tilespmem:s5+$0x14510] =	vst v0  }
.Ltmp5:
0xbc: {  	[tilespmem:s5+$0x14520] =	vst v0;
	(pc) =	sbr.rel @p1 .LBB2_7-.Ltmp5, $4  }
0xbd: {  	[tilespmem:s5+$0x14530] =	vst v0  }
0xbe: {  	[tilespmem:s5+$0x14540] =	vst v0  }
0xbf: {  	[tilespmem:s5+$0x14550] =	vst v0  }
0xc0: {  	[tilespmem:s5+$0x14560] =	vst v0;
	s5 =	sshra.s32 s9, $0x2;
	s9 =	sadd.s32 $0x200, s9  }
0xc1: {  	[tilespmem:s5+$0x14570] =	vst v0  }
0xc2: {  	[tilespmem:s5+$0x14500] =	vst v0  }
0xc3: {  	[tilespmem:s5+$0x14510] =	vst v0  }
0xc4: {  	[tilespmem:s5+$0x14520] =	vst v0  }
0xc5: {  	[tilespmem:s5+$0x14530] =	vst v0  }
0xc6: {  	[tilespmem:s5+$0x14540] =	vst v0  }
0xc7: {  	[tilespmem:s5+$0x14550] =	vst v0  }
0xc8: {  	[tilespmem:s5+$0x14560] =	vst v0  }
0xc9: {  	[spmem:s7] =	stream.linear.scatter [tilespmem:s18], [sflag:$0x3], $0x4000, $0x38;
	[tilespmem:$0x1C580] =	vst v63  }
0xca: {  	_ =	swait.ge [sflag:s19], $0x4000  }
0xcb: {  	[sflag:s19] =	ssyncset.done $0x0  }
0xcc: {  	[sflag:s19] =	ssyncadd.s32 $0xFFFFC000  }
0xcd: {  	[spmem:s12] =	stream.linear.scatter [tilespmem:s18], [sflag:$0x3], $0x4000, $0x38;
	[tilespmem:$0x1C580] =	vst v63  }
0xce: {  	_ =	swait.ge [sflag:s19], $0x4000  }
0xcf: {  	[sflag:s19] =	ssyncset.done $0x0  }
0xd0: {  	[sflag:s19] =	ssyncadd.s32 $0xFFFFC000  }
0xd1: {  	[spmem:s13] =	stream.linear.scatter [tilespmem:s18], [sflag:$0x3], $0x4000, $0x38;
	[tilespmem:$0x1C580] =	vst v63  }
0xd2: {  	_ =	swait.ge [sflag:s19], $0x4000  }
0xd3: {  	[sflag:s19] =	ssyncset.done $0x0  }
0xd4: {  	[sflag:s19] =	ssyncadd.s32 $0xFFFFC000  }
0xd5: {  	[spmem:s14] =	stream.linear.scatter [tilespmem:s18], [sflag:$0x3], $0x4000, $0x38;
	[tilespmem:$0x1C580] =	vst v63  }
0xd6: {  	_ =	swait.ge [sflag:s19], $0x4000  }
0xd7: {  	[sflag:s19] =	ssyncset.done $0x0  }
0xd8: {  	[sflag:s19] =	ssyncadd.s32 $0xFFFFC000  }
0xd9: {  	[spmem:s15] =	stream.linear.scatter [tilespmem:s18], [sflag:$0x3], $0x4000, $0x38;
	[tilespmem:$0x1C580] =	vst v63  }
0xda: {  	_ =	swait.ge [sflag:s19], $0x4000  }
0xdb: {  	[sflag:s19] =	ssyncset.done $0x0  }
0xdc: {  	s5 =	simm.s32 $0x200;
	s9 =	simm.s32 $0x0;
	[sflag:s19] =	ssyncadd.s32 $0xFFFFC000  }
.LBB2_9:
0xdd: {  	p1 =	sne.s32 s5, $0xFE00;
	[tilespmem:s9+$0x14500] =	vst v2;
	s9 =	smov.u32 s5;
	s5 =	sadd.s32 $0x200, s5  }
.Ltmp6:
0xde: {  	(pc) =	sbr.rel @p1 .LBB2_9-.Ltmp6, $2  }
0xdf: {  	_ =	sdelay $0x2  }
0xe0: {  	s9 =	sshra.s32 s9, $0x2  }
0xe1: {  	[tilespmem:s9+$0x14500] =	vst v2  }
0xe2: {  	s9 =	simm.s32 $0x0;
	[bflag:$0x0] =	sbarrier.arrive $0xFFFF  }
0xe3: {  	[tilespmem:s20], [sflag:$0x3] =	stream.linear.gather [hbm4b:s8+s9], $0x180, $0x38;
	[tilespmem:$0x1C580] =	vst v63  }
0xe4: {  	_ =	swait.ge [sflag:s19], $0x180  }
0xe5: {  	[sflag:s19] =	ssyncset.done $0x0  }
0xe6: {  	[sflag:s19] =	ssyncadd.s32 $0xFFFFFE80  }
0xe7: {  	v3 =	vld [tilespmem:$0x14080]  }
0xe8: {  	v4 =	vld [tilespmem:$0x14100]  }
0xe9: {  	v5 =	vld [tilespmem:$0x14090]  }
0xea: {  	v6 =	vld [tilespmem:$0x14110]  }
0xeb: {  	v7 =	vld [tilespmem:$0x140A0]  }
0xec: {  	v8 =	vld [tilespmem:$0x14120]  }
0xed: {  	v9 =	vld [tilespmem:$0x140B0]  }
0xee: {  	v10 =	vld [tilespmem:$0x14130]  }
0xef: {  	v11 =	vld [tilespmem:$0x140C0]  }
0xf0: {  	v12 =	vld [tilespmem:$0x14140]  }
0xf1: {  	v13 =	vld [tilespmem:$0x140D0]  }
0xf2: {  	v14 =	vld [tilespmem:$0x14150]  }
0xf3: {  	v60 =	vld [tilespmem:$0x140E0];
	vm0 =	veq.s32 v4, v1  }
0xf4: {  	v61 =	vld [tilespmem:$0x14160];
	vm9 =	veq.s32 v6, v1;
	v3 =	vnsel vm0, $0x2710, v3  }
0xf5: {  	v62 =	vld [tilespmem:$0x14170];
	vm10 =	veq.s32 v8, v1;
	[tilespmem:$0x14400] =	vst v3;
	v3 =	vnsel vm9, $0x2710, v5  }
0xf6: {  	v63 =	vld [tilespmem:$0x140F0];
	vm11 =	veq.s32 v10, v1;
	[tilespmem:$0x14410] =	vst v3;
	v3 =	vnsel vm10, $0x2710, v7  }
0xf7: {  	vm12 =	veq.s32 v12, v1;
	[tilespmem:$0x14420] =	vst v3;
	v3 =	vnsel vm11, $0x2710, v9  }
0xf8: {  	vm13 =	veq.s32 v14, v1;
	[tilespmem:$0x14430] =	vst v3;
	v3 =	vnsel vm12, $0x2710, v11  }
0xf9: {  	vm14 =	veq.s32 v61, v1;
	[tilespmem:$0x14440] =	vst v3;
	v3 =	vnsel vm13, $0x2710, v13  }
0xfa: {  	vm15 =	veq.s32 v62, v1;
	[tilespmem:$0x14450] =	vst v3;
	v3 =	vnsel vm14, $0x2710, v60  }
0xfb: {  	[tilespmem:$0x14460] =	vst v3;
	v3 =	vnsel vm15, $0x2710, v63  }
0xfc: {  	[tilespmem:$0x14470] =	vst v3  }
.LBB2_11:
0xfd: {  	p1 =	seq.s32 s9, $0x0  }
0xfe: {  	s5 =	simm.s32 @!p1 $0x2  }
0xff: {  	_ =	swait.ge @!p1 [sflag:s5], $0x4000  }
0x100: {  	[sflag:s5] =	ssyncset.done @!p1 $0x0  }
0x101: {  	[sflag:s5] =	ssyncadd.s32 @!p1 $0xFFFFC000;
	s5 =	sadd.s32 s9, s8  }
0x102: {  	[spmem:s2] =	stream.indirect.scatter.add.f32 [tilespmem:s18], [sflag:$0x2], $0x80, s26, s21, $0xb8;
	[tilespmem:$0x1C580] =	vst v63  }
0x103: {  	s10 =	sadd.s32 $0x40, s5  }
0x104: {  	[tilespmem:s24], [sflag:$0x3] =	stream.linear.gather [hbm4b:s10+s3], $0x180, $0x38;
	[tilespmem:$0x1C580] =	vst v63  }
0x105: {  	_ =	swait.ge [sflag:s19], $0x180  }
0x106: {  	[sflag:s19] =	ssyncset.done $0x0  }
0x107: {  	[sflag:s19] =	ssyncadd.s32 $0xFFFFFE80  }
0x108: {  	v3 =	vld [tilespmem:$0x14280]  }
0x109: {  	v4 =	vld [tilespmem:$0x14300]  }
0x10a: {  	v5 =	vld [tilespmem:$0x14290]  }
0x10b: {  	v6 =	vld [tilespmem:$0x14310]  }
0x10c: {  	v7 =	vld [tilespmem:$0x142A0]  }
0x10d: {  	v8 =	vld [tilespmem:$0x14320]  }
0x10e: {  	v9 =	vld [tilespmem:$0x142B0]  }
0x10f: {  	v10 =	vld [tilespmem:$0x14330]  }
0x110: {  	v11 =	vld [tilespmem:$0x142C0]  }
0x111: {  	v12 =	vld [tilespmem:$0x14340]  }
0x112: {  	v13 =	vld [tilespmem:$0x142D0]  }
0x113: {  	v14 =	vld [tilespmem:$0x14350]  }
0x114: {  	v60 =	vld [tilespmem:$0x142E0];
	vm0 =	veq.s32 v4, v1  }
0x115: {  	v61 =	vld [tilespmem:$0x14360];
	vm9 =	veq.s32 v6, v1;
	v3 =	vnsel vm0, $0x2710, v3  }
0x116: {  	v62 =	vld [tilespmem:$0x14370];
	vm10 =	veq.s32 v8, v1;
	[tilespmem:$0x14480] =	vst v3;
	v3 =	vnsel vm9, $0x2710, v5  }
0x117: {  	v63 =	vld [tilespmem:$0x142F0];
	vm11 =	veq.s32 v10, v1;
	[tilespmem:$0x14490] =	vst v3;
	v3 =	vnsel vm10, $0x2710, v7  }
0x118: {  	vm12 =	veq.s32 v12, v1;
	[tilespmem:$0x144A0] =	vst v3;
	v3 =	vnsel vm11, $0x2710, v9  }
0x119: {  	vm13 =	veq.s32 v14, v1;
	[tilespmem:$0x144B0] =	vst v3;
	v3 =	vnsel vm12, $0x2710, v11  }
0x11a: {  	vm14 =	veq.s32 v61, v1;
	[tilespmem:$0x144C0] =	vst v3;
	v3 =	vnsel vm13, $0x2710, v13  }
0x11b: {  	vm15 =	veq.s32 v62, v1;
	[tilespmem:$0x144D0] =	vst v3;
	v3 =	vnsel vm14, $0x2710, v60  }
0x11c: {  	p1 =	seq.s32 s9, $0x2700;
	[tilespmem:$0x144E0] =	vst v3;
	v3 =	vnsel vm15, $0x2710, v63  }
.Ltmp7:
0x11d: {  	[tilespmem:$0x144F0] =	vst v3;
	(pc) =	sbr.rel @p1 .LBB2_13-.Ltmp7, $4  }
0x11e: {  	_ =	swait.ge [sflag:s28], $0x4000  }
0x11f: {  	[sflag:s28] =	ssyncset.done $0x0  }
0x120: {  	[sflag:s28] =	ssyncadd.s32 $0xFFFFC000  }
0x121: {  	[spmem:s2] =	stream.indirect.scatter.add.f32 [tilespmem:s18], [sflag:$0x2], $0x80, s29, s21, $0xb8;
	[tilespmem:$0x1C580] =	vst v63  }
0x122: {  	s5 =	sadd.s32 $0x80, s5  }
0x123: {  	[tilespmem:s20], [sflag:$0x3] =	stream.linear.gather [hbm4b:s5+s3], $0x180, $0x38;
	[tilespmem:$0x1C580] =	vst v63  }
0x124: {  	_ =	swait.ge [sflag:s19], $0x180  }
0x125: {  	[sflag:s19] =	ssyncset.done $0x0  }
0x126: {  	[sflag:s19] =	ssyncadd.s32 $0xFFFFFE80  }
0x127: {  	v3 =	vld [tilespmem:$0x14080]  }
0x128: {  	v4 =	vld [tilespmem:$0x14100]  }
0x129: {  	v5 =	vld [tilespmem:$0x14090]  }
0x12a: {  	v6 =	vld [tilespmem:$0x14110]  }
0x12b: {  	v7 =	vld [tilespmem:$0x140A0]  }
0x12c: {  	v8 =	vld [tilespmem:$0x14120]  }
0x12d: {  	v9 =	vld [tilespmem:$0x140B0]  }
0x12e: {  	v10 =	vld [tilespmem:$0x14130]  }
0x12f: {  	v11 =	vld [tilespmem:$0x140C0]  }
0x130: {  	v12 =	vld [tilespmem:$0x14140]  }
0x131: {  	v13 =	vld [tilespmem:$0x140D0]  }
0x132: {  	v14 =	vld [tilespmem:$0x14150]  }
0x133: {  	v60 =	vld [tilespmem:$0x140E0];
	vm0 =	veq.s32 v4, v1  }
0x134: {  	v61 =	vld [tilespmem:$0x14160];
	vm9 =	veq.s32 v6, v1;
	v3 =	vnsel vm0, $0x2710, v3  }
0x135: {  	v62 =	vld [tilespmem:$0x14170];
	vm10 =	veq.s32 v8, v1;
	[tilespmem:$0x14400] =	vst v3;
	v3 =	vnsel vm9, $0x2710, v5  }
0x136: {  	v63 =	vld [tilespmem:$0x140F0];
	vm11 =	veq.s32 v10, v1;
	[tilespmem:$0x14410] =	vst v3;
	v3 =	vnsel vm10, $0x2710, v7  }
0x137: {  	vm12 =	veq.s32 v12, v1;
	[tilespmem:$0x14420] =	vst v3;
	v3 =	vnsel vm11, $0x2710, v9  }
.Ltmp8:
0x138: {  	vm13 =	veq.s32 v14, v1;
	[tilespmem:$0x14430] =	vst v3;
	v3 =	vnsel vm12, $0x2710, v11;
	(pc) =	sbr.rel .LBB2_11-.Ltmp8, $4  }
0x139: {  	vm14 =	veq.s32 v61, v1;
	[tilespmem:$0x14440] =	vst v3;
	v3 =	vnsel vm13, $0x2710, v13  }
0x13a: {  	vm15 =	veq.s32 v62, v1;
	[tilespmem:$0x14450] =	vst v3;
	v3 =	vnsel vm14, $0x2710, v60  }
0x13b: {  	[tilespmem:$0x14460] =	vst v3;
	v3 =	vnsel vm15, $0x2710, v63  }
0x13c: {  	s9 =	sadd.s32 $0x80, s9;
	[tilespmem:$0x14470] =	vst v3  }
.LBB2_14:
0x13d: {  	_ =	sfence.sel $0x180000  }
0x13e: {  	[bflag:$0x0] =	sbarrier.arrive $0xFFFF  }
0x13f: {  	_ =	strace $0x90000047  }
0x140: {  	s0 =	stileid.u32;
	[bflag:$0x2] =	sbarrier.arrive $0xFFFF  }
0x141: {  	p0 =	sne.s32 s0, $0x0;
	s0 =	rddreg [dreg:$0x3]  }
0x142: {  	s0 =	sadd.s32 @!p0 $0x100000, s0  }
0x143: {  	[sflag:s0] =	ssyncadd.tile.s32 @!p0 $0x1;
	_ =	shalt  }
.Lfunc_end2:
_tile_overlayer_lowered:
.L_overlay_start_2:
0x144: {  	(tag) =	ssettag $0x2  }
0x145: {  	s0 =	rddreg [dreg:$0x0];
	s2 =	stileid.u32  }
0x146: {  	s1 =	rddreg [dreg:$0x1];
	p0 =	sne.s32 s2, $0x0  }
0x147: {  	s3 =	rddreg [dreg:$0x2];
	[bflag:$0x3] =	sbarrier.arrive $0xFFFF;
	s2 =	simm.s32 @!p0 $0x1C03  }
0x148: {  	[timem:s3], [sflag:s2] =	dma.local @!p0 [hbm:s0], s1  }
0x149: {  	s0 =	simm.s32 @!p0 $0x3  }
0x14a: {  	_ =	swait.ge @!p0 [sflag:s0], s1  }
0x14b: {  	s1 =	ssub.s32 @!p0 $0x0, s1;
	[sflag:s0] =	ssyncset.done @!p0 $0x0  }
0x14c: {  	[sflag:s0] =	ssyncadd.s32 @!p0 s1  }
0x14d: {  	[bflag:$0x3] =	sbarrier.arrive $0xFFFF  }
0x14e: {  	_ =	shalt  }

</sc_bundles>
